<compile_context>
chip_gen: v7x
topology: tpu7x:2x2x1
jax: 0.10.2.dev20260603
libtpu: 0.0.44.dev20260713+nightly
codegen_flags: <defaults>
</compile_context>

<pallas_src>
import functools

import jax
import jax.numpy as jnp
from jax import lax
from jax.experimental import pallas as pl
from jax.experimental.pallas import tpu as pltpu
from jax.experimental.pallas import tpu_sc as plsc

_N = 10000
_NACC = 10240
_RPT = 640
_STEP = 128
_NSTEP = 80
_NW = 32
_NBUF = 4
_EPAD = _NW * _NSTEP * _STEP


def _sc_mesh():
    return plsc.VectorSubcoreMesh(core_axis_name="c", subcore_axis_name="s")


def _make_scatter(F):
    two_d = F > 1
    gshape = (_NACC, F) if two_d else (_NACC,)
    bufshape = (_STEP, F) if two_d else (_STEP,)

    @functools.partial(
        pl.kernel,
        out_type=jax.ShapeDtypeStruct((2,) + gshape, jnp.float32),
        mesh=_sc_mesh(),
        compiler_params=pltpu.CompilerParams(use_tc_tiling_on_sc=False),
        scratch_types=[
            pltpu.VMEM((_NSTEP, _STEP), jnp.int32),
            pltpu.VMEM((_NSTEP, _STEP), jnp.int32),
            [pltpu.VMEM(bufshape, jnp.float32) for _ in range(_NBUF)],
            pltpu.VMEM_SHARED(gshape, jnp.float32),
            [pltpu.SemaphoreType.DMA for _ in range(_NBUF)],
        ],
    )
    def scat(g_hbm, row_hbm, col_hbm, out_hbm,
             row_v, col_v, bufs, acc_sh, sems):
        c = lax.axis_index("c")
        s = lax.axis_index("s")
        wid = s * 2 + c
        rbase = s * _RPT

        if two_d:
            pltpu.sync_copy(g_hbm.at[pl.ds(rbase, _RPT), :],
                            acc_sh.at[pl.ds(rbase, _RPT), :])
        else:
            pltpu.sync_copy(g_hbm.at[pl.ds(rbase, _RPT)],
                            acc_sh.at[pl.ds(rbase, _RPT)])
        pltpu.sync_copy(row_hbm.at[wid], row_v)
        pltpu.sync_copy(col_hbm.at[wid], col_v)
        plsc.subcore_barrier()

        def gat(j, b):
            return pltpu.make_async_copy(g_hbm.at[row_v.at[j]], bufs[b], sems[b])

        for b in range(_NBUF):
            gat(b, b).start()

        def body(k, carry):
            for b in range(_NBUF):
                j = _NBUF * k + b
                gat(j, b).wait()
                pltpu.sync_copy(bufs[b], acc_sh.at[col_v.at[j]], add=True)

                @pl.when(j + _NBUF < _NSTEP)
                def _():
                    gat(j + _NBUF, b).start()

            return carry

        lax.fori_loop(0, _NSTEP // _NBUF, body, 0)
        plsc.subcore_barrier()

        if two_d:
            pltpu.sync_copy(acc_sh.at[pl.ds(rbase, _RPT), :],
                            out_hbm.at[c, pl.ds(rbase, _RPT), :])
        else:
            pltpu.sync_copy(acc_sh.at[pl.ds(rbase, _RPT)],
                            out_hbm.at[c, pl.ds(rbase, _RPT)])

    return scat


_scat64 = _make_scatter(64)
_scat32 = _make_scatter(32)
_scat1 = _make_scatter(1)


@functools.partial(
    pl.kernel,
    out_type=jax.ShapeDtypeStruct((2, _NACC), jnp.float32),
    mesh=_sc_mesh(),
    scratch_types=[
        pltpu.VMEM((_NSTEP, _STEP), jnp.int32),
        pltpu.VMEM((_STEP,), jnp.float32),
        pltpu.VMEM((_RPT,), jnp.float32),
        pltpu.VMEM_SHARED((_NACC,), jnp.float32),
    ],
)
def _deg_kernel(col_hbm, out_hbm, col_v, ones_v, stage, acc_sh):
    c = lax.axis_index("c")
    s = lax.axis_index("s")
    wid = s * 2 + c
    rbase = s * _RPT

    pltpu.sync_copy(col_hbm.at[wid], col_v)
    for i in range(_STEP // 16):
        ones_v[pl.ds(i * 16, 16)] = jnp.ones((16,), jnp.float32)
    for i in range(_RPT // 16):
        stage[pl.ds(i * 16, 16)] = jnp.zeros((16,), jnp.float32)
    pltpu.sync_copy(stage, acc_sh.at[pl.ds(rbase, _RPT)])
    plsc.subcore_barrier()

    def body(j, carry):
        pltpu.sync_copy(ones_v, acc_sh.at[col_v.at[j]], add=True)
        return carry

    lax.fori_loop(0, _NSTEP, body, 0)
    plsc.subcore_barrier()

    pltpu.sync_copy(acc_sh.at[pl.ds(rbase, _RPT)], stage)
    pltpu.sync_copy(stage, out_hbm.at[c, pl.ds(rbase, _RPT)])


def _tc1(dp3, x, W1):
    def body(dp_ref, x_ref, w_ref, g_ref, dinv_ref):
        dp = dp_ref[...]
        deg = dp[0, :_N] + dp[1, :_N] + 1.0
        dinv = 1.0 / jnp.sqrt(deg)
        h = x_ref[...] @ w_ref[...]
        g_ref[pl.ds(0, _N), :] = dinv * h
        g_ref[pl.ds(_N, _NACC - _N), :] = jnp.zeros((_NACC - _N, w_ref.shape[1]),
                                                    jnp.float32)
        dinv_ref[...] = dinv

    return pl.pallas_call(
        body,
        out_shape=[
            jax.ShapeDtypeStruct((_NACC, W1.shape[1]), jnp.float32),
            jax.ShapeDtypeStruct((_N, 1), jnp.float32),
        ],
    )(dp3, x, W1)


def _tc_mid(sp, g, dinv, b_row, W_next):
    def body(sp_ref, g_ref, dinv_ref, b_ref, w_ref, o_ref):
        sp_ = sp_ref[...]
        g_ = g_ref[pl.ds(0, _N), :]
        dinv = dinv_ref[...]
        h = sp_[0, :_N] + sp_[1, :_N] - g_
        h = jnp.maximum(dinv * h + b_ref[...], 0.0)
        g_next = dinv * (h @ w_ref[...])
        o_ref[pl.ds(0, _N), :] = g_next
        o_ref[pl.ds(_N, _NACC - _N), :] = jnp.zeros((_NACC - _N, w_ref.shape[1]),
                                                    jnp.float32)

    return pl.pallas_call(
        body,
        out_shape=jax.ShapeDtypeStruct((_NACC, W_next.shape[1]), jnp.float32),
    )(sp, g, dinv, b_row, W_next)


def _tc3(sp, g, dinv, b_row, w3_col):
    def body(sp_ref, g_ref, dinv_ref, b_ref, w_ref, o_ref):
        sp_ = sp_ref[...]
        g_ = g_ref[pl.ds(0, _N), :]
        dinv = dinv_ref[...]
        h = sp_[0, :_N] + sp_[1, :_N] - g_
        h = jnp.maximum(dinv * h + b_ref[...], 0.0)
        hw = h @ w_ref[...]
        o_ref[pl.ds(0, _N), :] = dinv * hw
        o_ref[pl.ds(_N, _NACC - _N), :] = jnp.zeros((_NACC - _N, 1), jnp.float32)

    return pl.pallas_call(
        body,
        out_shape=jax.ShapeDtypeStruct((_NACC, 1), jnp.float32),
    )(sp, g, dinv, b_row, w3_col)


def _tc4(sp3, g3, dinv, b3_sc):
    def body(sp_ref, g_ref, dinv_ref, b_ref, o_ref):
        sp_ = sp_ref[...]
        s = sp_[0, :_N] + sp_[1, :_N] - g_ref[pl.ds(0, _N), :]
        o_ref[...] = dinv_ref[...] * s + b_ref[...]

    return pl.pallas_call(
        body,
        out_shape=jax.ShapeDtypeStruct((_N, 1), jnp.float32),
    )(sp3, g3, dinv, b3_sc)


def kernel(x, edge_index, W1, b1, W2, b2, W3, b3):
    row = edge_index[0].astype(jnp.int32)
    col = edge_index[1].astype(jnp.int32)
    e = row.shape[0]
    pad = (jnp.arange(_EPAD - e, dtype=jnp.int32) % (_NACC - _N)) + _N
    rowp = jnp.concatenate([row, pad]).reshape(_NW, _NSTEP, _STEP)
    colp = jnp.concatenate([col, pad]).reshape(_NW, _NSTEP, _STEP)

    degp = _deg_kernel(colp)
    g1, dinv = _tc1(degp.reshape(2, _NACC, 1), x, W1)
    s1 = _scat64(g1, rowp, colp)
    g2 = _tc_mid(s1, g1, dinv, b1.reshape(1, -1), W2)
    s2 = _scat32(g2, rowp, colp)
    g3 = _tc3(s2, g2, dinv, b2.reshape(1, -1), W3)
    s3 = _scat1(g3.reshape(_NACC), rowp, colp)
    out = _tc4(s3.reshape(2, _NACC, 1), g3, dinv, b3.reshape(1, 1))
    return out.reshape(-1)

# --- scband reference (transcript-rebuilt; emitter-appended) ---
"""Pipeline reference for scband-gcn3-regressor-35021163332023 (READ-ONLY COPY).

The authoritative reference and input builder live on the scoring server;
editing this copy changes nothing except your own understanding.
"""

import jax, jax.numpy as jnp
import numpy as np

N = 10000
E = 320000
D = 128
H1 = 64
H2 = 32


def gcn_norm(edge_index, num_nodes):
    # symmetric normalization with self-loops, as in PyG GCNConv(normalize=True)
    row = edge_index[0]
    col = edge_index[1]
    loop = jnp.arange(num_nodes, dtype=row.dtype)
    row = jnp.concatenate([row, loop])
    col = jnp.concatenate([col, loop])
    w = jnp.ones(row.shape[0], dtype=jnp.float32)
    deg = jnp.zeros(num_nodes, dtype=jnp.float32).at[col].add(w)
    deg_inv_sqrt = jnp.where(deg > 0, 1.0 / jnp.sqrt(deg), 0.0)
    norm = deg_inv_sqrt[row] * w * deg_inv_sqrt[col]
    return row, col, norm


def setup_inputs(seed: int = 0):
    key = jax.random.key(seed)
    ks = jax.random.split(key, 9)
    x = jax.random.normal(ks[0], (N, D), dtype=jnp.float32)
    edge_index = jax.random.randint(ks[1], (2, E), 0, N)
    W1 = jax.random.normal(ks[2], (D, H1), dtype=jnp.float32) * (1.0 / np.sqrt(D))
    b1 = jnp.zeros((H1,), dtype=jnp.float32)
    W2 = jax.random.normal(ks[3], (H1, H2), dtype=jnp.float32) * (1.0 / np.sqrt(H1))
    b2 = jnp.zeros((H2,), dtype=jnp.float32)
    W3 = jax.random.normal(ks[4], (H2, 1), dtype=jnp.float32) * (1.0 / np.sqrt(H2))
    b3 = jnp.zeros((1,), dtype=jnp.float32)
    return {"x": x, "edge_index": edge_index, "W1": W1, "b1": b1, "W2": W2, "b2": b2, "W3": W3, "b3": b3}


def reference(x, edge_index, W1, b1, W2, b2, W3, b3):
    n = x.shape[0]
    row, col, norm = gcn_norm(edge_index, n)

    def conv(h, W, b):
        h = h @ W
        out = jnp.zeros((n, W.shape[1]), dtype=h.dtype).at[col].add(norm[:, None] * h[row])
        return out + b

    h = jax.nn.relu(conv(x, W1, b1))
    # dropout p=0.2 is identity in eval mode
    h = jax.nn.relu(conv(h, W2, b2))
    # dropout p=0.4 is identity in eval mode
    h = conv(h, W3, b3)
    return h.reshape(-1)

if __name__ == "__main__":
    import jax
    _d = setup_inputs()
    print(jax.jit(kernel)(*tuple(_d.values())))

</pallas_src>

<mosaic_0001>
#map = affine_map<(d0, d1) -> (0, 0, 0)>
#map1 = affine_map<(d0, d1) -> (0, 0)>
module attributes {stable_mosaic.version = 14 : i64} {
  func.func @_deg_kernel(%arg0: i32, %arg1: i32, %arg2: memref<32x80x128xi32, #tpu.memory_space<hbm>>, %arg3: memref<2x10240xf32, #tpu.memory_space<hbm>>, %arg4: memref<80x128xi32, #tpu.memory_space<vmem>>, %arg5: memref<128xf32, #tpu.memory_space<vmem>>, %arg6: memref<640xf32, #tpu.memory_space<vmem>>, %arg7: memref<10240xf32, #tpu.memory_space<vmem_shared>>) attributes {dimension_semantics = [#tpu.dimension_semantics<core_parallel>, #tpu.dimension_semantics<subcore_parallel>], iteration_bounds = array<i64: 2, 16>, scalar_prefetch = 0 : i64, scratch_operands = 4 : i64, tpu.core_type = #tpu.core_type<sc_vector_subcore>, window_params = [{transform_indices = #map}, {transform_indices = #map1}]} {
    %mul3A = arith.constant 2 : i32
    %mul3A_0 = arith.muli %arg1, %mul3A : i32
    %add3A = arith.addi %mul3A_0, %arg0 : i32
    %mul3A_1 = arith.constant 640 : i32
    %mul3A_2 = arith.muli %arg1, %mul3A_1 : i32
    "tpu.region"() ({
      %run_scoped3A = tpu.sem_alloc : memref<!tpu.dma_semaphore, #tpu.memory_space<semaphore_mem>>
      %dma_start3A = arith.constant 0 : i32
      %dma_start3A_295 = arith.constant 0 : i32
      %dma_start3A_296 = tpu.memref_slice %arg2[%add3A, %dma_start3A, %dma_start3A_295] : memref<32x80x128xi32, #tpu.memory_space<hbm>> -> memref<1x80x128xi32, #tpu.memory_space<hbm>>
      %dma_start3A_297 = tpu.memref_squeeze %dma_start3A_296 : memref<1x80x128xi32, #tpu.memory_space<hbm>> -> memref<80x128xi32, #tpu.memory_space<hbm>>
      %dma_start3A_298 = arith.constant 0 : i32
      %dma_start3A_299 = arith.constant 0 : i32
      %dma_start3A_300 = tpu.memref_slice %arg2[%add3A, %dma_start3A_298, %dma_start3A_299] : memref<32x80x128xi32, #tpu.memory_space<hbm>> -> memref<1x80x128xi32, #tpu.memory_space<hbm>>
      %dma_start3A_301 = tpu.memref_squeeze %dma_start3A_300 : memref<1x80x128xi32, #tpu.memory_space<hbm>> -> memref<80x128xi32, #tpu.memory_space<hbm>>
      tpu.enqueue_dma source(%dma_start3A_301 : memref<80x128xi32, #tpu.memory_space<hbm>>) target(%arg4 : memref<80x128xi32, #tpu.memory_space<vmem>>) target_semaphore(%run_scoped3A : memref<!tpu.dma_semaphore, #tpu.memory_space<semaphore_mem>>)
      %dma_wait3A = arith.constant 0 : i32
      %dma_wait3A_302 = arith.constant 0 : i32
      %dma_wait3A_303 = tpu.memref_slice %arg2[%add3A, %dma_wait3A, %dma_wait3A_302] : memref<32x80x128xi32, #tpu.memory_space<hbm>> -> memref<1x80x128xi32, #tpu.memory_space<hbm>>
      %dma_wait3A_304 = tpu.memref_squeeze %dma_wait3A_303 : memref<1x80x128xi32, #tpu.memory_space<hbm>> -> memref<80x128xi32, #tpu.memory_space<hbm>>
      %dma_wait3A_305 = arith.constant 0 : i32
      %dma_wait3A_306 = arith.constant 0 : i32
      %dma_wait3A_307 = tpu.memref_slice %arg2[%add3A, %dma_wait3A_305, %dma_wait3A_306] : memref<32x80x128xi32, #tpu.memory_space<hbm>> -> memref<1x80x128xi32, #tpu.memory_space<hbm>>
      %dma_wait3A_308 = tpu.memref_squeeze %dma_wait3A_307 : memref<1x80x128xi32, #tpu.memory_space<hbm>> -> memref<80x128xi32, #tpu.memory_space<hbm>>
      tpu.wait_dma2 semaphore(%run_scoped3A : memref<!tpu.dma_semaphore, #tpu.memory_space<semaphore_mem>>) src(%dma_wait3A_308 : memref<80x128xi32, #tpu.memory_space<hbm>>) dst(%arg4 : memref<80x128xi32, #tpu.memory_space<vmem>>)
      tpu.yield
    }) : () -> ()
    %broadcast_in_dim3A = arith.constant 1.000000e+00 : f32
    %broadcast_in_dim3A_3 = vector.broadcast %broadcast_in_dim3A : f32 to vector<16xf32>
    %swap3A = arith.constant 0 : index
    %swap3A_4 = tpu.vector_load %arg5[%swap3A] {strides = array<i32>} : memref<128xf32, #tpu.memory_space<vmem>>, vector<16xf32>,
    %swap3A_5 = vector.shape_cast %swap3A_4 : vector<16xf32> to vector<16xf32>
    %swap3A_6 = vector.shape_cast %broadcast_in_dim3A_3 : vector<16xf32> to vector<16xf32>
    tpu.vector_store %arg5[%swap3A], %swap3A_6 {strides = array<i32>} : memref<128xf32, #tpu.memory_space<vmem>>, vector<16xf32>,
    %broadcast_in_dim3A_7 = arith.constant 1.000000e+00 : f32
    %broadcast_in_dim3A_8 = vector.broadcast %broadcast_in_dim3A_7 : f32 to vector<16xf32>
    %swap3A_9 = arith.constant 16 : index
    %swap3A_10 = tpu.vector_load %arg5[%swap3A_9] {strides = array<i32>} : memref<128xf32, #tpu.memory_space<vmem>>, vector<16xf32>,
    %swap3A_11 = vector.shape_cast %swap3A_10 : vector<16xf32> to vector<16xf32>
    %swap3A_12 = vector.shape_cast %broadcast_in_dim3A_8 : vector<16xf32> to vector<16xf32>
    tpu.vector_store %arg5[%swap3A_9], %swap3A_12 {strides = array<i32>} : memref<128xf32, #tpu.memory_space<vmem>>, vector<16xf32>,
    %broadcast_in_dim3A_13 = arith.constant 1.000000e+00 : f32
    %broadcast_in_dim3A_14 = vector.broadcast %broadcast_in_dim3A_13 : f32 to vector<16xf32>
    %swap3A_15 = arith.constant 32 : index
    %swap3A_16 = tpu.vector_load %arg5[%swap3A_15] {strides = array<i32>} : memref<128xf32, #tpu.memory_space<vmem>>, vector<16xf32>,
    %swap3A_17 = vector.shape_cast %swap3A_16 : vector<16xf32> to vector<16xf32>
    %swap3A_18 = vector.shape_cast %broadcast_in_dim3A_14 : vector<16xf32> to vector<16xf32>
    tpu.vector_store %arg5[%swap3A_15], %swap3A_18 {strides = array<i32>} : memref<128xf32, #tpu.memory_space<vmem>>, vector<16xf32>,
    %broadcast_in_dim3A_19 = arith.constant 1.000000e+00 : f32
    %broadcast_in_dim3A_20 = vector.broadcast %broadcast_in_dim3A_19 : f32 to vector<16xf32>
    %swap3A_21 = arith.constant 48 : index
    %swap3A_22 = tpu.vector_load %arg5[%swap3A_21] {strides = array<i32>} : memref<128xf32, #tpu.memory_space<vmem>>, vector<16xf32>,
    %swap3A_23 = vector.shape_cast %swap3A_22 : vector<16xf32> to vector<16xf32>
    %swap3A_24 = vector.shape_cast %broadcast_in_dim3A_20 : vector<16xf32> to vector<16xf32>
    tpu.vector_store %arg5[%swap3A_21], %swap3A_24 {strides = array<i32>} : memref<128xf32, #tpu.memory_space<vmem>>, vector<16xf32>,
    %broadcast_in_dim3A_25 = arith.constant 1.000000e+00 : f32
    %broadcast_in_dim3A_26 = vector.broadcast %broadcast_in_dim3A_25 : f32 to vector<16xf32>
    %swap3A_27 = arith.constant 64 : index
    %swap3A_28 = tpu.vector_load %arg5[%swap3A_27] {strides = array<i32>} : memref<128xf32, #tpu.memory_space<vmem>>, vector<16xf32>,
    %swap3A_29 = vector.shape_cast %swap3A_28 : vector<16xf32> to vector<16xf32>
    %swap3A_30 = vector.shape_cast %broadcast_in_dim3A_26 : vector<16xf32> to vector<16xf32>
    tpu.vector_store %arg5[%swap3A_27], %swap3A_30 {strides = array<i32>} : memref<128xf32, #tpu.memory_space<vmem>>, vector<16xf32>,
    %broadcast_in_dim3A_31 = arith.constant 1.000000e+00 : f32
    %broadcast_in_dim3A_32 = vector.broadcast %broadcast_in_dim3A_31 : f32 to vector<16xf32>
    %swap3A_33 = arith.constant 80 : index
    %swap3A_34 = tpu.vector_load %arg5[%swap3A_33] {strides = array<i32>} : memref<128xf32, #tpu.memory_space<vmem>>, vector<16xf32>,
    %swap3A_35 = vector.shape_cast %swap3A_34 : vector<16xf32> to vector<16xf32>
    %swap3A_36 = vector.shape_cast %broadcast_in_dim3A_32 : vector<16xf32> to vector<16xf32>
    tpu.vector_store %arg5[%swap3A_33], %swap3A_36 {strides = array<i32>} : memref<128xf32, #tpu.memory_space<vmem>>, vector<16xf32>,
    %broadcast_in_dim3A_37 = arith.constant 1.000000e+00 : f32
    %broadcast_in_dim3A_38 = vector.broadcast %broadcast_in_dim3A_37 : f32 to vector<16xf32>
    %swap3A_39 = arith.constant 96 : index
    %swap3A_40 = tpu.vector_load %arg5[%swap3A_39] {strides = array<i32>} : memref<128xf32, #tpu.memory_space<vmem>>, vector<16xf32>,
    %swap3A_41 = vector.shape_cast %swap3A_40 : vector<16xf32> to vector<16xf32>
    %swap3A_42 = vector.shape_cast %broadcast_in_dim3A_38 : vector<16xf32> to vector<16xf32>
    tpu.vector_store %arg5[%swap3A_39], %swap3A_42 {strides = array<i32>} : memref<128xf32, #tpu.memory_space<vmem>>, vector<16xf32>,
    %broadcast_in_dim3A_43 = arith.constant 1.000000e+00 : f32
    %broadcast_in_dim3A_44 = vector.broadcast %broadcast_in_dim3A_43 : f32 to vector<16xf32>
    %swap3A_45 = arith.constant 112 : index
    %swap3A_46 = tpu.vector_load %arg5[%swap3A_45] {strides = array<i32>} : memref<128xf32, #tpu.memory_space<vmem>>, vector<16xf32>,
    %swap3A_47 = vector.shape_cast %swap3A_46 : vector<16xf32> to vector<16xf32>
    %swap3A_48 = vector.shape_cast %broadcast_in_dim3A_44 : vector<16xf32> to vector<16xf32>
    tpu.vector_store %arg5[%swap3A_45], %swap3A_48 {strides = array<i32>} : memref<128xf32, #tpu.memory_space<vmem>>, vector<16xf32>,
    %broadcast_in_dim3A_49 = arith.constant 0.000000e+00 : f32
    %broadcast_in_dim3A_50 = vector.broadcast %broadcast_in_dim3A_49 : f32 to vector<16xf32>
    %swap3A_51 = arith.constant 0 : index
    %swap3A_52 = tpu.vector_load %arg6[%swap3A_51] {strides = array<i32>} : memref<640xf32, #tpu.memory_space<vmem>>, vector<16xf32>,
    %swap3A_53 = vector.shape_cast %swap3A_52 : vector<16xf32> to vector<16xf32>
    %swap3A_54 = vector.shape_cast %broadcast_in_dim3A_50 : vector<16xf32> to vector<16xf32>
    tpu.vector_store %arg6[%swap3A_51], %swap3A_54 {strides = array<i32>} : memref<640xf32, #tpu.memory_space<vmem>>, vector<16xf32>,
    %broadcast_in_dim3A_55 = arith.constant 0.000000e+00 : f32
    %broadcast_in_dim3A_56 = vector.broadcast %broadcast_in_dim3A_55 : f32 to vector<16xf32>
    %swap3A_57 = arith.constant 16 : index
    %swap3A_58 = tpu.vector_load %arg6[%swap3A_57] {strides = array<i32>} : memref<640xf32, #tpu.memory_space<vmem>>, vector<16xf32>,
    %swap3A_59 = vector.shape_cast %swap3A_58 : vector<16xf32> to vector<16xf32>
    %swap3A_60 = vector.shape_cast %broadcast_in_dim3A_56 : vector<16xf32> to vector<16xf32>
    tpu.vector_store %arg6[%swap3A_57], %swap3A_60 {strides = array<i32>} : memref<640xf32, #tpu.memory_space<vmem>>, vector<16xf32>,
    %broadcast_in_dim3A_61 = arith.constant 0.000000e+00 : f32
    %broadcast_in_dim3A_62 = vector.broadcast %broadcast_in_dim3A_61 : f32 to vector<16xf32>
    %swap3A_63 = arith.constant 32 : index
    %swap3A_64 = tpu.vector_load %arg6[%swap3A_63] {strides = array<i32>} : memref<640xf32, #tpu.memory_space<vmem>>, vector<16xf32>,
    %swap3A_65 = vector.shape_cast %swap3A_64 : vector<16xf32> to vector<16xf32>
    %swap3A_66 = vector.shape_cast %broadcast_in_dim3A_62 : vector<16xf32> to vector<16xf32>
    tpu.vector_store %arg6[%swap3A_63], %swap3A_66 {strides = array<i32>} : memref<640xf32, #tpu.memory_space<vmem>>, vector<16xf32>,
    %broadcast_in_dim3A_67 = arith.constant 0.000000e+00 : f32
    %broadcast_in_dim3A_68 = vector.broadcast %broadcast_in_dim3A_67 : f32 to vector<16xf32>
    %swap3A_69 = arith.constant 48 : index
    %swap3A_70 = tpu.vector_load %arg6[%swap3A_69] {strides = array<i32>} : memref<640xf32, #tpu.memory_space<vmem>>, vector<16xf32>,
    %swap3A_71 = vector.shape_cast %swap3A_70 : vector<16xf32> to vector<16xf32>
    %swap3A_72 = vector.shape_cast %broadcast_in_dim3A_68 : vector<16xf32> to vector<16xf32>
    tpu.vector_store %arg6[%swap3A_69], %swap3A_72 {strides = array<i32>} : memref<640xf32, #tpu.memory_space<vmem>>, vector<16xf32>,
    %broadcast_in_dim3A_73 = arith.constant 0.000000e+00 : f32
    %broadcast_in_dim3A_74 = vector.broadcast %broadcast_in_dim3A_73 : f32 to vector<16xf32>
    %swap3A_75 = arith.constant 64 : index
    %swap3A_76 = tpu.vector_load %arg6[%swap3A_75] {strides = array<i32>} : memref<640xf32, #tpu.memory_space<vmem>>, vector<16xf32>,
    %swap3A_77 = vector.shape_cast %swap3A_76 : vector<16xf32> to vector<16xf32>
    %swap3A_78 = vector.shape_cast %broadcast_in_dim3A_74 : vector<16xf32> to vector<16xf32>
    tpu.vector_store %arg6[%swap3A_75], %swap3A_78 {strides = array<i32>} : memref<640xf32, #tpu.memory_space<vmem>>, vector<16xf32>,
    %broadcast_in_dim3A_79 = arith.constant 0.000000e+00 : f32
    %broadcast_in_dim3A_80 = vector.broadcast %broadcast_in_dim3A_79 : f32 to vector<16xf32>
    %swap3A_81 = arith.constant 80 : index
    %swap3A_82 = tpu.vector_load %arg6[%swap3A_81] {strides = array<i32>} : memref<640xf32, #tpu.memory_space<vmem>>, vector<16xf32>,
    %swap3A_83 = vector.shape_cast %swap3A_82 : vector<16xf32> to vector<16xf32>
    %swap3A_84 = vector.shape_cast %broadcast_in_dim3A_80 : vector<16xf32> to vector<16xf32>
    tpu.vector_store %arg6[%swap3A_81], %swap3A_84 {strides = array<i32>} : memref<640xf32, #tpu.memory_space<vmem>>, vector<16xf32>,
    %broadcast_in_dim3A_85 = arith.constant 0.000000e+00 : f32
    %broadcast_in_dim3A_86 = vector.broadcast %broadcast_in_dim3A_85 : f32 to vector<16xf32>
    %swap3A_87 = arith.constant 96 : index
    %swap3A_88 = tpu.vector_load %arg6[%swap3A_87] {strides = array<i32>} : memref<640xf32, #tpu.memory_space<vmem>>, vector<16xf32>,
    %swap3A_89 = vector.shape_cast %swap3A_88 : vector<16xf32> to vector<16xf32>
    %swap3A_90 = vector.shape_cast %broadcast_in_dim3A_86 : vector<16xf32> to vector<16xf32>
    tpu.vector_store %arg6[%swap3A_87], %swap3A_90 {strides = array<i32>} : memref<640xf32, #tpu.memory_space<vmem>>, vector<16xf32>,
    %broadcast_in_dim3A_91 = arith.constant 0.000000e+00 : f32
    %broadcast_in_dim3A_92 = vector.broadcast %broadcast_in_dim3A_91 : f32 to vector<16xf32>
    %swap3A_93 = arith.constant 112 : index
    %swap3A_94 = tpu.vector_load %arg6[%swap3A_93] {strides = array<i32>} : memref<640xf32, #tpu.memory_space<vmem>>, vector<16xf32>,
    %swap3A_95 = vector.shape_cast %swap3A_94 : vector<16xf32> to vector<16xf32>
    %swap3A_96 = vector.shape_cast %broadcast_in_dim3A_92 : vector<16xf32> to vector<16xf32>
    tpu.vector_store %arg6[%swap3A_93], %swap3A_96 {strides = array<i32>} : memref<640xf32, #tpu.memory_space<vmem>>, vector<16xf32>,
    %broadcast_in_dim3A_97 = arith.constant 0.000000e+00 : f32
    %broadcast_in_dim3A_98 = vector.broadcast %broadcast_in_dim3A_97 : f32 to vector<16xf32>
    %swap3A_99 = arith.constant 128 : index
    %swap3A_100 = tpu.vector_load %arg6[%swap3A_99] {strides = array<i32>} : memref<640xf32, #tpu.memory_space<vmem>>, vector<16xf32>,
    %swap3A_101 = vector.shape_cast %swap3A_100 : vector<16xf32> to vector<16xf32>
    %swap3A_102 = vector.shape_cast %broadcast_in_dim3A_98 : vector<16xf32> to vector<16xf32>
    tpu.vector_store %arg6[%swap3A_99], %swap3A_102 {strides = array<i32>} : memref<640xf32, #tpu.memory_space<vmem>>, vector<16xf32>,
    %broadcast_in_dim3A_103 = arith.constant 0.000000e+00 : f32
    %broadcast_in_dim3A_104 = vector.broadcast %broadcast_in_dim3A_103 : f32 to vector<16xf32>
    %swap3A_105 = arith.constant 144 : index
    %swap3A_106 = tpu.vector_load %arg6[%swap3A_105] {strides = array<i32>} : memref<640xf32, #tpu.memory_space<vmem>>, vector<16xf32>,
    %swap3A_107 = vector.shape_cast %swap3A_106 : vector<16xf32> to vector<16xf32>
    %swap3A_108 = vector.shape_cast %broadcast_in_dim3A_104 : vector<16xf32> to vector<16xf32>
    tpu.vector_store %arg6[%swap3A_105], %swap3A_108 {strides = array<i32>} : memref<640xf32, #tpu.memory_space<vmem>>, vector<16xf32>,
    %broadcast_in_dim3A_109 = arith.constant 0.000000e+00 : f32
    %broadcast_in_dim3A_110 = vector.broadcast %broadcast_in_dim3A_109 : f32 to vector<16xf32>
    %swap3A_111 = arith.constant 160 : index
    %swap3A_112 = tpu.vector_load %arg6[%swap3A_111] {strides = array<i32>} : memref<640xf32, #tpu.memory_space<vmem>>, vector<16xf32>,
    %swap3A_113 = vector.shape_cast %swap3A_112 : vector<16xf32> to vector<16xf32>
    %swap3A_114 = vector.shape_cast %broadcast_in_dim3A_110 : vector<16xf32> to vector<16xf32>
    tpu.vector_store %arg6[%swap3A_111], %swap3A_114 {strides = array<i32>} : memref<640xf32, #tpu.memory_space<vmem>>, vector<16xf32>,
    %broadcast_in_dim3A_115 = arith.constant 0.000000e+00 : f32
    %broadcast_in_dim3A_116 = vector.broadcast %broadcast_in_dim3A_115 : f32 to vector<16xf32>
    %swap3A_117 = arith.constant 176 : index
    %swap3A_118 = tpu.vector_load %arg6[%swap3A_117] {strides = array<i32>} : memref<640xf32, #tpu.memory_space<vmem>>, vector<16xf32>,
    %swap3A_119 = vector.shape_cast %swap3A_118 : vector<16xf32> to vector<16xf32>
    %swap3A_120 = vector.shape_cast %broadcast_in_dim3A_116 : vector<16xf32> to vector<16xf32>
    tpu.vector_store %arg6[%swap3A_117], %swap3A_120 {strides = array<i32>} : memref<640xf32, #tpu.memory_space<vmem>>, vector<16xf32>,
    %broadcast_in_dim3A_121 = arith.constant 0.000000e+00 : f32
    %broadcast_in_dim3A_122 = vector.broadcast %broadcast_in_dim3A_121 : f32 to vector<16xf32>
    %swap3A_123 = arith.constant 192 : index
    %swap3A_124 = tpu.vector_load %arg6[%swap3A_123] {strides = array<i32>} : memref<640xf32, #tpu.memory_space<vmem>>, vector<16xf32>,
    %swap3A_125 = vector.shape_cast %swap3A_124 : vector<16xf32> to vector<16xf32>
    %swap3A_126 = vector.shape_cast %broadcast_in_dim3A_122 : vector<16xf32> to vector<16xf32>
    tpu.vector_store %arg6[%swap3A_123], %swap3A_126 {strides = array<i32>} : memref<640xf32, #tpu.memory_space<vmem>>, vector<16xf32>,
    %broadcast_in_dim3A_127 = arith.constant 0.000000e+00 : f32
    %broadcast_in_dim3A_128 = vector.broadcast %broadcast_in_dim3A_127 : f32 to vector<16xf32>
    %swap3A_129 = arith.constant 208 : index
    %swap3A_130 = tpu.vector_load %arg6[%swap3A_129] {strides = array<i32>} : memref<640xf32, #tpu.memory_space<vmem>>, vector<16xf32>,
    %swap3A_131 = vector.shape_cast %swap3A_130 : vector<16xf32> to vector<16xf32>
    %swap3A_132 = vector.shape_cast %broadcast_in_dim3A_128 : vector<16xf32> to vector<16xf32>
    tpu.vector_store %arg6[%swap3A_129], %swap3A_132 {strides = array<i32>} : memref<640xf32, #tpu.memory_space<vmem>>, vector<16xf32>,
    %broadcast_in_dim3A_133 = arith.constant 0.000000e+00 : f32
    %broadcast_in_dim3A_134 = vector.broadcast %broadcast_in_dim3A_133 : f32 to vector<16xf32>
    %swap3A_135 = arith.constant 224 : index
    %swap3A_136 = tpu.vector_load %arg6[%swap3A_135] {strides = array<i32>} : memref<640xf32, #tpu.memory_space<vmem>>, vector<16xf32>,
    %swap3A_137 = vector.shape_cast %swap3A_136 : vector<16xf32> to vector<16xf32>
    %swap3A_138 = vector.shape_cast %broadcast_in_dim3A_134 : vector<16xf32> to vector<16xf32>
    tpu.vector_store %arg6[%swap3A_135], %swap3A_138 {strides = array<i32>} : memref<640xf32, #tpu.memory_space<vmem>>, vector<16xf32>,
    %broadcast_in_dim3A_139 = arith.constant 0.000000e+00 : f32
    %broadcast_in_dim3A_140 = vector.broadcast %broadcast_in_dim3A_139 : f32 to vector<16xf32>
    %swap3A_141 = arith.constant 240 : index
    %swap3A_142 = tpu.vector_load %arg6[%swap3A_141] {strides = array<i32>} : memref<640xf32, #tpu.memory_space<vmem>>, vector<16xf32>,
    %swap3A_143 = vector.shape_cast %swap3A_142 : vector<16xf32> to vector<16xf32>
    %swap3A_144 = vector.shape_cast %broadcast_in_dim3A_140 : vector<16xf32> to vector<16xf32>
    tpu.vector_store %arg6[%swap3A_141], %swap3A_144 {strides = array<i32>} : memref<640xf32, #tpu.memory_space<vmem>>, vector<16xf32>,
    %broadcast_in_dim3A_145 = arith.constant 0.000000e+00 : f32
    %broadcast_in_dim3A_146 = vector.broadcast %broadcast_in_dim3A_145 : f32 to vector<16xf32>
    %swap3A_147 = arith.constant 256 : index
    %swap3A_148 = tpu.vector_load %arg6[%swap3A_147] {strides = array<i32>} : memref<640xf32, #tpu.memory_space<vmem>>, vector<16xf32>,
    %swap3A_149 = vector.shape_cast %swap3A_148 : vector<16xf32> to vector<16xf32>
    %swap3A_150 = vector.shape_cast %broadcast_in_dim3A_146 : vector<16xf32> to vector<16xf32>
    tpu.vector_store %arg6[%swap3A_147], %swap3A_150 {strides = array<i32>} : memref<640xf32, #tpu.memory_space<vmem>>, vector<16xf32>,
    %broadcast_in_dim3A_151 = arith.constant 0.000000e+00 : f32
    %broadcast_in_dim3A_152 = vector.broadcast %broadcast_in_dim3A_151 : f32 to vector<16xf32>
    %swap3A_153 = arith.constant 272 : index
    %swap3A_154 = tpu.vector_load %arg6[%swap3A_153] {strides = array<i32>} : memref<640xf32, #tpu.memory_space<vmem>>, vector<16xf32>,
    %swap3A_155 = vector.shape_cast %swap3A_154 : vector<16xf32> to vector<16xf32>
    %swap3A_156 = vector.shape_cast %broadcast_in_dim3A_152 : vector<16xf32> to vector<16xf32>
    tpu.vector_store %arg6[%swap3A_153], %swap3A_156 {strides = array<i32>} : memref<640xf32, #tpu.memory_space<vmem>>, vector<16xf32>,
    %broadcast_in_dim3A_157 = arith.constant 0.000000e+00 : f32
    %broadcast_in_dim3A_158 = vector.broadcast %broadcast_in_dim3A_157 : f32 to vector<16xf32>
    %swap3A_159 = arith.constant 288 : index
    %swap3A_160 = tpu.vector_load %arg6[%swap3A_159] {strides = array<i32>} : memref<640xf32, #tpu.memory_space<vmem>>, vector<16xf32>,
    %swap3A_161 = vector.shape_cast %swap3A_160 : vector<16xf32> to vector<16xf32>
    %swap3A_162 = vector.shape_cast %broadcast_in_dim3A_158 : vector<16xf32> to vector<16xf32>
    tpu.vector_store %arg6[%swap3A_159], %swap3A_162 {strides = array<i32>} : memref<640xf32, #tpu.memory_space<vmem>>, vector<16xf32>,
    %broadcast_in_dim3A_163 = arith.constant 0.000000e+00 : f32
    %broadcast_in_dim3A_164 = vector.broadcast %broadcast_in_dim3A_163 : f32 to vector<16xf32>
    %swap3A_165 = arith.constant 304 : index
    %swap3A_166 = tpu.vector_load %arg6[%swap3A_165] {strides = array<i32>} : memref<640xf32, #tpu.memory_space<vmem>>, vector<16xf32>,
    %swap3A_167 = vector.shape_cast %swap3A_166 : vector<16xf32> to vector<16xf32>
    %swap3A_168 = vector.shape_cast %broadcast_in_dim3A_164 : vector<16xf32> to vector<16xf32>
    tpu.vector_store %arg6[%swap3A_165], %swap3A_168 {strides = array<i32>} : memref<640xf32, #tpu.memory_space<vmem>>, vector<16xf32>,
    %broadcast_in_dim3A_169 = arith.constant 0.000000e+00 : f32
    %broadcast_in_dim3A_170 = vector.broadcast %broadcast_in_dim3A_169 : f32 to vector<16xf32>
    %swap3A_171 = arith.constant 320 : index
    %swap3A_172 = tpu.vector_load %arg6[%swap3A_171] {strides = array<i32>} : memref<640xf32, #tpu.memory_space<vmem>>, vector<16xf32>,
    %swap3A_173 = vector.shape_cast %swap3A_172 : vector<16xf32> to vector<16xf32>
    %swap3A_174 = vector.shape_cast %broadcast_in_dim3A_170 : vector<16xf32> to vector<16xf32>
    tpu.vector_store %arg6[%swap3A_171], %swap3A_174 {strides = array<i32>} : memref<640xf32, #tpu.memory_space<vmem>>, vector<16xf32>,
    %broadcast_in_dim3A_175 = arith.constant 0.000000e+00 : f32
    %broadcast_in_dim3A_176 = vector.broadcast %broadcast_in_dim3A_175 : f32 to vector<16xf32>
    %swap3A_177 = arith.constant 336 : index
    %swap3A_178 = tpu.vector_load %arg6[%swap3A_177] {strides = array<i32>} : memref<640xf32, #tpu.memory_space<vmem>>, vector<16xf32>,
    %swap3A_179 = vector.shape_cast %swap3A_178 : vector<16xf32> to vector<16xf32>
    %swap3A_180 = vector.shape_cast %broadcast_in_dim3A_176 : vector<16xf32> to vector<16xf32>
    tpu.vector_store %arg6[%swap3A_177], %swap3A_180 {strides = array<i32>} : memref<640xf32, #tpu.memory_space<vmem>>, vector<16xf32>,
    %broadcast_in_dim3A_181 = arith.constant 0.000000e+00 : f32
    %broadcast_in_dim3A_182 = vector.broadcast %broadcast_in_dim3A_181 : f32 to vector<16xf32>
    %swap3A_183 = arith.constant 352 : index
    %swap3A_184 = tpu.vector_load %arg6[%swap3A_183] {strides = array<i32>} : memref<640xf32, #tpu.memory_space<vmem>>, vector<16xf32>,
    %swap3A_185 = vector.shape_cast %swap3A_184 : vector<16xf32> to vector<16xf32>
    %swap3A_186 = vector.shape_cast %broadcast_in_dim3A_182 : vector<16xf32> to vector<16xf32>
    tpu.vector_store %arg6[%swap3A_183], %swap3A_186 {strides = array<i32>} : memref<640xf32, #tpu.memory_space<vmem>>, vector<16xf32>,
    %broadcast_in_dim3A_187 = arith.constant 0.000000e+00 : f32
    %broadcast_in_dim3A_188 = vector.broadcast %broadcast_in_dim3A_187 : f32 to vector<16xf32>
    %swap3A_189 = arith.constant 368 : index
    %swap3A_190 = tpu.vector_load %arg6[%swap3A_189] {strides = array<i32>} : memref<640xf32, #tpu.memory_space<vmem>>, vector<16xf32>,
    %swap3A_191 = vector.shape_cast %swap3A_190 : vector<16xf32> to vector<16xf32>
    %swap3A_192 = vector.shape_cast %broadcast_in_dim3A_188 : vector<16xf32> to vector<16xf32>
    tpu.vector_store %arg6[%swap3A_189], %swap3A_192 {strides = array<i32>} : memref<640xf32, #tpu.memory_space<vmem>>, vector<16xf32>,
    %broadcast_in_dim3A_193 = arith.constant 0.000000e+00 : f32
    %broadcast_in_dim3A_194 = vector.broadcast %broadcast_in_dim3A_193 : f32 to vector<16xf32>
    %swap3A_195 = arith.constant 384 : index
    %swap3A_196 = tpu.vector_load %arg6[%swap3A_195] {strides = array<i32>} : memref<640xf32, #tpu.memory_space<vmem>>, vector<16xf32>,
    %swap3A_197 = vector.shape_cast %swap3A_196 : vector<16xf32> to vector<16xf32>
    %swap3A_198 = vector.shape_cast %broadcast_in_dim3A_194 : vector<16xf32> to vector<16xf32>
    tpu.vector_store %arg6[%swap3A_195], %swap3A_198 {strides = array<i32>} : memref<640xf32, #tpu.memory_space<vmem>>, vector<16xf32>,
    %broadcast_in_dim3A_199 = arith.constant 0.000000e+00 : f32
    %broadcast_in_dim3A_200 = vector.broadcast %broadcast_in_dim3A_199 : f32 to vector<16xf32>
    %swap3A_201 = arith.constant 400 : index
    %swap3A_202 = tpu.vector_load %arg6[%swap3A_201] {strides = array<i32>} : memref<640xf32, #tpu.memory_space<vmem>>, vector<16xf32>,
    %swap3A_203 = vector.shape_cast %swap3A_202 : vector<16xf32> to vector<16xf32>
    %swap3A_204 = vector.shape_cast %broadcast_in_dim3A_200 : vector<16xf32> to vector<16xf32>
    tpu.vector_store %arg6[%swap3A_201], %swap3A_204 {strides = array<i32>} : memref<640xf32, #tpu.memory_space<vmem>>, vector<16xf32>,
    %broadcast_in_dim3A_205 = arith.constant 0.000000e+00 : f32
    %broadcast_in_dim3A_206 = vector.broadcast %broadcast_in_dim3A_205 : f32 to vector<16xf32>
    %swap3A_207 = arith.constant 416 : index
    %swap3A_208 = tpu.vector_load %arg6[%swap3A_207] {strides = array<i32>} : memref<640xf32, #tpu.memory_space<vmem>>, vector<16xf32>,
    %swap3A_209 = vector.shape_cast %swap3A_208 : vector<16xf32> to vector<16xf32>
    %swap3A_210 = vector.shape_cast %broadcast_in_dim3A_206 : vector<16xf32> to vector<16xf32>
    tpu.vector_store %arg6[%swap3A_207], %swap3A_210 {strides = array<i32>} : memref<640xf32, #tpu.memory_space<vmem>>, vector<16xf32>,
    %broadcast_in_dim3A_211 = arith.constant 0.000000e+00 : f32
    %broadcast_in_dim3A_212 = vector.broadcast %broadcast_in_dim3A_211 : f32 to vector<16xf32>
    %swap3A_213 = arith.constant 432 : index
    %swap3A_214 = tpu.vector_load %arg6[%swap3A_213] {strides = array<i32>} : memref<640xf32, #tpu.memory_space<vmem>>, vector<16xf32>,
    %swap3A_215 = vector.shape_cast %swap3A_214 : vector<16xf32> to vector<16xf32>
    %swap3A_216 = vector.shape_cast %broadcast_in_dim3A_212 : vector<16xf32> to vector<16xf32>
    tpu.vector_store %arg6[%swap3A_213], %swap3A_216 {strides = array<i32>} : memref<640xf32, #tpu.memory_space<vmem>>, vector<16xf32>,
    %broadcast_in_dim3A_217 = arith.constant 0.000000e+00 : f32
    %broadcast_in_dim3A_218 = vector.broadcast %broadcast_in_dim3A_217 : f32 to vector<16xf32>
    %swap3A_219 = arith.constant 448 : index
    %swap3A_220 = tpu.vector_load %arg6[%swap3A_219] {strides = array<i32>} : memref<640xf32, #tpu.memory_space<vmem>>, vector<16xf32>,
    %swap3A_221 = vector.shape_cast %swap3A_220 : vector<16xf32> to vector<16xf32>
    %swap3A_222 = vector.shape_cast %broadcast_in_dim3A_218 : vector<16xf32> to vector<16xf32>
    tpu.vector_store %arg6[%swap3A_219], %swap3A_222 {strides = array<i32>} : memref<640xf32, #tpu.memory_space<vmem>>, vector<16xf32>,
    %broadcast_in_dim3A_223 = arith.constant 0.000000e+00 : f32
    %broadcast_in_dim3A_224 = vector.broadcast %broadcast_in_dim3A_223 : f32 to vector<16xf32>
    %swap3A_225 = arith.constant 464 : index
    %swap3A_226 = tpu.vector_load %arg6[%swap3A_225] {strides = array<i32>} : memref<640xf32, #tpu.memory_space<vmem>>, vector<16xf32>,
    %swap3A_227 = vector.shape_cast %swap3A_226 : vector<16xf32> to vector<16xf32>
    %swap3A_228 = vector.shape_cast %broadcast_in_dim3A_224 : vector<16xf32> to vector<16xf32>
    tpu.vector_store %arg6[%swap3A_225], %swap3A_228 {strides = array<i32>} : memref<640xf32, #tpu.memory_space<vmem>>, vector<16xf32>,
    %broadcast_in_dim3A_229 = arith.constant 0.000000e+00 : f32
    %broadcast_in_dim3A_230 = vector.broadcast %broadcast_in_dim3A_229 : f32 to vector<16xf32>
    %swap3A_231 = arith.constant 480 : index
    %swap3A_232 = tpu.vector_load %arg6[%swap3A_231] {strides = array<i32>} : memref<640xf32, #tpu.memory_space<vmem>>, vector<16xf32>,
    %swap3A_233 = vector.shape_cast %swap3A_232 : vector<16xf32> to vector<16xf32>
    %swap3A_234 = vector.shape_cast %broadcast_in_dim3A_230 : vector<16xf32> to vector<16xf32>
    tpu.vector_store %arg6[%swap3A_231], %swap3A_234 {strides = array<i32>} : memref<640xf32, #tpu.memory_space<vmem>>, vector<16xf32>,
    %broadcast_in_dim3A_235 = arith.constant 0.000000e+00 : f32
    %broadcast_in_dim3A_236 = vector.broadcast %broadcast_in_dim3A_235 : f32 to vector<16xf32>
    %swap3A_237 = arith.constant 496 : index
    %swap3A_238 = tpu.vector_load %arg6[%swap3A_237] {strides = array<i32>} : memref<640xf32, #tpu.memory_space<vmem>>, vector<16xf32>,
    %swap3A_239 = vector.shape_cast %swap3A_238 : vector<16xf32> to vector<16xf32>
    %swap3A_240 = vector.shape_cast %broadcast_in_dim3A_236 : vector<16xf32> to vector<16xf32>
    tpu.vector_store %arg6[%swap3A_237], %swap3A_240 {strides = array<i32>} : memref<640xf32, #tpu.memory_space<vmem>>, vector<16xf32>,
    %broadcast_in_dim3A_241 = arith.constant 0.000000e+00 : f32
    %broadcast_in_dim3A_242 = vector.broadcast %broadcast_in_dim3A_241 : f32 to vector<16xf32>
    %swap3A_243 = arith.constant 512 : index
    %swap3A_244 = tpu.vector_load %arg6[%swap3A_243] {strides = array<i32>} : memref<640xf32, #tpu.memory_space<vmem>>, vector<16xf32>,
    %swap3A_245 = vector.shape_cast %swap3A_244 : vector<16xf32> to vector<16xf32>
    %swap3A_246 = vector.shape_cast %broadcast_in_dim3A_242 : vector<16xf32> to vector<16xf32>
    tpu.vector_store %arg6[%swap3A_243], %swap3A_246 {strides = array<i32>} : memref<640xf32, #tpu.memory_space<vmem>>, vector<16xf32>,
    %broadcast_in_dim3A_247 = arith.constant 0.000000e+00 : f32
    %broadcast_in_dim3A_248 = vector.broadcast %broadcast_in_dim3A_247 : f32 to vector<16xf32>
    %swap3A_249 = arith.constant 528 : index
    %swap3A_250 = tpu.vector_load %arg6[%swap3A_249] {strides = array<i32>} : memref<640xf32, #tpu.memory_space<vmem>>, vector<16xf32>,
    %swap3A_251 = vector.shape_cast %swap3A_250 : vector<16xf32> to vector<16xf32>
    %swap3A_252 = vector.shape_cast %broadcast_in_dim3A_248 : vector<16xf32> to vector<16xf32>
    tpu.vector_store %arg6[%swap3A_249], %swap3A_252 {strides = array<i32>} : memref<640xf32, #tpu.memory_space<vmem>>, vector<16xf32>,
    %broadcast_in_dim3A_253 = arith.constant 0.000000e+00 : f32
    %broadcast_in_dim3A_254 = vector.broadcast %broadcast_in_dim3A_253 : f32 to vector<16xf32>
    %swap3A_255 = arith.constant 544 : index
    %swap3A_256 = tpu.vector_load %arg6[%swap3A_255] {strides = array<i32>} : memref<640xf32, #tpu.memory_space<vmem>>, vector<16xf32>,
    %swap3A_257 = vector.shape_cast %swap3A_256 : vector<16xf32> to vector<16xf32>
    %swap3A_258 = vector.shape_cast %broadcast_in_dim3A_254 : vector<16xf32> to vector<16xf32>
    tpu.vector_store %arg6[%swap3A_255], %swap3A_258 {strides = array<i32>} : memref<640xf32, #tpu.memory_space<vmem>>, vector<16xf32>,
    %broadcast_in_dim3A_259 = arith.constant 0.000000e+00 : f32
    %broadcast_in_dim3A_260 = vector.broadcast %broadcast_in_dim3A_259 : f32 to vector<16xf32>
    %swap3A_261 = arith.constant 560 : index
    %swap3A_262 = tpu.vector_load %arg6[%swap3A_261] {strides = array<i32>} : memref<640xf32, #tpu.memory_space<vmem>>, vector<16xf32>,
    %swap3A_263 = vector.shape_cast %swap3A_262 : vector<16xf32> to vector<16xf32>
    %swap3A_264 = vector.shape_cast %broadcast_in_dim3A_260 : vector<16xf32> to vector<16xf32>
    tpu.vector_store %arg6[%swap3A_261], %swap3A_264 {strides = array<i32>} : memref<640xf32, #tpu.memory_space<vmem>>, vector<16xf32>,
    %broadcast_in_dim3A_265 = arith.constant 0.000000e+00 : f32
    %broadcast_in_dim3A_266 = vector.broadcast %broadcast_in_dim3A_265 : f32 to vector<16xf32>
    %swap3A_267 = arith.constant 576 : index
    %swap3A_268 = tpu.vector_load %arg6[%swap3A_267] {strides = array<i32>} : memref<640xf32, #tpu.memory_space<vmem>>, vector<16xf32>,
    %swap3A_269 = vector.shape_cast %swap3A_268 : vector<16xf32> to vector<16xf32>
    %swap3A_270 = vector.shape_cast %broadcast_in_dim3A_266 : vector<16xf32> to vector<16xf32>
    tpu.vector_store %arg6[%swap3A_267], %swap3A_270 {strides = array<i32>} : memref<640xf32, #tpu.memory_space<vmem>>, vector<16xf32>,
    %broadcast_in_dim3A_271 = arith.constant 0.000000e+00 : f32
    %broadcast_in_dim3A_272 = vector.broadcast %broadcast_in_dim3A_271 : f32 to vector<16xf32>
    %swap3A_273 = arith.constant 592 : index
    %swap3A_274 = tpu.vector_load %arg6[%swap3A_273] {strides = array<i32>} : memref<640xf32, #tpu.memory_space<vmem>>, vector<16xf32>,
    %swap3A_275 = vector.shape_cast %swap3A_274 : vector<16xf32> to vector<16xf32>
    %swap3A_276 = vector.shape_cast %broadcast_in_dim3A_272 : vector<16xf32> to vector<16xf32>
    tpu.vector_store %arg6[%swap3A_273], %swap3A_276 {strides = array<i32>} : memref<640xf32, #tpu.memory_space<vmem>>, vector<16xf32>,
    %broadcast_in_dim3A_277 = arith.constant 0.000000e+00 : f32
    %broadcast_in_dim3A_278 = vector.broadcast %broadcast_in_dim3A_277 : f32 to vector<16xf32>
    %swap3A_279 = arith.constant 608 : index
    %swap3A_280 = tpu.vector_load %arg6[%swap3A_279] {strides = array<i32>} : memref<640xf32, #tpu.memory_space<vmem>>, vector<16xf32>,
    %swap3A_281 = vector.shape_cast %swap3A_280 : vector<16xf32> to vector<16xf32>
    %swap3A_282 = vector.shape_cast %broadcast_in_dim3A_278 : vector<16xf32> to vector<16xf32>
    tpu.vector_store %arg6[%swap3A_279], %swap3A_282 {strides = array<i32>} : memref<640xf32, #tpu.memory_space<vmem>>, vector<16xf32>,
    %broadcast_in_dim3A_283 = arith.constant 0.000000e+00 : f32
    %broadcast_in_dim3A_284 = vector.broadcast %broadcast_in_dim3A_283 : f32 to vector<16xf32>
    %swap3A_285 = arith.constant 624 : index
    %swap3A_286 = tpu.vector_load %arg6[%swap3A_285] {strides = array<i32>} : memref<640xf32, #tpu.memory_space<vmem>>, vector<16xf32>,
    %swap3A_287 = vector.shape_cast %swap3A_286 : vector<16xf32> to vector<16xf32>
    %swap3A_288 = vector.shape_cast %broadcast_in_dim3A_284 : vector<16xf32> to vector<16xf32>
    tpu.vector_store %arg6[%swap3A_285], %swap3A_288 {strides = array<i32>} : memref<640xf32, #tpu.memory_space<vmem>>, vector<16xf32>,
    "tpu.region"() ({
      %run_scoped3A = tpu.sem_alloc : memref<!tpu.dma_semaphore, #tpu.memory_space<semaphore_mem>>
      %dma_start3A = tpu.memref_slice %arg7[%mul3A_2] : memref<10240xf32, #tpu.memory_space<vmem_shared>> -> memref<640xf32, #tpu.memory_space<vmem_shared>>
      %dma_start3A_295 = tpu.memref_slice %arg7[%mul3A_2] : memref<10240xf32, #tpu.memory_space<vmem_shared>> -> memref<640xf32, #tpu.memory_space<vmem_shared>>
      tpu.enqueue_dma source(%arg6 : memref<640xf32, #tpu.memory_space<vmem>>) target(%dma_start3A_295 : memref<640xf32, #tpu.memory_space<vmem_shared>>) target_semaphore(%run_scoped3A : memref<!tpu.dma_semaphore, #tpu.memory_space<semaphore_mem>>)
      %dma_wait3A = tpu.memref_slice %arg7[%mul3A_2] : memref<10240xf32, #tpu.memory_space<vmem_shared>> -> memref<640xf32, #tpu.memory_space<vmem_shared>>
      %dma_wait3A_296 = tpu.memref_slice %arg7[%mul3A_2] : memref<10240xf32, #tpu.memory_space<vmem_shared>> -> memref<640xf32, #tpu.memory_space<vmem_shared>>
      tpu.wait_dma2 semaphore(%run_scoped3A : memref<!tpu.dma_semaphore, #tpu.memory_space<semaphore_mem>>) src(%arg6 : memref<640xf32, #tpu.memory_space<vmem>>) dst(%dma_wait3A_296 : memref<640xf32, #tpu.memory_space<vmem_shared>>)
      tpu.yield
    }) : () -> ()
    %barrier3A = arith.constant 0 : index
    tpu.barrier barrier_id(%barrier3A)
    %scan3A = arith.constant 0 : i32
    %scan3A_289 = arith.constant 0 : i32
    %scan3A_290 = arith.constant 80 : i32
    %scan3A_291 = arith.addi %scan3A_289, %scan3A_290 : i32
    %scan3A_292 = arith.constant 1 : i32
    scf.for %scan3A_295 = %scan3A_289 to %scan3A_291 step %scan3A_292  : i32 {
      "tpu.region"() ({
        %run_scoped3A = tpu.sem_alloc : memref<!tpu.dma_semaphore, #tpu.memory_space<semaphore_mem>>
        %dma_start3A = arith.constant 0 : i32
        %dma_start3A_296 = tpu.memref_slice %arg4[%scan3A_295, %dma_start3A] : memref<80x128xi32, #tpu.memory_space<vmem>> -> memref<1x128xi32, #tpu.memory_space<vmem>>
        %dma_start3A_297 = tpu.memref_squeeze %dma_start3A_296 : memref<1x128xi32, #tpu.memory_space<vmem>> -> memref<128xi32, #tpu.memory_space<vmem>>
        %dma_start3A_298 = arith.constant 0 : i32
        %dma_start3A_299 = tpu.memref_slice %arg7[%dma_start3A_298] : memref<10240xf32, #tpu.memory_space<vmem_shared>> -> memref<10240xf32, #tpu.memory_space<vmem_shared>>
        tpu.enqueue_indirect_dma source(%arg5 : memref<128xf32, #tpu.memory_space<vmem>>) target(%dma_start3A_299 : memref<10240xf32, #tpu.memory_space<vmem_shared>>) offsets(%dma_start3A_297 : memref<128xi32, #tpu.memory_space<vmem>>) semaphore(%run_scoped3A : memref<!tpu.dma_semaphore, #tpu.memory_space<semaphore_mem>>) {add = true}
        %dma_wait3A = arith.constant 0 : i32
        %dma_wait3A_300 = tpu.memref_slice %arg4[%scan3A_295, %dma_wait3A] : memref<80x128xi32, #tpu.memory_space<vmem>> -> memref<1x128xi32, #tpu.memory_space<vmem>>
        %dma_wait3A_301 = tpu.memref_squeeze %dma_wait3A_300 : memref<1x128xi32, #tpu.memory_space<vmem>> -> memref<128xi32, #tpu.memory_space<vmem>>
        %dma_wait3A_302 = arith.constant 0 : i32
        %dma_wait3A_303 = tpu.memref_slice %arg7[%dma_wait3A_302] : memref<10240xf32, #tpu.memory_space<vmem_shared>> -> memref<10240xf32, #tpu.memory_space<vmem_shared>>
        tpu.wait_indirect_dma semaphore(%run_scoped3A : memref<!tpu.dma_semaphore, #tpu.memory_space<semaphore_mem>>) src(%arg5 : memref<128xf32, #tpu.memory_space<vmem>>) dst(%dma_wait3A_303 : memref<10240xf32, #tpu.memory_space<vmem_shared>>)
        tpu.yield
      }) : () -> ()
    }
    %scan3A_293 = arith.constant 80 : i32
    %barrier3A_294 = arith.constant 0 : index
    tpu.barrier barrier_id(%barrier3A_294)
    "tpu.region"() ({
      %run_scoped3A = tpu.sem_alloc : memref<!tpu.dma_semaphore, #tpu.memory_space<semaphore_mem>>
      %dma_start3A = tpu.memref_slice %arg7[%mul3A_2] : memref<10240xf32, #tpu.memory_space<vmem_shared>> -> memref<640xf32, #tpu.memory_space<vmem_shared>>
      %dma_start3A_295 = tpu.memref_slice %arg7[%mul3A_2] : memref<10240xf32, #tpu.memory_space<vmem_shared>> -> memref<640xf32, #tpu.memory_space<vmem_shared>>
      tpu.enqueue_dma source(%dma_start3A_295 : memref<640xf32, #tpu.memory_space<vmem_shared>>) target(%arg6 : memref<640xf32, #tpu.memory_space<vmem>>) target_semaphore(%run_scoped3A : memref<!tpu.dma_semaphore, #tpu.memory_space<semaphore_mem>>)
      %dma_wait3A = tpu.memref_slice %arg7[%mul3A_2] : memref<10240xf32, #tpu.memory_space<vmem_shared>> -> memref<640xf32, #tpu.memory_space<vmem_shared>>
      %dma_wait3A_296 = tpu.memref_slice %arg7[%mul3A_2] : memref<10240xf32, #tpu.memory_space<vmem_shared>> -> memref<640xf32, #tpu.memory_space<vmem_shared>>
      tpu.wait_dma2 semaphore(%run_scoped3A : memref<!tpu.dma_semaphore, #tpu.memory_space<semaphore_mem>>) src(%dma_wait3A_296 : memref<640xf32, #tpu.memory_space<vmem_shared>>) dst(%arg6 : memref<640xf32, #tpu.memory_space<vmem>>)
      tpu.yield
    }) : () -> ()
    "tpu.region"() ({
      %run_scoped3A = tpu.sem_alloc : memref<!tpu.dma_semaphore, #tpu.memory_space<semaphore_mem>>
      %dma_start3A = tpu.memref_slice %arg3[%arg0, %mul3A_2] : memref<2x10240xf32, #tpu.memory_space<hbm>> -> memref<1x640xf32, #tpu.memory_space<hbm>>
      %dma_start3A_295 = tpu.memref_squeeze %dma_start3A : memref<1x640xf32, #tpu.memory_space<hbm>> -> memref<640xf32, #tpu.memory_space<hbm>>
      %dma_start3A_296 = tpu.memref_slice %arg3[%arg0, %mul3A_2] : memref<2x10240xf32, #tpu.memory_space<hbm>> -> memref<1x640xf32, #tpu.memory_space<hbm>>
      %dma_start3A_297 = tpu.memref_squeeze %dma_start3A_296 : memref<1x640xf32, #tpu.memory_space<hbm>> -> memref<640xf32, #tpu.memory_space<hbm>>
      tpu.enqueue_dma source(%arg6 : memref<640xf32, #tpu.memory_space<vmem>>) target(%dma_start3A_297 : memref<640xf32, #tpu.memory_space<hbm>>) target_semaphore(%run_scoped3A : memref<!tpu.dma_semaphore, #tpu.memory_space<semaphore_mem>>)
      %dma_wait3A = tpu.memref_slice %arg3[%arg0, %mul3A_2] : memref<2x10240xf32, #tpu.memory_space<hbm>> -> memref<1x640xf32, #tpu.memory_space<hbm>>
      %dma_wait3A_298 = tpu.memref_squeeze %dma_wait3A : memref<1x640xf32, #tpu.memory_space<hbm>> -> memref<640xf32, #tpu.memory_space<hbm>>
      %dma_wait3A_299 = tpu.memref_slice %arg3[%arg0, %mul3A_2] : memref<2x10240xf32, #tpu.memory_space<hbm>> -> memref<1x640xf32, #tpu.memory_space<hbm>>
      %dma_wait3A_300 = tpu.memref_squeeze %dma_wait3A_299 : memref<1x640xf32, #tpu.memory_space<hbm>> -> memref<640xf32, #tpu.memory_space<hbm>>
      tpu.wait_dma2 semaphore(%run_scoped3A : memref<!tpu.dma_semaphore, #tpu.memory_space<semaphore_mem>>) src(%arg6 : memref<640xf32, #tpu.memory_space<vmem>>) dst(%dma_wait3A_300 : memref<640xf32, #tpu.memory_space<hbm>>)
      tpu.yield
    }) : () -> ()
    return
  }
}

#map = affine_map<(d0, d1) -> (0, 0)>
#map1 = affine_map<(d0, d1) -> (0, 0, 0)>
module attributes {stable_mosaic.version = 14 : i64} {
  func.func @scat(%arg0: i32, %arg1: i32, %arg2: memref<10240x64xf32, #tpu.memory_space<hbm>>, %arg3: memref<32x80x128xi32, #tpu.memory_space<hbm>>, %arg4: memref<32x80x128xi32, #tpu.memory_space<hbm>>, %arg5: memref<2x10240x64xf32, #tpu.memory_space<hbm>>, %arg6: memref<80x128xi32, #tpu.memory_space<vmem>>, %arg7: memref<80x128xi32, #tpu.memory_space<vmem>>, %arg8: memref<128x64xf32, #tpu.memory_space<vmem>>, %arg9: memref<128x64xf32, #tpu.memory_space<vmem>>, %arg10: memref<128x64xf32, #tpu.memory_space<vmem>>, %arg11: memref<128x64xf32, #tpu.memory_space<vmem>>, %arg12: memref<10240x64xf32, #tpu.memory_space<vmem_shared>>, %arg13: memref<!tpu.dma_semaphore, #tpu.memory_space<semaphore_mem>>, %arg14: memref<!tpu.dma_semaphore, #tpu.memory_space<semaphore_mem>>, %arg15: memref<!tpu.dma_semaphore, #tpu.memory_space<semaphore_mem>>, %arg16: memref<!tpu.dma_semaphore, #tpu.memory_space<semaphore_mem>>) attributes {dimension_semantics = [#tpu.dimension_semantics<core_parallel>, #tpu.dimension_semantics<subcore_parallel>], iteration_bounds = array<i64: 2, 16>, scalar_prefetch = 0 : i64, scratch_operands = 11 : i64, tpu.core_type = #tpu.core_type<sc_vector_subcore>, window_params = [{transform_indices = #map}, {transform_indices = #map1}, {transform_indices = #map1}, {transform_indices = #map1}]} {
    %mul3A = arith.constant 2 : i32
    %mul3A_0 = arith.muli %arg1, %mul3A : i32
    %add3A = arith.addi %mul3A_0, %arg0 : i32
    %mul3A_1 = arith.constant 640 : i32
    %mul3A_2 = arith.muli %arg1, %mul3A_1 : i32
    "tpu.region"() ({
      %run_scoped3A = tpu.sem_alloc : memref<!tpu.dma_semaphore, #tpu.memory_space<semaphore_mem>>
      %dma_start3A_36 = arith.constant 0 : i32
      %dma_start3A_37 = tpu.memref_slice %arg12[%mul3A_2, %dma_start3A_36] : memref<10240x64xf32, #tpu.memory_space<vmem_shared>> -> memref<640x64xf32, #tpu.memory_space<vmem_shared>>
      %dma_start3A_38 = arith.constant 0 : i32
      %dma_start3A_39 = tpu.memref_slice %arg2[%mul3A_2, %dma_start3A_38] : memref<10240x64xf32, #tpu.memory_space<hbm>> -> memref<640x64xf32, #tpu.memory_space<hbm>>
      tpu.enqueue_dma source(%dma_start3A_39 : memref<640x64xf32, #tpu.memory_space<hbm>>) target(%dma_start3A_37 : memref<640x64xf32, #tpu.memory_space<vmem_shared>>) target_semaphore(%run_scoped3A : memref<!tpu.dma_semaphore, #tpu.memory_space<semaphore_mem>>)
      %dma_wait3A = arith.constant 0 : i32
      %dma_wait3A_40 = tpu.memref_slice %arg12[%mul3A_2, %dma_wait3A] : memref<10240x64xf32, #tpu.memory_space<vmem_shared>> -> memref<640x64xf32, #tpu.memory_space<vmem_shared>>
      %dma_wait3A_41 = arith.constant 0 : i32
      %dma_wait3A_42 = tpu.memref_slice %arg2[%mul3A_2, %dma_wait3A_41] : memref<10240x64xf32, #tpu.memory_space<hbm>> -> memref<640x64xf32, #tpu.memory_space<hbm>>
      tpu.wait_dma2 semaphore(%run_scoped3A : memref<!tpu.dma_semaphore, #tpu.memory_space<semaphore_mem>>) src(%dma_wait3A_42 : memref<640x64xf32, #tpu.memory_space<hbm>>) dst(%dma_wait3A_40 : memref<640x64xf32, #tpu.memory_space<vmem_shared>>)
      tpu.yield
    }) : () -> ()
    "tpu.region"() ({
      %run_scoped3A = tpu.sem_alloc : memref<!tpu.dma_semaphore, #tpu.memory_space<semaphore_mem>>
      %dma_start3A_36 = arith.constant 0 : i32
      %dma_start3A_37 = arith.constant 0 : i32
      %dma_start3A_38 = tpu.memref_slice %arg3[%add3A, %dma_start3A_36, %dma_start3A_37] : memref<32x80x128xi32, #tpu.memory_space<hbm>> -> memref<1x80x128xi32, #tpu.memory_space<hbm>>
      %dma_start3A_39 = tpu.memref_squeeze %dma_start3A_38 : memref<1x80x128xi32, #tpu.memory_space<hbm>> -> memref<80x128xi32, #tpu.memory_space<hbm>>
      %dma_start3A_40 = arith.constant 0 : i32
      %dma_start3A_41 = arith.constant 0 : i32
      %dma_start3A_42 = tpu.memref_slice %arg3[%add3A, %dma_start3A_40, %dma_start3A_41] : memref<32x80x128xi32, #tpu.memory_space<hbm>> -> memref<1x80x128xi32, #tpu.memory_space<hbm>>
      %dma_start3A_43 = tpu.memref_squeeze %dma_start3A_42 : memref<1x80x128xi32, #tpu.memory_space<hbm>> -> memref<80x128xi32, #tpu.memory_space<hbm>>
      tpu.enqueue_dma source(%dma_start3A_43 : memref<80x128xi32, #tpu.memory_space<hbm>>) target(%arg6 : memref<80x128xi32, #tpu.memory_space<vmem>>) target_semaphore(%run_scoped3A : memref<!tpu.dma_semaphore, #tpu.memory_space<semaphore_mem>>)
      %dma_wait3A = arith.constant 0 : i32
      %dma_wait3A_44 = arith.constant 0 : i32
      %dma_wait3A_45 = tpu.memref_slice %arg3[%add3A, %dma_wait3A, %dma_wait3A_44] : memref<32x80x128xi32, #tpu.memory_space<hbm>> -> memref<1x80x128xi32, #tpu.memory_space<hbm>>
      %dma_wait3A_46 = tpu.memref_squeeze %dma_wait3A_45 : memref<1x80x128xi32, #tpu.memory_space<hbm>> -> memref<80x128xi32, #tpu.memory_space<hbm>>
      %dma_wait3A_47 = arith.constant 0 : i32
      %dma_wait3A_48 = arith.constant 0 : i32
      %dma_wait3A_49 = tpu.memref_slice %arg3[%add3A, %dma_wait3A_47, %dma_wait3A_48] : memref<32x80x128xi32, #tpu.memory_space<hbm>> -> memref<1x80x128xi32, #tpu.memory_space<hbm>>
      %dma_wait3A_50 = tpu.memref_squeeze %dma_wait3A_49 : memref<1x80x128xi32, #tpu.memory_space<hbm>> -> memref<80x128xi32, #tpu.memory_space<hbm>>
      tpu.wait_dma2 semaphore(%run_scoped3A : memref<!tpu.dma_semaphore, #tpu.memory_space<semaphore_mem>>) src(%dma_wait3A_50 : memref<80x128xi32, #tpu.memory_space<hbm>>) dst(%arg6 : memref<80x128xi32, #tpu.memory_space<vmem>>)
      tpu.yield
    }) : () -> ()
    "tpu.region"() ({
      %run_scoped3A = tpu.sem_alloc : memref<!tpu.dma_semaphore, #tpu.memory_space<semaphore_mem>>
      %dma_start3A_36 = arith.constant 0 : i32
      %dma_start3A_37 = arith.constant 0 : i32
      %dma_start3A_38 = tpu.memref_slice %arg4[%add3A, %dma_start3A_36, %dma_start3A_37] : memref<32x80x128xi32, #tpu.memory_space<hbm>> -> memref<1x80x128xi32, #tpu.memory_space<hbm>>
      %dma_start3A_39 = tpu.memref_squeeze %dma_start3A_38 : memref<1x80x128xi32, #tpu.memory_space<hbm>> -> memref<80x128xi32, #tpu.memory_space<hbm>>
      %dma_start3A_40 = arith.constant 0 : i32
      %dma_start3A_41 = arith.constant 0 : i32
      %dma_start3A_42 = tpu.memref_slice %arg4[%add3A, %dma_start3A_40, %dma_start3A_41] : memref<32x80x128xi32, #tpu.memory_space<hbm>> -> memref<1x80x128xi32, #tpu.memory_space<hbm>>
      %dma_start3A_43 = tpu.memref_squeeze %dma_start3A_42 : memref<1x80x128xi32, #tpu.memory_space<hbm>> -> memref<80x128xi32, #tpu.memory_space<hbm>>
      tpu.enqueue_dma source(%dma_start3A_43 : memref<80x128xi32, #tpu.memory_space<hbm>>) target(%arg7 : memref<80x128xi32, #tpu.memory_space<vmem>>) target_semaphore(%run_scoped3A : memref<!tpu.dma_semaphore, #tpu.memory_space<semaphore_mem>>)
      %dma_wait3A = arith.constant 0 : i32
      %dma_wait3A_44 = arith.constant 0 : i32
      %dma_wait3A_45 = tpu.memref_slice %arg4[%add3A, %dma_wait3A, %dma_wait3A_44] : memref<32x80x128xi32, #tpu.memory_space<hbm>> -> memref<1x80x128xi32, #tpu.memory_space<hbm>>
      %dma_wait3A_46 = tpu.memref_squeeze %dma_wait3A_45 : memref<1x80x128xi32, #tpu.memory_space<hbm>> -> memref<80x128xi32, #tpu.memory_space<hbm>>
      %dma_wait3A_47 = arith.constant 0 : i32
      %dma_wait3A_48 = arith.constant 0 : i32
      %dma_wait3A_49 = tpu.memref_slice %arg4[%add3A, %dma_wait3A_47, %dma_wait3A_48] : memref<32x80x128xi32, #tpu.memory_space<hbm>> -> memref<1x80x128xi32, #tpu.memory_space<hbm>>
      %dma_wait3A_50 = tpu.memref_squeeze %dma_wait3A_49 : memref<1x80x128xi32, #tpu.memory_space<hbm>> -> memref<80x128xi32, #tpu.memory_space<hbm>>
      tpu.wait_dma2 semaphore(%run_scoped3A : memref<!tpu.dma_semaphore, #tpu.memory_space<semaphore_mem>>) src(%dma_wait3A_50 : memref<80x128xi32, #tpu.memory_space<hbm>>) dst(%arg7 : memref<80x128xi32, #tpu.memory_space<vmem>>)
      tpu.yield
    }) : () -> ()
    %barrier3A = arith.constant 0 : index
    tpu.barrier barrier_id(%barrier3A)
    %dma_start3A = arith.constant 0 : i32
    %dma_start3A_3 = arith.constant 0 : i32
    %dma_start3A_4 = tpu.memref_slice %arg6[%dma_start3A, %dma_start3A_3] : memref<80x128xi32, #tpu.memory_space<vmem>> -> memref<1x128xi32, #tpu.memory_space<vmem>>
    %dma_start3A_5 = tpu.memref_squeeze %dma_start3A_4 : memref<1x128xi32, #tpu.memory_space<vmem>> -> memref<128xi32, #tpu.memory_space<vmem>>
    %dma_start3A_6 = arith.constant 0 : i32
    %dma_start3A_7 = arith.constant 0 : i32
    %dma_start3A_8 = tpu.memref_slice %arg2[%dma_start3A_6, %dma_start3A_7] : memref<10240x64xf32, #tpu.memory_space<hbm>> -> memref<10240x64xf32, #tpu.memory_space<hbm>>
    tpu.enqueue_indirect_dma source(%dma_start3A_8 : memref<10240x64xf32, #tpu.memory_space<hbm>>) target(%arg8 : memref<128x64xf32, #tpu.memory_space<vmem>>) offsets(%dma_start3A_5 : memref<128xi32, #tpu.memory_space<vmem>>) semaphore(%arg13 : memref<!tpu.dma_semaphore, #tpu.memory_space<semaphore_mem>>)
    %dma_start3A_9 = arith.constant 1 : i32
    %dma_start3A_10 = arith.constant 0 : i32
    %dma_start3A_11 = tpu.memref_slice %arg6[%dma_start3A_9, %dma_start3A_10] : memref<80x128xi32, #tpu.memory_space<vmem>> -> memref<1x128xi32, #tpu.memory_space<vmem>>
    %dma_start3A_12 = tpu.memref_squeeze %dma_start3A_11 : memref<1x128xi32, #tpu.memory_space<vmem>> -> memref<128xi32, #tpu.memory_space<vmem>>
    %dma_start3A_13 = arith.constant 0 : i32
    %dma_start3A_14 = arith.constant 0 : i32
    %dma_start3A_15 = tpu.memref_slice %arg2[%dma_start3A_13, %dma_start3A_14] : memref<10240x64xf32, #tpu.memory_space<hbm>> -> memref<10240x64xf32, #tpu.memory_space<hbm>>
    tpu.enqueue_indirect_dma source(%dma_start3A_15 : memref<10240x64xf32, #tpu.memory_space<hbm>>) target(%arg9 : memref<128x64xf32, #tpu.memory_space<vmem>>) offsets(%dma_start3A_12 : memref<128xi32, #tpu.memory_space<vmem>>) semaphore(%arg14 : memref<!tpu.dma_semaphore, #tpu.memory_space<semaphore_mem>>)
    %dma_start3A_16 = arith.constant 2 : i32
    %dma_start3A_17 = arith.constant 0 : i32
    %dma_start3A_18 = tpu.memref_slice %arg6[%dma_start3A_16, %dma_start3A_17] : memref<80x128xi32, #tpu.memory_space<vmem>> -> memref<1x128xi32, #tpu.memory_space<vmem>>
    %dma_start3A_19 = tpu.memref_squeeze %dma_start3A_18 : memref<1x128xi32, #tpu.memory_space<vmem>> -> memref<128xi32, #tpu.memory_space<vmem>>
    %dma_start3A_20 = arith.constant 0 : i32
    %dma_start3A_21 = arith.constant 0 : i32
    %dma_start3A_22 = tpu.memref_slice %arg2[%dma_start3A_20, %dma_start3A_21] : memref<10240x64xf32, #tpu.memory_space<hbm>> -> memref<10240x64xf32, #tpu.memory_space<hbm>>
    tpu.enqueue_indirect_dma source(%dma_start3A_22 : memref<10240x64xf32, #tpu.memory_space<hbm>>) target(%arg10 : memref<128x64xf32, #tpu.memory_space<vmem>>) offsets(%dma_start3A_19 : memref<128xi32, #tpu.memory_space<vmem>>) semaphore(%arg15 : memref<!tpu.dma_semaphore, #tpu.memory_space<semaphore_mem>>)
    %dma_start3A_23 = arith.constant 3 : i32
    %dma_start3A_24 = arith.constant 0 : i32
    %dma_start3A_25 = tpu.memref_slice %arg6[%dma_start3A_23, %dma_start3A_24] : memref<80x128xi32, #tpu.memory_space<vmem>> -> memref<1x128xi32, #tpu.memory_space<vmem>>
    %dma_start3A_26 = tpu.memref_squeeze %dma_start3A_25 : memref<1x128xi32, #tpu.memory_space<vmem>> -> memref<128xi32, #tpu.memory_space<vmem>>
    %dma_start3A_27 = arith.constant 0 : i32
    %dma_start3A_28 = arith.constant 0 : i32
    %dma_start3A_29 = tpu.memref_slice %arg2[%dma_start3A_27, %dma_start3A_28] : memref<10240x64xf32, #tpu.memory_space<hbm>> -> memref<10240x64xf32, #tpu.memory_space<hbm>>
    tpu.enqueue_indirect_dma source(%dma_start3A_29 : memref<10240x64xf32, #tpu.memory_space<hbm>>) target(%arg11 : memref<128x64xf32, #tpu.memory_space<vmem>>) offsets(%dma_start3A_26 : memref<128xi32, #tpu.memory_space<vmem>>) semaphore(%arg16 : memref<!tpu.dma_semaphore, #tpu.memory_space<semaphore_mem>>)
    %scan3A = arith.constant 0 : i32
    %scan3A_30 = arith.constant 0 : i32
    %scan3A_31 = arith.constant 20 : i32
    %scan3A_32 = arith.addi %scan3A_30, %scan3A_31 : i32
    %scan3A_33 = arith.constant 1 : i32
    scf.for %scan3A_36 = %scan3A_30 to %scan3A_32 step %scan3A_33  : i32 {
      %mul3A_37 = arith.constant 4 : i32
      %mul3A_38 = arith.muli %mul3A_37, %scan3A_36 : i32
      %add3A_39 = arith.constant 0 : i32
      %add3A_40 = arith.addi %mul3A_38, %add3A_39 : i32
      %dma_wait3A = arith.constant 0 : i32
      %dma_wait3A_41 = tpu.memref_slice %arg6[%add3A_40, %dma_wait3A] : memref<80x128xi32, #tpu.memory_space<vmem>> -> memref<1x128xi32, #tpu.memory_space<vmem>>
      %dma_wait3A_42 = tpu.memref_squeeze %dma_wait3A_41 : memref<1x128xi32, #tpu.memory_space<vmem>> -> memref<128xi32, #tpu.memory_space<vmem>>
      %dma_wait3A_43 = arith.constant 0 : i32
      %dma_wait3A_44 = arith.constant 0 : i32
      %dma_wait3A_45 = tpu.memref_slice %arg2[%dma_wait3A_43, %dma_wait3A_44] : memref<10240x64xf32, #tpu.memory_space<hbm>> -> memref<10240x64xf32, #tpu.memory_space<hbm>>
      tpu.wait_indirect_dma semaphore(%arg13 : memref<!tpu.dma_semaphore, #tpu.memory_space<semaphore_mem>>) src(%dma_wait3A_45 : memref<10240x64xf32, #tpu.memory_space<hbm>>) dst(%arg8 : memref<128x64xf32, #tpu.memory_space<vmem>>)
      "tpu.region"() ({
        %run_scoped3A = tpu.sem_alloc : memref<!tpu.dma_semaphore, #tpu.memory_space<semaphore_mem>>
        %dma_start3A_101 = arith.constant 0 : i32
        %dma_start3A_102 = tpu.memref_slice %arg7[%add3A_40, %dma_start3A_101] : memref<80x128xi32, #tpu.memory_space<vmem>> -> memref<1x128xi32, #tpu.memory_space<vmem>>
        %dma_start3A_103 = tpu.memref_squeeze %dma_start3A_102 : memref<1x128xi32, #tpu.memory_space<vmem>> -> memref<128xi32, #tpu.memory_space<vmem>>
        %dma_start3A_104 = arith.constant 0 : i32
        %dma_start3A_105 = arith.constant 0 : i32
        %dma_start3A_106 = tpu.memref_slice %arg12[%dma_start3A_104, %dma_start3A_105] : memref<10240x64xf32, #tpu.memory_space<vmem_shared>> -> memref<10240x64xf32, #tpu.memory_space<vmem_shared>>
        tpu.enqueue_indirect_dma source(%arg8 : memref<128x64xf32, #tpu.memory_space<vmem>>) target(%dma_start3A_106 : memref<10240x64xf32, #tpu.memory_space<vmem_shared>>) offsets(%dma_start3A_103 : memref<128xi32, #tpu.memory_space<vmem>>) semaphore(%run_scoped3A : memref<!tpu.dma_semaphore, #tpu.memory_space<semaphore_mem>>) {add = true}
        %dma_wait3A_107 = arith.constant 0 : i32
        %dma_wait3A_108 = tpu.memref_slice %arg7[%add3A_40, %dma_wait3A_107] : memref<80x128xi32, #tpu.memory_space<vmem>> -> memref<1x128xi32, #tpu.memory_space<vmem>>
        %dma_wait3A_109 = tpu.memref_squeeze %dma_wait3A_108 : memref<1x128xi32, #tpu.memory_space<vmem>> -> memref<128xi32, #tpu.memory_space<vmem>>
        %dma_wait3A_110 = arith.constant 0 : i32
        %dma_wait3A_111 = arith.constant 0 : i32
        %dma_wait3A_112 = tpu.memref_slice %arg12[%dma_wait3A_110, %dma_wait3A_111] : memref<10240x64xf32, #tpu.memory_space<vmem_shared>> -> memref<10240x64xf32, #tpu.memory_space<vmem_shared>>
        tpu.wait_indirect_dma semaphore(%run_scoped3A : memref<!tpu.dma_semaphore, #tpu.memory_space<semaphore_mem>>) src(%arg8 : memref<128x64xf32, #tpu.memory_space<vmem>>) dst(%dma_wait3A_112 : memref<10240x64xf32, #tpu.memory_space<vmem_shared>>)
        tpu.yield
      }) : () -> ()
      %add3A_46 = arith.constant 4 : i32
      %add3A_47 = arith.addi %add3A_40, %add3A_46 : i32
      %lt3A = arith.constant 80 : i32
      %lt3A_48 = arith.cmpi slt, %add3A_47, %lt3A : i32
      %convert_element_type3A = arith.extui %lt3A_48 : i1 to i32
      %cond3A = arith.constant 0 : i32
      %cond3A_49 = arith.cmpi ne, %convert_element_type3A, %cond3A : i32
      scf.if %cond3A_49 {
        %add3A_101 = arith.constant 4 : i32
        %add3A_102 = arith.addi %add3A_40, %add3A_101 : i32
        %dma_start3A_103 = arith.constant 0 : i32
        %dma_start3A_104 = tpu.memref_slice %arg6[%add3A_102, %dma_start3A_103] : memref<80x128xi32, #tpu.memory_space<vmem>> -> memref<1x128xi32, #tpu.memory_space<vmem>>
        %dma_start3A_105 = tpu.memref_squeeze %dma_start3A_104 : memref<1x128xi32, #tpu.memory_space<vmem>> -> memref<128xi32, #tpu.memory_space<vmem>>
        %dma_start3A_106 = arith.constant 0 : i32
        %dma_start3A_107 = arith.constant 0 : i32
        %dma_start3A_108 = tpu.memref_slice %arg2[%dma_start3A_106, %dma_start3A_107] : memref<10240x64xf32, #tpu.memory_space<hbm>> -> memref<10240x64xf32, #tpu.memory_space<hbm>>
        tpu.enqueue_indirect_dma source(%dma_start3A_108 : memref<10240x64xf32, #tpu.memory_space<hbm>>) target(%arg8 : memref<128x64xf32, #tpu.memory_space<vmem>>) offsets(%dma_start3A_105 : memref<128xi32, #tpu.memory_space<vmem>>) semaphore(%arg13 : memref<!tpu.dma_semaphore, #tpu.memory_space<semaphore_mem>>)
      } else {
      }
      %mul3A_50 = arith.constant 4 : i32
      %mul3A_51 = arith.muli %mul3A_50, %scan3A_36 : i32
      %add3A_52 = arith.constant 1 : i32
      %add3A_53 = arith.addi %mul3A_51, %add3A_52 : i32
      %dma_wait3A_54 = arith.constant 0 : i32
      %dma_wait3A_55 = tpu.memref_slice %arg6[%add3A_53, %dma_wait3A_54] : memref<80x128xi32, #tpu.memory_space<vmem>> -> memref<1x128xi32, #tpu.memory_space<vmem>>
      %dma_wait3A_56 = tpu.memref_squeeze %dma_wait3A_55 : memref<1x128xi32, #tpu.memory_space<vmem>> -> memref<128xi32, #tpu.memory_space<vmem>>
      %dma_wait3A_57 = arith.constant 0 : i32
      %dma_wait3A_58 = arith.constant 0 : i32
      %dma_wait3A_59 = tpu.memref_slice %arg2[%dma_wait3A_57, %dma_wait3A_58] : memref<10240x64xf32, #tpu.memory_space<hbm>> -> memref<10240x64xf32, #tpu.memory_space<hbm>>
      tpu.wait_indirect_dma semaphore(%arg14 : memref<!tpu.dma_semaphore, #tpu.memory_space<semaphore_mem>>) src(%dma_wait3A_59 : memref<10240x64xf32, #tpu.memory_space<hbm>>) dst(%arg9 : memref<128x64xf32, #tpu.memory_space<vmem>>)
      "tpu.region"() ({
        %run_scoped3A = tpu.sem_alloc : memref<!tpu.dma_semaphore, #tpu.memory_space<semaphore_mem>>
        %dma_start3A_101 = arith.constant 0 : i32
        %dma_start3A_102 = tpu.memref_slice %arg7[%add3A_53, %dma_start3A_101] : memref<80x128xi32, #tpu.memory_space<vmem>> -> memref<1x128xi32, #tpu.memory_space<vmem>>
        %dma_start3A_103 = tpu.memref_squeeze %dma_start3A_102 : memref<1x128xi32, #tpu.memory_space<vmem>> -> memref<128xi32, #tpu.memory_space<vmem>>
        %dma_start3A_104 = arith.constant 0 : i32
        %dma_start3A_105 = arith.constant 0 : i32
        %dma_start3A_106 = tpu.memref_slice %arg12[%dma_start3A_104, %dma_start3A_105] : memref<10240x64xf32, #tpu.memory_space<vmem_shared>> -> memref<10240x64xf32, #tpu.memory_space<vmem_shared>>
        tpu.enqueue_indirect_dma source(%arg9 : memref<128x64xf32, #tpu.memory_space<vmem>>) target(%dma_start3A_106 : memref<10240x64xf32, #tpu.memory_space<vmem_shared>>) offsets(%dma_start3A_103 : memref<128xi32, #tpu.memory_space<vmem>>) semaphore(%run_scoped3A : memref<!tpu.dma_semaphore, #tpu.memory_space<semaphore_mem>>) {add = true}
        %dma_wait3A_107 = arith.constant 0 : i32
        %dma_wait3A_108 = tpu.memref_slice %arg7[%add3A_53, %dma_wait3A_107] : memref<80x128xi32, #tpu.memory_space<vmem>> -> memref<1x128xi32, #tpu.memory_space<vmem>>
        %dma_wait3A_109 = tpu.memref_squeeze %dma_wait3A_108 : memref<1x128xi32, #tpu.memory_space<vmem>> -> memref<128xi32, #tpu.memory_space<vmem>>
        %dma_wait3A_110 = arith.constant 0 : i32
        %dma_wait3A_111 = arith.constant 0 : i32
        %dma_wait3A_112 = tpu.memref_slice %arg12[%dma_wait3A_110, %dma_wait3A_111] : memref<10240x64xf32, #tpu.memory_space<vmem_shared>> -> memref<10240x64xf32, #tpu.memory_space<vmem_shared>>
        tpu.wait_indirect_dma semaphore(%run_scoped3A : memref<!tpu.dma_semaphore, #tpu.memory_space<semaphore_mem>>) src(%arg9 : memref<128x64xf32, #tpu.memory_space<vmem>>) dst(%dma_wait3A_112 : memref<10240x64xf32, #tpu.memory_space<vmem_shared>>)
        tpu.yield
      }) : () -> ()
      %add3A_60 = arith.constant 4 : i32
      %add3A_61 = arith.addi %add3A_53, %add3A_60 : i32
      %lt3A_62 = arith.constant 80 : i32
      %lt3A_63 = arith.cmpi slt, %add3A_61, %lt3A_62 : i32
      %convert_element_type3A_64 = arith.extui %lt3A_63 : i1 to i32
      %cond3A_65 = arith.constant 0 : i32
      %cond3A_66 = arith.cmpi ne, %convert_element_type3A_64, %cond3A_65 : i32
      scf.if %cond3A_66 {
        %add3A_101 = arith.constant 4 : i32
        %add3A_102 = arith.addi %add3A_53, %add3A_101 : i32
        %dma_start3A_103 = arith.constant 0 : i32
        %dma_start3A_104 = tpu.memref_slice %arg6[%add3A_102, %dma_start3A_103] : memref<80x128xi32, #tpu.memory_space<vmem>> -> memref<1x128xi32, #tpu.memory_space<vmem>>
        %dma_start3A_105 = tpu.memref_squeeze %dma_start3A_104 : memref<1x128xi32, #tpu.memory_space<vmem>> -> memref<128xi32, #tpu.memory_space<vmem>>
        %dma_start3A_106 = arith.constant 0 : i32
        %dma_start3A_107 = arith.constant 0 : i32
        %dma_start3A_108 = tpu.memref_slice %arg2[%dma_start3A_106, %dma_start3A_107] : memref<10240x64xf32, #tpu.memory_space<hbm>> -> memref<10240x64xf32, #tpu.memory_space<hbm>>
        tpu.enqueue_indirect_dma source(%dma_start3A_108 : memref<10240x64xf32, #tpu.memory_space<hbm>>) target(%arg9 : memref<128x64xf32, #tpu.memory_space<vmem>>) offsets(%dma_start3A_105 : memref<128xi32, #tpu.memory_space<vmem>>) semaphore(%arg14 : memref<!tpu.dma_semaphore, #tpu.memory_space<semaphore_mem>>)
      } else {
      }
      %mul3A_67 = arith.constant 4 : i32
      %mul3A_68 = arith.muli %mul3A_67, %scan3A_36 : i32
      %add3A_69 = arith.constant 2 : i32
      %add3A_70 = arith.addi %mul3A_68, %add3A_69 : i32
      %dma_wait3A_71 = arith.constant 0 : i32
      %dma_wait3A_72 = tpu.memref_slice %arg6[%add3A_70, %dma_wait3A_71] : memref<80x128xi32, #tpu.memory_space<vmem>> -> memref<1x128xi32, #tpu.memory_space<vmem>>
      %dma_wait3A_73 = tpu.memref_squeeze %dma_wait3A_72 : memref<1x128xi32, #tpu.memory_space<vmem>> -> memref<128xi32, #tpu.memory_space<vmem>>
      %dma_wait3A_74 = arith.constant 0 : i32
      %dma_wait3A_75 = arith.constant 0 : i32
      %dma_wait3A_76 = tpu.memref_slice %arg2[%dma_wait3A_74, %dma_wait3A_75] : memref<10240x64xf32, #tpu.memory_space<hbm>> -> memref<10240x64xf32, #tpu.memory_space<hbm>>
      tpu.wait_indirect_dma semaphore(%arg15 : memref<!tpu.dma_semaphore, #tpu.memory_space<semaphore_mem>>) src(%dma_wait3A_76 : memref<10240x64xf32, #tpu.memory_space<hbm>>) dst(%arg10 : memref<128x64xf32, #tpu.memory_space<vmem>>)
      "tpu.region"() ({
        %run_scoped3A = tpu.sem_alloc : memref<!tpu.dma_semaphore, #tpu.memory_space<semaphore_mem>>
        %dma_start3A_101 = arith.constant 0 : i32
        %dma_start3A_102 = tpu.memref_slice %arg7[%add3A_70, %dma_start3A_101] : memref<80x128xi32, #tpu.memory_space<vmem>> -> memref<1x128xi32, #tpu.memory_space<vmem>>
        %dma_start3A_103 = tpu.memref_squeeze %dma_start3A_102 : memref<1x128xi32, #tpu.memory_space<vmem>> -> memref<128xi32, #tpu.memory_space<vmem>>
        %dma_start3A_104 = arith.constant 0 : i32
        %dma_start3A_105 = arith.constant 0 : i32
        %dma_start3A_106 = tpu.memref_slice %arg12[%dma_start3A_104, %dma_start3A_105] : memref<10240x64xf32, #tpu.memory_space<vmem_shared>> -> memref<10240x64xf32, #tpu.memory_space<vmem_shared>>
        tpu.enqueue_indirect_dma source(%arg10 : memref<128x64xf32, #tpu.memory_space<vmem>>) target(%dma_start3A_106 : memref<10240x64xf32, #tpu.memory_space<vmem_shared>>) offsets(%dma_start3A_103 : memref<128xi32, #tpu.memory_space<vmem>>) semaphore(%run_scoped3A : memref<!tpu.dma_semaphore, #tpu.memory_space<semaphore_mem>>) {add = true}
        %dma_wait3A_107 = arith.constant 0 : i32
        %dma_wait3A_108 = tpu.memref_slice %arg7[%add3A_70, %dma_wait3A_107] : memref<80x128xi32, #tpu.memory_space<vmem>> -> memref<1x128xi32, #tpu.memory_space<vmem>>
        %dma_wait3A_109 = tpu.memref_squeeze %dma_wait3A_108 : memref<1x128xi32, #tpu.memory_space<vmem>> -> memref<128xi32, #tpu.memory_space<vmem>>
        %dma_wait3A_110 = arith.constant 0 : i32
        %dma_wait3A_111 = arith.constant 0 : i32
        %dma_wait3A_112 = tpu.memref_slice %arg12[%dma_wait3A_110, %dma_wait3A_111] : memref<10240x64xf32, #tpu.memory_space<vmem_shared>> -> memref<10240x64xf32, #tpu.memory_space<vmem_shared>>
        tpu.wait_indirect_dma semaphore(%run_scoped3A : memref<!tpu.dma_semaphore, #tpu.memory_space<semaphore_mem>>) src(%arg10 : memref<128x64xf32, #tpu.memory_space<vmem>>) dst(%dma_wait3A_112 : memref<10240x64xf32, #tpu.memory_space<vmem_shared>>)
        tpu.yield
      }) : () -> ()
      %add3A_77 = arith.constant 4 : i32
      %add3A_78 = arith.addi %add3A_70, %add3A_77 : i32
      %lt3A_79 = arith.constant 80 : i32
      %lt3A_80 = arith.cmpi slt, %add3A_78, %lt3A_79 : i32
      %convert_element_type3A_81 = arith.extui %lt3A_80 : i1 to i32
      %cond3A_82 = arith.constant 0 : i32
      %cond3A_83 = arith.cmpi ne, %convert_element_type3A_81, %cond3A_82 : i32
      scf.if %cond3A_83 {
        %add3A_101 = arith.constant 4 : i32
        %add3A_102 = arith.addi %add3A_70, %add3A_101 : i32
        %dma_start3A_103 = arith.constant 0 : i32
        %dma_start3A_104 = tpu.memref_slice %arg6[%add3A_102, %dma_start3A_103] : memref<80x128xi32, #tpu.memory_space<vmem>> -> memref<1x128xi32, #tpu.memory_space<vmem>>
        %dma_start3A_105 = tpu.memref_squeeze %dma_start3A_104 : memref<1x128xi32, #tpu.memory_space<vmem>> -> memref<128xi32, #tpu.memory_space<vmem>>
        %dma_start3A_106 = arith.constant 0 : i32
        %dma_start3A_107 = arith.constant 0 : i32
        %dma_start3A_108 = tpu.memref_slice %arg2[%dma_start3A_106, %dma_start3A_107] : memref<10240x64xf32, #tpu.memory_space<hbm>> -> memref<10240x64xf32, #tpu.memory_space<hbm>>
        tpu.enqueue_indirect_dma source(%dma_start3A_108 : memref<10240x64xf32, #tpu.memory_space<hbm>>) target(%arg10 : memref<128x64xf32, #tpu.memory_space<vmem>>) offsets(%dma_start3A_105 : memref<128xi32, #tpu.memory_space<vmem>>) semaphore(%arg15 : memref<!tpu.dma_semaphore, #tpu.memory_space<semaphore_mem>>)
      } else {
      }
      %mul3A_84 = arith.constant 4 : i32
      %mul3A_85 = arith.muli %mul3A_84, %scan3A_36 : i32
      %add3A_86 = arith.constant 3 : i32
      %add3A_87 = arith.addi %mul3A_85, %add3A_86 : i32
      %dma_wait3A_88 = arith.constant 0 : i32
      %dma_wait3A_89 = tpu.memref_slice %arg6[%add3A_87, %dma_wait3A_88] : memref<80x128xi32, #tpu.memory_space<vmem>> -> memref<1x128xi32, #tpu.memory_space<vmem>>
      %dma_wait3A_90 = tpu.memref_squeeze %dma_wait3A_89 : memref<1x128xi32, #tpu.memory_space<vmem>> -> memref<128xi32, #tpu.memory_space<vmem>>
      %dma_wait3A_91 = arith.constant 0 : i32
      %dma_wait3A_92 = arith.constant 0 : i32
      %dma_wait3A_93 = tpu.memref_slice %arg2[%dma_wait3A_91, %dma_wait3A_92] : memref<10240x64xf32, #tpu.memory_space<hbm>> -> memref<10240x64xf32, #tpu.memory_space<hbm>>
      tpu.wait_indirect_dma semaphore(%arg16 : memref<!tpu.dma_semaphore, #tpu.memory_space<semaphore_mem>>) src(%dma_wait3A_93 : memref<10240x64xf32, #tpu.memory_space<hbm>>) dst(%arg11 : memref<128x64xf32, #tpu.memory_space<vmem>>)
      "tpu.region"() ({
        %run_scoped3A = tpu.sem_alloc : memref<!tpu.dma_semaphore, #tpu.memory_space<semaphore_mem>>
        %dma_start3A_101 = arith.constant 0 : i32
        %dma_start3A_102 = tpu.memref_slice %arg7[%add3A_87, %dma_start3A_101] : memref<80x128xi32, #tpu.memory_space<vmem>> -> memref<1x128xi32, #tpu.memory_space<vmem>>
        %dma_start3A_103 = tpu.memref_squeeze %dma_start3A_102 : memref<1x128xi32, #tpu.memory_space<vmem>> -> memref<128xi32, #tpu.memory_space<vmem>>
        %dma_start3A_104 = arith.constant 0 : i32
        %dma_start3A_105 = arith.constant 0 : i32
        %dma_start3A_106 = tpu.memref_slice %arg12[%dma_start3A_104, %dma_start3A_105] : memref<10240x64xf32, #tpu.memory_space<vmem_shared>> -> memref<10240x64xf32, #tpu.memory_space<vmem_shared>>
        tpu.enqueue_indirect_dma source(%arg11 : memref<128x64xf32, #tpu.memory_space<vmem>>) target(%dma_start3A_106 : memref<10240x64xf32, #tpu.memory_space<vmem_shared>>) offsets(%dma_start3A_103 : memref<128xi32, #tpu.memory_space<vmem>>) semaphore(%run_scoped3A : memref<!tpu.dma_semaphore, #tpu.memory_space<semaphore_mem>>) {add = true}
        %dma_wait3A_107 = arith.constant 0 : i32
        %dma_wait3A_108 = tpu.memref_slice %arg7[%add3A_87, %dma_wait3A_107] : memref<80x128xi32, #tpu.memory_space<vmem>> -> memref<1x128xi32, #tpu.memory_space<vmem>>
        %dma_wait3A_109 = tpu.memref_squeeze %dma_wait3A_108 : memref<1x128xi32, #tpu.memory_space<vmem>> -> memref<128xi32, #tpu.memory_space<vmem>>
        %dma_wait3A_110 = arith.constant 0 : i32
        %dma_wait3A_111 = arith.constant 0 : i32
        %dma_wait3A_112 = tpu.memref_slice %arg12[%dma_wait3A_110, %dma_wait3A_111] : memref<10240x64xf32, #tpu.memory_space<vmem_shared>> -> memref<10240x64xf32, #tpu.memory_space<vmem_shared>>
        tpu.wait_indirect_dma semaphore(%run_scoped3A : memref<!tpu.dma_semaphore, #tpu.memory_space<semaphore_mem>>) src(%arg11 : memref<128x64xf32, #tpu.memory_space<vmem>>) dst(%dma_wait3A_112 : memref<10240x64xf32, #tpu.memory_space<vmem_shared>>)
        tpu.yield
      }) : () -> ()
      %add3A_94 = arith.constant 4 : i32
      %add3A_95 = arith.addi %add3A_87, %add3A_94 : i32
      %lt3A_96 = arith.constant 80 : i32
      %lt3A_97 = arith.cmpi slt, %add3A_95, %lt3A_96 : i32
      %convert_element_type3A_98 = arith.extui %lt3A_97 : i1 to i32
      %cond3A_99 = arith.constant 0 : i32
      %cond3A_100 = arith.cmpi ne, %convert_element_type3A_98, %cond3A_99 : i32
      scf.if %cond3A_100 {
        %add3A_101 = arith.constant 4 : i32
        %add3A_102 = arith.addi %add3A_87, %add3A_101 : i32
        %dma_start3A_103 = arith.constant 0 : i32
        %dma_start3A_104 = tpu.memref_slice %arg6[%add3A_102, %dma_start3A_103] : memref<80x128xi32, #tpu.memory_space<vmem>> -> memref<1x128xi32, #tpu.memory_space<vmem>>
        %dma_start3A_105 = tpu.memref_squeeze %dma_start3A_104 : memref<1x128xi32, #tpu.memory_space<vmem>> -> memref<128xi32, #tpu.memory_space<vmem>>
        %dma_start3A_106 = arith.constant 0 : i32
        %dma_start3A_107 = arith.constant 0 : i32
        %dma_start3A_108 = tpu.memref_slice %arg2[%dma_start3A_106, %dma_start3A_107] : memref<10240x64xf32, #tpu.memory_space<hbm>> -> memref<10240x64xf32, #tpu.memory_space<hbm>>
        tpu.enqueue_indirect_dma source(%dma_start3A_108 : memref<10240x64xf32, #tpu.memory_space<hbm>>) target(%arg11 : memref<128x64xf32, #tpu.memory_space<vmem>>) offsets(%dma_start3A_105 : memref<128xi32, #tpu.memory_space<vmem>>) semaphore(%arg16 : memref<!tpu.dma_semaphore, #tpu.memory_space<semaphore_mem>>)
      } else {
      }
    }
    %scan3A_34 = arith.constant 20 : i32
    %barrier3A_35 = arith.constant 0 : index
    tpu.barrier barrier_id(%barrier3A_35)
    "tpu.region"() ({
      %run_scoped3A = tpu.sem_alloc : memref<!tpu.dma_semaphore, #tpu.memory_space<semaphore_mem>>
      %dma_start3A_36 = arith.constant 0 : i32
      %dma_start3A_37 = tpu.memref_slice %arg5[%arg0, %mul3A_2, %dma_start3A_36] : memref<2x10240x64xf32, #tpu.memory_space<hbm>> -> memref<1x640x64xf32, #tpu.memory_space<hbm>>
      %dma_start3A_38 = tpu.memref_squeeze %dma_start3A_37 : memref<1x640x64xf32, #tpu.memory_space<hbm>> -> memref<640x64xf32, #tpu.memory_space<hbm>>
      %dma_start3A_39 = arith.constant 0 : i32
      %dma_start3A_40 = tpu.memref_slice %arg12[%mul3A_2, %dma_start3A_39] : memref<10240x64xf32, #tpu.memory_space<vmem_shared>> -> memref<640x64xf32, #tpu.memory_space<vmem_shared>>
      tpu.enqueue_dma source(%dma_start3A_40 : memref<640x64xf32, #tpu.memory_space<vmem_shared>>) target(%dma_start3A_38 : memref<640x64xf32, #tpu.memory_space<hbm>>) target_semaphore(%run_scoped3A : memref<!tpu.dma_semaphore, #tpu.memory_space<semaphore_mem>>)
      %dma_wait3A = arith.constant 0 : i32
      %dma_wait3A_41 = tpu.memref_slice %arg5[%arg0, %mul3A_2, %dma_wait3A] : memref<2x10240x64xf32, #tpu.memory_space<hbm>> -> memref<1x640x64xf32, #tpu.memory_space<hbm>>
      %dma_wait3A_42 = tpu.memref_squeeze %dma_wait3A_41 : memref<1x640x64xf32, #tpu.memory_space<hbm>> -> memref<640x64xf32, #tpu.memory_space<hbm>>
      %dma_wait3A_43 = arith.constant 0 : i32
      %dma_wait3A_44 = tpu.memref_slice %arg12[%mul3A_2, %dma_wait3A_43] : memref<10240x64xf32, #tpu.memory_space<vmem_shared>> -> memref<640x64xf32, #tpu.memory_space<vmem_shared>>
      tpu.wait_dma2 semaphore(%run_scoped3A : memref<!tpu.dma_semaphore, #tpu.memory_space<semaphore_mem>>) src(%dma_wait3A_44 : memref<640x64xf32, #tpu.memory_space<vmem_shared>>) dst(%dma_wait3A_42 : memref<640x64xf32, #tpu.memory_space<hbm>>)
      tpu.yield
    }) : () -> ()
    return
  }
}

#map = affine_map<(d0, d1) -> (0)>
#map1 = affine_map<(d0, d1) -> (0, 0, 0)>
#map2 = affine_map<(d0, d1) -> (0, 0)>
module attributes {stable_mosaic.version = 14 : i64} {
  func.func @scat(%arg0: i32, %arg1: i32, %arg2: memref<10240xf32, #tpu.memory_space<hbm>>, %arg3: memref<32x80x128xi32, #tpu.memory_space<hbm>>, %arg4: memref<32x80x128xi32, #tpu.memory_space<hbm>>, %arg5: memref<2x10240xf32, #tpu.memory_space<hbm>>, %arg6: memref<80x128xi32, #tpu.memory_space<vmem>>, %arg7: memref<80x128xi32, #tpu.memory_space<vmem>>, %arg8: memref<128xf32, #tpu.memory_space<vmem>>, %arg9: memref<128xf32, #tpu.memory_space<vmem>>, %arg10: memref<128xf32, #tpu.memory_space<vmem>>, %arg11: memref<128xf32, #tpu.memory_space<vmem>>, %arg12: memref<10240xf32, #tpu.memory_space<vmem_shared>>, %arg13: memref<!tpu.dma_semaphore, #tpu.memory_space<semaphore_mem>>, %arg14: memref<!tpu.dma_semaphore, #tpu.memory_space<semaphore_mem>>, %arg15: memref<!tpu.dma_semaphore, #tpu.memory_space<semaphore_mem>>, %arg16: memref<!tpu.dma_semaphore, #tpu.memory_space<semaphore_mem>>) attributes {dimension_semantics = [#tpu.dimension_semantics<core_parallel>, #tpu.dimension_semantics<subcore_parallel>], iteration_bounds = array<i64: 2, 16>, scalar_prefetch = 0 : i64, scratch_operands = 11 : i64, tpu.core_type = #tpu.core_type<sc_vector_subcore>, window_params = [{transform_indices = #map}, {transform_indices = #map1}, {transform_indices = #map1}, {transform_indices = #map2}]} {
    %mul3A = arith.constant 2 : i32
    %mul3A_0 = arith.muli %arg1, %mul3A : i32
    %add3A = arith.addi %mul3A_0, %arg0 : i32
    %mul3A_1 = arith.constant 640 : i32
    %mul3A_2 = arith.muli %arg1, %mul3A_1 : i32
    "tpu.region"() ({
      %run_scoped3A = tpu.sem_alloc : memref<!tpu.dma_semaphore, #tpu.memory_space<semaphore_mem>>
      %dma_start3A_32 = tpu.memref_slice %arg12[%mul3A_2] : memref<10240xf32, #tpu.memory_space<vmem_shared>> -> memref<640xf32, #tpu.memory_space<vmem_shared>>
      %dma_start3A_33 = tpu.memref_slice %arg2[%mul3A_2] : memref<10240xf32, #tpu.memory_space<hbm>> -> memref<640xf32, #tpu.memory_space<hbm>>
      tpu.enqueue_dma source(%dma_start3A_33 : memref<640xf32, #tpu.memory_space<hbm>>) target(%dma_start3A_32 : memref<640xf32, #tpu.memory_space<vmem_shared>>) target_semaphore(%run_scoped3A : memref<!tpu.dma_semaphore, #tpu.memory_space<semaphore_mem>>)
      %dma_wait3A = tpu.memref_slice %arg12[%mul3A_2] : memref<10240xf32, #tpu.memory_space<vmem_shared>> -> memref<640xf32, #tpu.memory_space<vmem_shared>>
      %dma_wait3A_34 = tpu.memref_slice %arg2[%mul3A_2] : memref<10240xf32, #tpu.memory_space<hbm>> -> memref<640xf32, #tpu.memory_space<hbm>>
      tpu.wait_dma2 semaphore(%run_scoped3A : memref<!tpu.dma_semaphore, #tpu.memory_space<semaphore_mem>>) src(%dma_wait3A_34 : memref<640xf32, #tpu.memory_space<hbm>>) dst(%dma_wait3A : memref<640xf32, #tpu.memory_space<vmem_shared>>)
      tpu.yield
    }) : () -> ()
    "tpu.region"() ({
      %run_scoped3A = tpu.sem_alloc : memref<!tpu.dma_semaphore, #tpu.memory_space<semaphore_mem>>
      %dma_start3A_32 = arith.constant 0 : i32
      %dma_start3A_33 = arith.constant 0 : i32
      %dma_start3A_34 = tpu.memref_slice %arg3[%add3A, %dma_start3A_32, %dma_start3A_33] : memref<32x80x128xi32, #tpu.memory_space<hbm>> -> memref<1x80x128xi32, #tpu.memory_space<hbm>>
      %dma_start3A_35 = tpu.memref_squeeze %dma_start3A_34 : memref<1x80x128xi32, #tpu.memory_space<hbm>> -> memref<80x128xi32, #tpu.memory_space<hbm>>
      %dma_start3A_36 = arith.constant 0 : i32
      %dma_start3A_37 = arith.constant 0 : i32
      %dma_start3A_38 = tpu.memref_slice %arg3[%add3A, %dma_start3A_36, %dma_start3A_37] : memref<32x80x128xi32, #tpu.memory_space<hbm>> -> memref<1x80x128xi32, #tpu.memory_space<hbm>>
      %dma_start3A_39 = tpu.memref_squeeze %dma_start3A_38 : memref<1x80x128xi32, #tpu.memory_space<hbm>> -> memref<80x128xi32, #tpu.memory_space<hbm>>
      tpu.enqueue_dma source(%dma_start3A_39 : memref<80x128xi32, #tpu.memory_space<hbm>>) target(%arg6 : memref<80x128xi32, #tpu.memory_space<vmem>>) target_semaphore(%run_scoped3A : memref<!tpu.dma_semaphore, #tpu.memory_space<semaphore_mem>>)
      %dma_wait3A = arith.constant 0 : i32
      %dma_wait3A_40 = arith.constant 0 : i32
      %dma_wait3A_41 = tpu.memref_slice %arg3[%add3A, %dma_wait3A, %dma_wait3A_40] : memref<32x80x128xi32, #tpu.memory_space<hbm>> -> memref<1x80x128xi32, #tpu.memory_space<hbm>>
      %dma_wait3A_42 = tpu.memref_squeeze %dma_wait3A_41 : memref<1x80x128xi32, #tpu.memory_space<hbm>> -> memref<80x128xi32, #tpu.memory_space<hbm>>
      %dma_wait3A_43 = arith.constant 0 : i32
      %dma_wait3A_44 = arith.constant 0 : i32
      %dma_wait3A_45 = tpu.memref_slice %arg3[%add3A, %dma_wait3A_43, %dma_wait3A_44] : memref<32x80x128xi32, #tpu.memory_space<hbm>> -> memref<1x80x128xi32, #tpu.memory_space<hbm>>
      %dma_wait3A_46 = tpu.memref_squeeze %dma_wait3A_45 : memref<1x80x128xi32, #tpu.memory_space<hbm>> -> memref<80x128xi32, #tpu.memory_space<hbm>>
      tpu.wait_dma2 semaphore(%run_scoped3A : memref<!tpu.dma_semaphore, #tpu.memory_space<semaphore_mem>>) src(%dma_wait3A_46 : memref<80x128xi32, #tpu.memory_space<hbm>>) dst(%arg6 : memref<80x128xi32, #tpu.memory_space<vmem>>)
      tpu.yield
    }) : () -> ()
    "tpu.region"() ({
      %run_scoped3A = tpu.sem_alloc : memref<!tpu.dma_semaphore, #tpu.memory_space<semaphore_mem>>
      %dma_start3A_32 = arith.constant 0 : i32
      %dma_start3A_33 = arith.constant 0 : i32
      %dma_start3A_34 = tpu.memref_slice %arg4[%add3A, %dma_start3A_32, %dma_start3A_33] : memref<32x80x128xi32, #tpu.memory_space<hbm>> -> memref<1x80x128xi32, #tpu.memory_space<hbm>>
      %dma_start3A_35 = tpu.memref_squeeze %dma_start3A_34 : memref<1x80x128xi32, #tpu.memory_space<hbm>> -> memref<80x128xi32, #tpu.memory_space<hbm>>
      %dma_start3A_36 = arith.constant 0 : i32
      %dma_start3A_37 = arith.constant 0 : i32
      %dma_start3A_38 = tpu.memref_slice %arg4[%add3A, %dma_start3A_36, %dma_start3A_37] : memref<32x80x128xi32, #tpu.memory_space<hbm>> -> memref<1x80x128xi32, #tpu.memory_space<hbm>>
      %dma_start3A_39 = tpu.memref_squeeze %dma_start3A_38 : memref<1x80x128xi32, #tpu.memory_space<hbm>> -> memref<80x128xi32, #tpu.memory_space<hbm>>
      tpu.enqueue_dma source(%dma_start3A_39 : memref<80x128xi32, #tpu.memory_space<hbm>>) target(%arg7 : memref<80x128xi32, #tpu.memory_space<vmem>>) target_semaphore(%run_scoped3A : memref<!tpu.dma_semaphore, #tpu.memory_space<semaphore_mem>>)
      %dma_wait3A = arith.constant 0 : i32
      %dma_wait3A_40 = arith.constant 0 : i32
      %dma_wait3A_41 = tpu.memref_slice %arg4[%add3A, %dma_wait3A, %dma_wait3A_40] : memref<32x80x128xi32, #tpu.memory_space<hbm>> -> memref<1x80x128xi32, #tpu.memory_space<hbm>>
      %dma_wait3A_42 = tpu.memref_squeeze %dma_wait3A_41 : memref<1x80x128xi32, #tpu.memory_space<hbm>> -> memref<80x128xi32, #tpu.memory_space<hbm>>
      %dma_wait3A_43 = arith.constant 0 : i32
      %dma_wait3A_44 = arith.constant 0 : i32
      %dma_wait3A_45 = tpu.memref_slice %arg4[%add3A, %dma_wait3A_43, %dma_wait3A_44] : memref<32x80x128xi32, #tpu.memory_space<hbm>> -> memref<1x80x128xi32, #tpu.memory_space<hbm>>
      %dma_wait3A_46 = tpu.memref_squeeze %dma_wait3A_45 : memref<1x80x128xi32, #tpu.memory_space<hbm>> -> memref<80x128xi32, #tpu.memory_space<hbm>>
      tpu.wait_dma2 semaphore(%run_scoped3A : memref<!tpu.dma_semaphore, #tpu.memory_space<semaphore_mem>>) src(%dma_wait3A_46 : memref<80x128xi32, #tpu.memory_space<hbm>>) dst(%arg7 : memref<80x128xi32, #tpu.memory_space<vmem>>)
      tpu.yield
    }) : () -> ()
    %barrier3A = arith.constant 0 : index
    tpu.barrier barrier_id(%barrier3A)
    %dma_start3A = arith.constant 0 : i32
    %dma_start3A_3 = arith.constant 0 : i32
    %dma_start3A_4 = tpu.memref_slice %arg6[%dma_start3A, %dma_start3A_3] : memref<80x128xi32, #tpu.memory_space<vmem>> -> memref<1x128xi32, #tpu.memory_space<vmem>>
    %dma_start3A_5 = tpu.memref_squeeze %dma_start3A_4 : memref<1x128xi32, #tpu.memory_space<vmem>> -> memref<128xi32, #tpu.memory_space<vmem>>
    %dma_start3A_6 = arith.constant 0 : i32
    %dma_start3A_7 = tpu.memref_slice %arg2[%dma_start3A_6] : memref<10240xf32, #tpu.memory_space<hbm>> -> memref<10240xf32, #tpu.memory_space<hbm>>
    tpu.enqueue_indirect_dma source(%dma_start3A_7 : memref<10240xf32, #tpu.memory_space<hbm>>) target(%arg8 : memref<128xf32, #tpu.memory_space<vmem>>) offsets(%dma_start3A_5 : memref<128xi32, #tpu.memory_space<vmem>>) semaphore(%arg13 : memref<!tpu.dma_semaphore, #tpu.memory_space<semaphore_mem>>)
    %dma_start3A_8 = arith.constant 1 : i32
    %dma_start3A_9 = arith.constant 0 : i32
    %dma_start3A_10 = tpu.memref_slice %arg6[%dma_start3A_8, %dma_start3A_9] : memref<80x128xi32, #tpu.memory_space<vmem>> -> memref<1x128xi32, #tpu.memory_space<vmem>>
    %dma_start3A_11 = tpu.memref_squeeze %dma_start3A_10 : memref<1x128xi32, #tpu.memory_space<vmem>> -> memref<128xi32, #tpu.memory_space<vmem>>
    %dma_start3A_12 = arith.constant 0 : i32
    %dma_start3A_13 = tpu.memref_slice %arg2[%dma_start3A_12] : memref<10240xf32, #tpu.memory_space<hbm>> -> memref<10240xf32, #tpu.memory_space<hbm>>
    tpu.enqueue_indirect_dma source(%dma_start3A_13 : memref<10240xf32, #tpu.memory_space<hbm>>) target(%arg9 : memref<128xf32, #tpu.memory_space<vmem>>) offsets(%dma_start3A_11 : memref<128xi32, #tpu.memory_space<vmem>>) semaphore(%arg14 : memref<!tpu.dma_semaphore, #tpu.memory_space<semaphore_mem>>)
    %dma_start3A_14 = arith.constant 2 : i32
    %dma_start3A_15 = arith.constant 0 : i32
    %dma_start3A_16 = tpu.memref_slice %arg6[%dma_start3A_14, %dma_start3A_15] : memref<80x128xi32, #tpu.memory_space<vmem>> -> memref<1x128xi32, #tpu.memory_space<vmem>>
    %dma_start3A_17 = tpu.memref_squeeze %dma_start3A_16 : memref<1x128xi32, #tpu.memory_space<vmem>> -> memref<128xi32, #tpu.memory_space<vmem>>
    %dma_start3A_18 = arith.constant 0 : i32
    %dma_start3A_19 = tpu.memref_slice %arg2[%dma_start3A_18] : memref<10240xf32, #tpu.memory_space<hbm>> -> memref<10240xf32, #tpu.memory_space<hbm>>
    tpu.enqueue_indirect_dma source(%dma_start3A_19 : memref<10240xf32, #tpu.memory_space<hbm>>) target(%arg10 : memref<128xf32, #tpu.memory_space<vmem>>) offsets(%dma_start3A_17 : memref<128xi32, #tpu.memory_space<vmem>>) semaphore(%arg15 : memref<!tpu.dma_semaphore, #tpu.memory_space<semaphore_mem>>)
    %dma_start3A_20 = arith.constant 3 : i32
    %dma_start3A_21 = arith.constant 0 : i32
    %dma_start3A_22 = tpu.memref_slice %arg6[%dma_start3A_20, %dma_start3A_21] : memref<80x128xi32, #tpu.memory_space<vmem>> -> memref<1x128xi32, #tpu.memory_space<vmem>>
    %dma_start3A_23 = tpu.memref_squeeze %dma_start3A_22 : memref<1x128xi32, #tpu.memory_space<vmem>> -> memref<128xi32, #tpu.memory_space<vmem>>
    %dma_start3A_24 = arith.constant 0 : i32
    %dma_start3A_25 = tpu.memref_slice %arg2[%dma_start3A_24] : memref<10240xf32, #tpu.memory_space<hbm>> -> memref<10240xf32, #tpu.memory_space<hbm>>
    tpu.enqueue_indirect_dma source(%dma_start3A_25 : memref<10240xf32, #tpu.memory_space<hbm>>) target(%arg11 : memref<128xf32, #tpu.memory_space<vmem>>) offsets(%dma_start3A_23 : memref<128xi32, #tpu.memory_space<vmem>>) semaphore(%arg16 : memref<!tpu.dma_semaphore, #tpu.memory_space<semaphore_mem>>)
    %scan3A = arith.constant 0 : i32
    %scan3A_26 = arith.constant 0 : i32
    %scan3A_27 = arith.constant 20 : i32
    %scan3A_28 = arith.addi %scan3A_26, %scan3A_27 : i32
    %scan3A_29 = arith.constant 1 : i32
    scf.for %scan3A_32 = %scan3A_26 to %scan3A_28 step %scan3A_29  : i32 {
      %mul3A_33 = arith.constant 4 : i32
      %mul3A_34 = arith.muli %mul3A_33, %scan3A_32 : i32
      %add3A_35 = arith.constant 0 : i32
      %add3A_36 = arith.addi %mul3A_34, %add3A_35 : i32
      %dma_wait3A = arith.constant 0 : i32
      %dma_wait3A_37 = tpu.memref_slice %arg6[%add3A_36, %dma_wait3A] : memref<80x128xi32, #tpu.memory_space<vmem>> -> memref<1x128xi32, #tpu.memory_space<vmem>>
      %dma_wait3A_38 = tpu.memref_squeeze %dma_wait3A_37 : memref<1x128xi32, #tpu.memory_space<vmem>> -> memref<128xi32, #tpu.memory_space<vmem>>
      %dma_wait3A_39 = arith.constant 0 : i32
      %dma_wait3A_40 = tpu.memref_slice %arg2[%dma_wait3A_39] : memref<10240xf32, #tpu.memory_space<hbm>> -> memref<10240xf32, #tpu.memory_space<hbm>>
      tpu.wait_indirect_dma semaphore(%arg13 : memref<!tpu.dma_semaphore, #tpu.memory_space<semaphore_mem>>) src(%dma_wait3A_40 : memref<10240xf32, #tpu.memory_space<hbm>>) dst(%arg8 : memref<128xf32, #tpu.memory_space<vmem>>)
      "tpu.region"() ({
        %run_scoped3A = tpu.sem_alloc : memref<!tpu.dma_semaphore, #tpu.memory_space<semaphore_mem>>
        %dma_start3A_93 = arith.constant 0 : i32
        %dma_start3A_94 = tpu.memref_slice %arg7[%add3A_36, %dma_start3A_93] : memref<80x128xi32, #tpu.memory_space<vmem>> -> memref<1x128xi32, #tpu.memory_space<vmem>>
        %dma_start3A_95 = tpu.memref_squeeze %dma_start3A_94 : memref<1x128xi32, #tpu.memory_space<vmem>> -> memref<128xi32, #tpu.memory_space<vmem>>
        %dma_start3A_96 = arith.constant 0 : i32
        %dma_start3A_97 = tpu.memref_slice %arg12[%dma_start3A_96] : memref<10240xf32, #tpu.memory_space<vmem_shared>> -> memref<10240xf32, #tpu.memory_space<vmem_shared>>
        tpu.enqueue_indirect_dma source(%arg8 : memref<128xf32, #tpu.memory_space<vmem>>) target(%dma_start3A_97 : memref<10240xf32, #tpu.memory_space<vmem_shared>>) offsets(%dma_start3A_95 : memref<128xi32, #tpu.memory_space<vmem>>) semaphore(%run_scoped3A : memref<!tpu.dma_semaphore, #tpu.memory_space<semaphore_mem>>) {add = true}
        %dma_wait3A_98 = arith.constant 0 : i32
        %dma_wait3A_99 = tpu.memref_slice %arg7[%add3A_36, %dma_wait3A_98] : memref<80x128xi32, #tpu.memory_space<vmem>> -> memref<1x128xi32, #tpu.memory_space<vmem>>
        %dma_wait3A_100 = tpu.memref_squeeze %dma_wait3A_99 : memref<1x128xi32, #tpu.memory_space<vmem>> -> memref<128xi32, #tpu.memory_space<vmem>>
        %dma_wait3A_101 = arith.constant 0 : i32
        %dma_wait3A_102 = tpu.memref_slice %arg12[%dma_wait3A_101] : memref<10240xf32, #tpu.memory_space<vmem_shared>> -> memref<10240xf32, #tpu.memory_space<vmem_shared>>
        tpu.wait_indirect_dma semaphore(%run_scoped3A : memref<!tpu.dma_semaphore, #tpu.memory_space<semaphore_mem>>) src(%arg8 : memref<128xf32, #tpu.memory_space<vmem>>) dst(%dma_wait3A_102 : memref<10240xf32, #tpu.memory_space<vmem_shared>>)
        tpu.yield
      }) : () -> ()
      %add3A_41 = arith.constant 4 : i32
      %add3A_42 = arith.addi %add3A_36, %add3A_41 : i32
      %lt3A = arith.constant 80 : i32
      %lt3A_43 = arith.cmpi slt, %add3A_42, %lt3A : i32
      %convert_element_type3A = arith.extui %lt3A_43 : i1 to i32
      %cond3A = arith.constant 0 : i32
      %cond3A_44 = arith.cmpi ne, %convert_element_type3A, %cond3A : i32
      scf.if %cond3A_44 {
        %add3A_93 = arith.constant 4 : i32
        %add3A_94 = arith.addi %add3A_36, %add3A_93 : i32
        %dma_start3A_95 = arith.constant 0 : i32
        %dma_start3A_96 = tpu.memref_slice %arg6[%add3A_94, %dma_start3A_95] : memref<80x128xi32, #tpu.memory_space<vmem>> -> memref<1x128xi32, #tpu.memory_space<vmem>>
        %dma_start3A_97 = tpu.memref_squeeze %dma_start3A_96 : memref<1x128xi32, #tpu.memory_space<vmem>> -> memref<128xi32, #tpu.memory_space<vmem>>
        %dma_start3A_98 = arith.constant 0 : i32
        %dma_start3A_99 = tpu.memref_slice %arg2[%dma_start3A_98] : memref<10240xf32, #tpu.memory_space<hbm>> -> memref<10240xf32, #tpu.memory_space<hbm>>
        tpu.enqueue_indirect_dma source(%dma_start3A_99 : memref<10240xf32, #tpu.memory_space<hbm>>) target(%arg8 : memref<128xf32, #tpu.memory_space<vmem>>) offsets(%dma_start3A_97 : memref<128xi32, #tpu.memory_space<vmem>>) semaphore(%arg13 : memref<!tpu.dma_semaphore, #tpu.memory_space<semaphore_mem>>)
      } else {
      }
      %mul3A_45 = arith.constant 4 : i32
      %mul3A_46 = arith.muli %mul3A_45, %scan3A_32 : i32
      %add3A_47 = arith.constant 1 : i32
      %add3A_48 = arith.addi %mul3A_46, %add3A_47 : i32
      %dma_wait3A_49 = arith.constant 0 : i32
      %dma_wait3A_50 = tpu.memref_slice %arg6[%add3A_48, %dma_wait3A_49] : memref<80x128xi32, #tpu.memory_space<vmem>> -> memref<1x128xi32, #tpu.memory_space<vmem>>
      %dma_wait3A_51 = tpu.memref_squeeze %dma_wait3A_50 : memref<1x128xi32, #tpu.memory_space<vmem>> -> memref<128xi32, #tpu.memory_space<vmem>>
      %dma_wait3A_52 = arith.constant 0 : i32
      %dma_wait3A_53 = tpu.memref_slice %arg2[%dma_wait3A_52] : memref<10240xf32, #tpu.memory_space<hbm>> -> memref<10240xf32, #tpu.memory_space<hbm>>
      tpu.wait_indirect_dma semaphore(%arg14 : memref<!tpu.dma_semaphore, #tpu.memory_space<semaphore_mem>>) src(%dma_wait3A_53 : memref<10240xf32, #tpu.memory_space<hbm>>) dst(%arg9 : memref<128xf32, #tpu.memory_space<vmem>>)
      "tpu.region"() ({
        %run_scoped3A = tpu.sem_alloc : memref<!tpu.dma_semaphore, #tpu.memory_space<semaphore_mem>>
        %dma_start3A_93 = arith.constant 0 : i32
        %dma_start3A_94 = tpu.memref_slice %arg7[%add3A_48, %dma_start3A_93] : memref<80x128xi32, #tpu.memory_space<vmem>> -> memref<1x128xi32, #tpu.memory_space<vmem>>
        %dma_start3A_95 = tpu.memref_squeeze %dma_start3A_94 : memref<1x128xi32, #tpu.memory_space<vmem>> -> memref<128xi32, #tpu.memory_space<vmem>>
        %dma_start3A_96 = arith.constant 0 : i32
        %dma_start3A_97 = tpu.memref_slice %arg12[%dma_start3A_96] : memref<10240xf32, #tpu.memory_space<vmem_shared>> -> memref<10240xf32, #tpu.memory_space<vmem_shared>>
        tpu.enqueue_indirect_dma source(%arg9 : memref<128xf32, #tpu.memory_space<vmem>>) target(%dma_start3A_97 : memref<10240xf32, #tpu.memory_space<vmem_shared>>) offsets(%dma_start3A_95 : memref<128xi32, #tpu.memory_space<vmem>>) semaphore(%run_scoped3A : memref<!tpu.dma_semaphore, #tpu.memory_space<semaphore_mem>>) {add = true}
        %dma_wait3A_98 = arith.constant 0 : i32
        %dma_wait3A_99 = tpu.memref_slice %arg7[%add3A_48, %dma_wait3A_98] : memref<80x128xi32, #tpu.memory_space<vmem>> -> memref<1x128xi32, #tpu.memory_space<vmem>>
        %dma_wait3A_100 = tpu.memref_squeeze %dma_wait3A_99 : memref<1x128xi32, #tpu.memory_space<vmem>> -> memref<128xi32, #tpu.memory_space<vmem>>
        %dma_wait3A_101 = arith.constant 0 : i32
        %dma_wait3A_102 = tpu.memref_slice %arg12[%dma_wait3A_101] : memref<10240xf32, #tpu.memory_space<vmem_shared>> -> memref<10240xf32, #tpu.memory_space<vmem_shared>>
        tpu.wait_indirect_dma semaphore(%run_scoped3A : memref<!tpu.dma_semaphore, #tpu.memory_space<semaphore_mem>>) src(%arg9 : memref<128xf32, #tpu.memory_space<vmem>>) dst(%dma_wait3A_102 : memref<10240xf32, #tpu.memory_space<vmem_shared>>)
        tpu.yield
      }) : () -> ()
      %add3A_54 = arith.constant 4 : i32
      %add3A_55 = arith.addi %add3A_48, %add3A_54 : i32
      %lt3A_56 = arith.constant 80 : i32
      %lt3A_57 = arith.cmpi slt, %add3A_55, %lt3A_56 : i32
      %convert_element_type3A_58 = arith.extui %lt3A_57 : i1 to i32
      %cond3A_59 = arith.constant 0 : i32
      %cond3A_60 = arith.cmpi ne, %convert_element_type3A_58, %cond3A_59 : i32
      scf.if %cond3A_60 {
        %add3A_93 = arith.constant 4 : i32
        %add3A_94 = arith.addi %add3A_48, %add3A_93 : i32
        %dma_start3A_95 = arith.constant 0 : i32
        %dma_start3A_96 = tpu.memref_slice %arg6[%add3A_94, %dma_start3A_95] : memref<80x128xi32, #tpu.memory_space<vmem>> -> memref<1x128xi32, #tpu.memory_space<vmem>>
        %dma_start3A_97 = tpu.memref_squeeze %dma_start3A_96 : memref<1x128xi32, #tpu.memory_space<vmem>> -> memref<128xi32, #tpu.memory_space<vmem>>
        %dma_start3A_98 = arith.constant 0 : i32
        %dma_start3A_99 = tpu.memref_slice %arg2[%dma_start3A_98] : memref<10240xf32, #tpu.memory_space<hbm>> -> memref<10240xf32, #tpu.memory_space<hbm>>
        tpu.enqueue_indirect_dma source(%dma_start3A_99 : memref<10240xf32, #tpu.memory_space<hbm>>) target(%arg9 : memref<128xf32, #tpu.memory_space<vmem>>) offsets(%dma_start3A_97 : memref<128xi32, #tpu.memory_space<vmem>>) semaphore(%arg14 : memref<!tpu.dma_semaphore, #tpu.memory_space<semaphore_mem>>)
      } else {
      }
      %mul3A_61 = arith.constant 4 : i32
      %mul3A_62 = arith.muli %mul3A_61, %scan3A_32 : i32
      %add3A_63 = arith.constant 2 : i32
      %add3A_64 = arith.addi %mul3A_62, %add3A_63 : i32
      %dma_wait3A_65 = arith.constant 0 : i32
      %dma_wait3A_66 = tpu.memref_slice %arg6[%add3A_64, %dma_wait3A_65] : memref<80x128xi32, #tpu.memory_space<vmem>> -> memref<1x128xi32, #tpu.memory_space<vmem>>
      %dma_wait3A_67 = tpu.memref_squeeze %dma_wait3A_66 : memref<1x128xi32, #tpu.memory_space<vmem>> -> memref<128xi32, #tpu.memory_space<vmem>>
      %dma_wait3A_68 = arith.constant 0 : i32
      %dma_wait3A_69 = tpu.memref_slice %arg2[%dma_wait3A_68] : memref<10240xf32, #tpu.memory_space<hbm>> -> memref<10240xf32, #tpu.memory_space<hbm>>
      tpu.wait_indirect_dma semaphore(%arg15 : memref<!tpu.dma_semaphore, #tpu.memory_space<semaphore_mem>>) src(%dma_wait3A_69 : memref<10240xf32, #tpu.memory_space<hbm>>) dst(%arg10 : memref<128xf32, #tpu.memory_space<vmem>>)
      "tpu.region"() ({
        %run_scoped3A = tpu.sem_alloc : memref<!tpu.dma_semaphore, #tpu.memory_space<semaphore_mem>>
        %dma_start3A_93 = arith.constant 0 : i32
        %dma_start3A_94 = tpu.memref_slice %arg7[%add3A_64, %dma_start3A_93] : memref<80x128xi32, #tpu.memory_space<vmem>> -> memref<1x128xi32, #tpu.memory_space<vmem>>
        %dma_start3A_95 = tpu.memref_squeeze %dma_start3A_94 : memref<1x128xi32, #tpu.memory_space<vmem>> -> memref<128xi32, #tpu.memory_space<vmem>>
        %dma_start3A_96 = arith.constant 0 : i32
        %dma_start3A_97 = tpu.memref_slice %arg12[%dma_start3A_96] : memref<10240xf32, #tpu.memory_space<vmem_shared>> -> memref<10240xf32, #tpu.memory_space<vmem_shared>>
        tpu.enqueue_indirect_dma source(%arg10 : memref<128xf32, #tpu.memory_space<vmem>>) target(%dma_start3A_97 : memref<10240xf32, #tpu.memory_space<vmem_shared>>) offsets(%dma_start3A_95 : memref<128xi32, #tpu.memory_space<vmem>>) semaphore(%run_scoped3A : memref<!tpu.dma_semaphore, #tpu.memory_space<semaphore_mem>>) {add = true}
        %dma_wait3A_98 = arith.constant 0 : i32
        %dma_wait3A_99 = tpu.memref_slice %arg7[%add3A_64, %dma_wait3A_98] : memref<80x128xi32, #tpu.memory_space<vmem>> -> memref<1x128xi32, #tpu.memory_space<vmem>>
        %dma_wait3A_100 = tpu.memref_squeeze %dma_wait3A_99 : memref<1x128xi32, #tpu.memory_space<vmem>> -> memref<128xi32, #tpu.memory_space<vmem>>
        %dma_wait3A_101 = arith.constant 0 : i32
        %dma_wait3A_102 = tpu.memref_slice %arg12[%dma_wait3A_101] : memref<10240xf32, #tpu.memory_space<vmem_shared>> -> memref<10240xf32, #tpu.memory_space<vmem_shared>>
        tpu.wait_indirect_dma semaphore(%run_scoped3A : memref<!tpu.dma_semaphore, #tpu.memory_space<semaphore_mem>>) src(%arg10 : memref<128xf32, #tpu.memory_space<vmem>>) dst(%dma_wait3A_102 : memref<10240xf32, #tpu.memory_space<vmem_shared>>)
        tpu.yield
      }) : () -> ()
      %add3A_70 = arith.constant 4 : i32
      %add3A_71 = arith.addi %add3A_64, %add3A_70 : i32
      %lt3A_72 = arith.constant 80 : i32
      %lt3A_73 = arith.cmpi slt, %add3A_71, %lt3A_72 : i32
      %convert_element_type3A_74 = arith.extui %lt3A_73 : i1 to i32
      %cond3A_75 = arith.constant 0 : i32
      %cond3A_76 = arith.cmpi ne, %convert_element_type3A_74, %cond3A_75 : i32
      scf.if %cond3A_76 {
        %add3A_93 = arith.constant 4 : i32
        %add3A_94 = arith.addi %add3A_64, %add3A_93 : i32
        %dma_start3A_95 = arith.constant 0 : i32
        %dma_start3A_96 = tpu.memref_slice %arg6[%add3A_94, %dma_start3A_95] : memref<80x128xi32, #tpu.memory_space<vmem>> -> memref<1x128xi32, #tpu.memory_space<vmem>>
        %dma_start3A_97 = tpu.memref_squeeze %dma_start3A_96 : memref<1x128xi32, #tpu.memory_space<vmem>> -> memref<128xi32, #tpu.memory_space<vmem>>
        %dma_start3A_98 = arith.constant 0 : i32
        %dma_start3A_99 = tpu.memref_slice %arg2[%dma_start3A_98] : memref<10240xf32, #tpu.memory_space<hbm>> -> memref<10240xf32, #tpu.memory_space<hbm>>
        tpu.enqueue_indirect_dma source(%dma_start3A_99 : memref<10240xf32, #tpu.memory_space<hbm>>) target(%arg10 : memref<128xf32, #tpu.memory_space<vmem>>) offsets(%dma_start3A_97 : memref<128xi32, #tpu.memory_space<vmem>>) semaphore(%arg15 : memref<!tpu.dma_semaphore, #tpu.memory_space<semaphore_mem>>)
      } else {
      }
      %mul3A_77 = arith.constant 4 : i32
      %mul3A_78 = arith.muli %mul3A_77, %scan3A_32 : i32
      %add3A_79 = arith.constant 3 : i32
      %add3A_80 = arith.addi %mul3A_78, %add3A_79 : i32
      %dma_wait3A_81 = arith.constant 0 : i32
      %dma_wait3A_82 = tpu.memref_slice %arg6[%add3A_80, %dma_wait3A_81] : memref<80x128xi32, #tpu.memory_space<vmem>> -> memref<1x128xi32, #tpu.memory_space<vmem>>
      %dma_wait3A_83 = tpu.memref_squeeze %dma_wait3A_82 : memref<1x128xi32, #tpu.memory_space<vmem>> -> memref<128xi32, #tpu.memory_space<vmem>>
      %dma_wait3A_84 = arith.constant 0 : i32
      %dma_wait3A_85 = tpu.memref_slice %arg2[%dma_wait3A_84] : memref<10240xf32, #tpu.memory_space<hbm>> -> memref<10240xf32, #tpu.memory_space<hbm>>
      tpu.wait_indirect_dma semaphore(%arg16 : memref<!tpu.dma_semaphore, #tpu.memory_space<semaphore_mem>>) src(%dma_wait3A_85 : memref<10240xf32, #tpu.memory_space<hbm>>) dst(%arg11 : memref<128xf32, #tpu.memory_space<vmem>>)
      "tpu.region"() ({
        %run_scoped3A = tpu.sem_alloc : memref<!tpu.dma_semaphore, #tpu.memory_space<semaphore_mem>>
        %dma_start3A_93 = arith.constant 0 : i32
        %dma_start3A_94 = tpu.memref_slice %arg7[%add3A_80, %dma_start3A_93] : memref<80x128xi32, #tpu.memory_space<vmem>> -> memref<1x128xi32, #tpu.memory_space<vmem>>
        %dma_start3A_95 = tpu.memref_squeeze %dma_start3A_94 : memref<1x128xi32, #tpu.memory_space<vmem>> -> memref<128xi32, #tpu.memory_space<vmem>>
        %dma_start3A_96 = arith.constant 0 : i32
        %dma_start3A_97 = tpu.memref_slice %arg12[%dma_start3A_96] : memref<10240xf32, #tpu.memory_space<vmem_shared>> -> memref<10240xf32, #tpu.memory_space<vmem_shared>>
        tpu.enqueue_indirect_dma source(%arg11 : memref<128xf32, #tpu.memory_space<vmem>>) target(%dma_start3A_97 : memref<10240xf32, #tpu.memory_space<vmem_shared>>) offsets(%dma_start3A_95 : memref<128xi32, #tpu.memory_space<vmem>>) semaphore(%run_scoped3A : memref<!tpu.dma_semaphore, #tpu.memory_space<semaphore_mem>>) {add = true}
        %dma_wait3A_98 = arith.constant 0 : i32
        %dma_wait3A_99 = tpu.memref_slice %arg7[%add3A_80, %dma_wait3A_98] : memref<80x128xi32, #tpu.memory_space<vmem>> -> memref<1x128xi32, #tpu.memory_space<vmem>>
        %dma_wait3A_100 = tpu.memref_squeeze %dma_wait3A_99 : memref<1x128xi32, #tpu.memory_space<vmem>> -> memref<128xi32, #tpu.memory_space<vmem>>
        %dma_wait3A_101 = arith.constant 0 : i32
        %dma_wait3A_102 = tpu.memref_slice %arg12[%dma_wait3A_101] : memref<10240xf32, #tpu.memory_space<vmem_shared>> -> memref<10240xf32, #tpu.memory_space<vmem_shared>>
        tpu.wait_indirect_dma semaphore(%run_scoped3A : memref<!tpu.dma_semaphore, #tpu.memory_space<semaphore_mem>>) src(%arg11 : memref<128xf32, #tpu.memory_space<vmem>>) dst(%dma_wait3A_102 : memref<10240xf32, #tpu.memory_space<vmem_shared>>)
        tpu.yield
      }) : () -> ()
      %add3A_86 = arith.constant 4 : i32
      %add3A_87 = arith.addi %add3A_80, %add3A_86 : i32
      %lt3A_88 = arith.constant 80 : i32
      %lt3A_89 = arith.cmpi slt, %add3A_87, %lt3A_88 : i32
      %convert_element_type3A_90 = arith.extui %lt3A_89 : i1 to i32
      %cond3A_91 = arith.constant 0 : i32
      %cond3A_92 = arith.cmpi ne, %convert_element_type3A_90, %cond3A_91 : i32
      scf.if %cond3A_92 {
        %add3A_93 = arith.constant 4 : i32
        %add3A_94 = arith.addi %add3A_80, %add3A_93 : i32
        %dma_start3A_95 = arith.constant 0 : i32
        %dma_start3A_96 = tpu.memref_slice %arg6[%add3A_94, %dma_start3A_95] : memref<80x128xi32, #tpu.memory_space<vmem>> -> memref<1x128xi32, #tpu.memory_space<vmem>>
        %dma_start3A_97 = tpu.memref_squeeze %dma_start3A_96 : memref<1x128xi32, #tpu.memory_space<vmem>> -> memref<128xi32, #tpu.memory_space<vmem>>
        %dma_start3A_98 = arith.constant 0 : i32
        %dma_start3A_99 = tpu.memref_slice %arg2[%dma_start3A_98] : memref<10240xf32, #tpu.memory_space<hbm>> -> memref<10240xf32, #tpu.memory_space<hbm>>
        tpu.enqueue_indirect_dma source(%dma_start3A_99 : memref<10240xf32, #tpu.memory_space<hbm>>) target(%arg11 : memref<128xf32, #tpu.memory_space<vmem>>) offsets(%dma_start3A_97 : memref<128xi32, #tpu.memory_space<vmem>>) semaphore(%arg16 : memref<!tpu.dma_semaphore, #tpu.memory_space<semaphore_mem>>)
      } else {
      }
    }
    %scan3A_30 = arith.constant 20 : i32
    %barrier3A_31 = arith.constant 0 : index
    tpu.barrier barrier_id(%barrier3A_31)
    "tpu.region"() ({
      %run_scoped3A = tpu.sem_alloc : memref<!tpu.dma_semaphore, #tpu.memory_space<semaphore_mem>>
      %dma_start3A_32 = tpu.memref_slice %arg5[%arg0, %mul3A_2] : memref<2x10240xf32, #tpu.memory_space<hbm>> -> memref<1x640xf32, #tpu.memory_space<hbm>>
      %dma_start3A_33 = tpu.memref_squeeze %dma_start3A_32 : memref<1x640xf32, #tpu.memory_space<hbm>> -> memref<640xf32, #tpu.memory_space<hbm>>
      %dma_start3A_34 = tpu.memref_slice %arg12[%mul3A_2] : memref<10240xf32, #tpu.memory_space<vmem_shared>> -> memref<640xf32, #tpu.memory_space<vmem_shared>>
      tpu.enqueue_dma source(%dma_start3A_34 : memref<640xf32, #tpu.memory_space<vmem_shared>>) target(%dma_start3A_33 : memref<640xf32, #tpu.memory_space<hbm>>) target_semaphore(%run_scoped3A : memref<!tpu.dma_semaphore, #tpu.memory_space<semaphore_mem>>)
      %dma_wait3A = tpu.memref_slice %arg5[%arg0, %mul3A_2] : memref<2x10240xf32, #tpu.memory_space<hbm>> -> memref<1x640xf32, #tpu.memory_space<hbm>>
      %dma_wait3A_35 = tpu.memref_squeeze %dma_wait3A : memref<1x640xf32, #tpu.memory_space<hbm>> -> memref<640xf32, #tpu.memory_space<hbm>>
      %dma_wait3A_36 = tpu.memref_slice %arg12[%mul3A_2] : memref<10240xf32, #tpu.memory_space<vmem_shared>> -> memref<640xf32, #tpu.memory_space<vmem_shared>>
      tpu.wait_dma2 semaphore(%run_scoped3A : memref<!tpu.dma_semaphore, #tpu.memory_space<semaphore_mem>>) src(%dma_wait3A_36 : memref<640xf32, #tpu.memory_space<vmem_shared>>) dst(%dma_wait3A_35 : memref<640xf32, #tpu.memory_space<hbm>>)
      tpu.yield
    }) : () -> ()
    return
  }
}

#map = affine_map<(d0, d1) -> (0, 0)>
#map1 = affine_map<(d0, d1) -> (0, 0, 0)>
module attributes {stable_mosaic.version = 14 : i64} {
  func.func @scat(%arg0: i32, %arg1: i32, %arg2: memref<10240x32xf32, #tpu.memory_space<hbm>>, %arg3: memref<32x80x128xi32, #tpu.memory_space<hbm>>, %arg4: memref<32x80x128xi32, #tpu.memory_space<hbm>>, %arg5: memref<2x10240x32xf32, #tpu.memory_space<hbm>>, %arg6: memref<80x128xi32, #tpu.memory_space<vmem>>, %arg7: memref<80x128xi32, #tpu.memory_space<vmem>>, %arg8: memref<128x32xf32, #tpu.memory_space<vmem>>, %arg9: memref<128x32xf32, #tpu.memory_space<vmem>>, %arg10: memref<128x32xf32, #tpu.memory_space<vmem>>, %arg11: memref<128x32xf32, #tpu.memory_space<vmem>>, %arg12: memref<10240x32xf32, #tpu.memory_space<vmem_shared>>, %arg13: memref<!tpu.dma_semaphore, #tpu.memory_space<semaphore_mem>>, %arg14: memref<!tpu.dma_semaphore, #tpu.memory_space<semaphore_mem>>, %arg15: memref<!tpu.dma_semaphore, #tpu.memory_space<semaphore_mem>>, %arg16: memref<!tpu.dma_semaphore, #tpu.memory_space<semaphore_mem>>) attributes {dimension_semantics = [#tpu.dimension_semantics<core_parallel>, #tpu.dimension_semantics<subcore_parallel>], iteration_bounds = array<i64: 2, 16>, scalar_prefetch = 0 : i64, scratch_operands = 11 : i64, tpu.core_type = #tpu.core_type<sc_vector_subcore>, window_params = [{transform_indices = #map}, {transform_indices = #map1}, {transform_indices = #map1}, {transform_indices = #map1}]} {
    %mul3A = arith.constant 2 : i32
    %mul3A_0 = arith.muli %arg1, %mul3A : i32
    %add3A = arith.addi %mul3A_0, %arg0 : i32
    %mul3A_1 = arith.constant 640 : i32
    %mul3A_2 = arith.muli %arg1, %mul3A_1 : i32
    "tpu.region"() ({
      %run_scoped3A = tpu.sem_alloc : memref<!tpu.dma_semaphore, #tpu.memory_space<semaphore_mem>>
      %dma_start3A_36 = arith.constant 0 : i32
      %dma_start3A_37 = tpu.memref_slice %arg12[%mul3A_2, %dma_start3A_36] : memref<10240x32xf32, #tpu.memory_space<vmem_shared>> -> memref<640x32xf32, #tpu.memory_space<vmem_shared>>
      %dma_start3A_38 = arith.constant 0 : i32
      %dma_start3A_39 = tpu.memref_slice %arg2[%mul3A_2, %dma_start3A_38] : memref<10240x32xf32, #tpu.memory_space<hbm>> -> memref<640x32xf32, #tpu.memory_space<hbm>>
      tpu.enqueue_dma source(%dma_start3A_39 : memref<640x32xf32, #tpu.memory_space<hbm>>) target(%dma_start3A_37 : memref<640x32xf32, #tpu.memory_space<vmem_shared>>) target_semaphore(%run_scoped3A : memref<!tpu.dma_semaphore, #tpu.memory_space<semaphore_mem>>)
      %dma_wait3A = arith.constant 0 : i32
      %dma_wait3A_40 = tpu.memref_slice %arg12[%mul3A_2, %dma_wait3A] : memref<10240x32xf32, #tpu.memory_space<vmem_shared>> -> memref<640x32xf32, #tpu.memory_space<vmem_shared>>
      %dma_wait3A_41 = arith.constant 0 : i32
      %dma_wait3A_42 = tpu.memref_slice %arg2[%mul3A_2, %dma_wait3A_41] : memref<10240x32xf32, #tpu.memory_space<hbm>> -> memref<640x32xf32, #tpu.memory_space<hbm>>
      tpu.wait_dma2 semaphore(%run_scoped3A : memref<!tpu.dma_semaphore, #tpu.memory_space<semaphore_mem>>) src(%dma_wait3A_42 : memref<640x32xf32, #tpu.memory_space<hbm>>) dst(%dma_wait3A_40 : memref<640x32xf32, #tpu.memory_space<vmem_shared>>)
      tpu.yield
    }) : () -> ()
    "tpu.region"() ({
      %run_scoped3A = tpu.sem_alloc : memref<!tpu.dma_semaphore, #tpu.memory_space<semaphore_mem>>
      %dma_start3A_36 = arith.constant 0 : i32
      %dma_start3A_37 = arith.constant 0 : i32
      %dma_start3A_38 = tpu.memref_slice %arg3[%add3A, %dma_start3A_36, %dma_start3A_37] : memref<32x80x128xi32, #tpu.memory_space<hbm>> -> memref<1x80x128xi32, #tpu.memory_space<hbm>>
      %dma_start3A_39 = tpu.memref_squeeze %dma_start3A_38 : memref<1x80x128xi32, #tpu.memory_space<hbm>> -> memref<80x128xi32, #tpu.memory_space<hbm>>
      %dma_start3A_40 = arith.constant 0 : i32
      %dma_start3A_41 = arith.constant 0 : i32
      %dma_start3A_42 = tpu.memref_slice %arg3[%add3A, %dma_start3A_40, %dma_start3A_41] : memref<32x80x128xi32, #tpu.memory_space<hbm>> -> memref<1x80x128xi32, #tpu.memory_space<hbm>>
      %dma_start3A_43 = tpu.memref_squeeze %dma_start3A_42 : memref<1x80x128xi32, #tpu.memory_space<hbm>> -> memref<80x128xi32, #tpu.memory_space<hbm>>
      tpu.enqueue_dma source(%dma_start3A_43 : memref<80x128xi32, #tpu.memory_space<hbm>>) target(%arg6 : memref<80x128xi32, #tpu.memory_space<vmem>>) target_semaphore(%run_scoped3A : memref<!tpu.dma_semaphore, #tpu.memory_space<semaphore_mem>>)
      %dma_wait3A = arith.constant 0 : i32
      %dma_wait3A_44 = arith.constant 0 : i32
      %dma_wait3A_45 = tpu.memref_slice %arg3[%add3A, %dma_wait3A, %dma_wait3A_44] : memref<32x80x128xi32, #tpu.memory_space<hbm>> -> memref<1x80x128xi32, #tpu.memory_space<hbm>>
      %dma_wait3A_46 = tpu.memref_squeeze %dma_wait3A_45 : memref<1x80x128xi32, #tpu.memory_space<hbm>> -> memref<80x128xi32, #tpu.memory_space<hbm>>
      %dma_wait3A_47 = arith.constant 0 : i32
      %dma_wait3A_48 = arith.constant 0 : i32
      %dma_wait3A_49 = tpu.memref_slice %arg3[%add3A, %dma_wait3A_47, %dma_wait3A_48] : memref<32x80x128xi32, #tpu.memory_space<hbm>> -> memref<1x80x128xi32, #tpu.memory_space<hbm>>
      %dma_wait3A_50 = tpu.memref_squeeze %dma_wait3A_49 : memref<1x80x128xi32, #tpu.memory_space<hbm>> -> memref<80x128xi32, #tpu.memory_space<hbm>>
      tpu.wait_dma2 semaphore(%run_scoped3A : memref<!tpu.dma_semaphore, #tpu.memory_space<semaphore_mem>>) src(%dma_wait3A_50 : memref<80x128xi32, #tpu.memory_space<hbm>>) dst(%arg6 : memref<80x128xi32, #tpu.memory_space<vmem>>)
      tpu.yield
    }) : () -> ()
    "tpu.region"() ({
      %run_scoped3A = tpu.sem_alloc : memref<!tpu.dma_semaphore, #tpu.memory_space<semaphore_mem>>
      %dma_start3A_36 = arith.constant 0 : i32
      %dma_start3A_37 = arith.constant 0 : i32
      %dma_start3A_38 = tpu.memref_slice %arg4[%add3A, %dma_start3A_36, %dma_start3A_37] : memref<32x80x128xi32, #tpu.memory_space<hbm>> -> memref<1x80x128xi32, #tpu.memory_space<hbm>>
      %dma_start3A_39 = tpu.memref_squeeze %dma_start3A_38 : memref<1x80x128xi32, #tpu.memory_space<hbm>> -> memref<80x128xi32, #tpu.memory_space<hbm>>
      %dma_start3A_40 = arith.constant 0 : i32
      %dma_start3A_41 = arith.constant 0 : i32
      %dma_start3A_42 = tpu.memref_slice %arg4[%add3A, %dma_start3A_40, %dma_start3A_41] : memref<32x80x128xi32, #tpu.memory_space<hbm>> -> memref<1x80x128xi32, #tpu.memory_space<hbm>>
      %dma_start3A_43 = tpu.memref_squeeze %dma_start3A_42 : memref<1x80x128xi32, #tpu.memory_space<hbm>> -> memref<80x128xi32, #tpu.memory_space<hbm>>
      tpu.enqueue_dma source(%dma_start3A_43 : memref<80x128xi32, #tpu.memory_space<hbm>>) target(%arg7 : memref<80x128xi32, #tpu.memory_space<vmem>>) target_semaphore(%run_scoped3A : memref<!tpu.dma_semaphore, #tpu.memory_space<semaphore_mem>>)
      %dma_wait3A = arith.constant 0 : i32
      %dma_wait3A_44 = arith.constant 0 : i32
      %dma_wait3A_45 = tpu.memref_slice %arg4[%add3A, %dma_wait3A, %dma_wait3A_44] : memref<32x80x128xi32, #tpu.memory_space<hbm>> -> memref<1x80x128xi32, #tpu.memory_space<hbm>>
      %dma_wait3A_46 = tpu.memref_squeeze %dma_wait3A_45 : memref<1x80x128xi32, #tpu.memory_space<hbm>> -> memref<80x128xi32, #tpu.memory_space<hbm>>
      %dma_wait3A_47 = arith.constant 0 : i32
      %dma_wait3A_48 = arith.constant 0 : i32
      %dma_wait3A_49 = tpu.memref_slice %arg4[%add3A, %dma_wait3A_47, %dma_wait3A_48] : memref<32x80x128xi32, #tpu.memory_space<hbm>> -> memref<1x80x128xi32, #tpu.memory_space<hbm>>
      %dma_wait3A_50 = tpu.memref_squeeze %dma_wait3A_49 : memref<1x80x128xi32, #tpu.memory_space<hbm>> -> memref<80x128xi32, #tpu.memory_space<hbm>>
      tpu.wait_dma2 semaphore(%run_scoped3A : memref<!tpu.dma_semaphore, #tpu.memory_space<semaphore_mem>>) src(%dma_wait3A_50 : memref<80x128xi32, #tpu.memory_space<hbm>>) dst(%arg7 : memref<80x128xi32, #tpu.memory_space<vmem>>)
      tpu.yield
    }) : () -> ()
    %barrier3A = arith.constant 0 : index
    tpu.barrier barrier_id(%barrier3A)
    %dma_start3A = arith.constant 0 : i32
    %dma_start3A_3 = arith.constant 0 : i32
    %dma_start3A_4 = tpu.memref_slice %arg6[%dma_start3A, %dma_start3A_3] : memref<80x128xi32, #tpu.memory_space<vmem>> -> memref<1x128xi32, #tpu.memory_space<vmem>>
    %dma_start3A_5 = tpu.memref_squeeze %dma_start3A_4 : memref<1x128xi32, #tpu.memory_space<vmem>> -> memref<128xi32, #tpu.memory_space<vmem>>
    %dma_start3A_6 = arith.constant 0 : i32
    %dma_start3A_7 = arith.constant 0 : i32
    %dma_start3A_8 = tpu.memref_slice %arg2[%dma_start3A_6, %dma_start3A_7] : memref<10240x32xf32, #tpu.memory_space<hbm>> -> memref<10240x32xf32, #tpu.memory_space<hbm>>
    tpu.enqueue_indirect_dma source(%dma_start3A_8 : memref<10240x32xf32, #tpu.memory_space<hbm>>) target(%arg8 : memref<128x32xf32, #tpu.memory_space<vmem>>) offsets(%dma_start3A_5 : memref<128xi32, #tpu.memory_space<vmem>>) semaphore(%arg13 : memref<!tpu.dma_semaphore, #tpu.memory_space<semaphore_mem>>)
    %dma_start3A_9 = arith.constant 1 : i32
    %dma_start3A_10 = arith.constant 0 : i32
    %dma_start3A_11 = tpu.memref_slice %arg6[%dma_start3A_9, %dma_start3A_10] : memref<80x128xi32, #tpu.memory_space<vmem>> -> memref<1x128xi32, #tpu.memory_space<vmem>>
    %dma_start3A_12 = tpu.memref_squeeze %dma_start3A_11 : memref<1x128xi32, #tpu.memory_space<vmem>> -> memref<128xi32, #tpu.memory_space<vmem>>
    %dma_start3A_13 = arith.constant 0 : i32
    %dma_start3A_14 = arith.constant 0 : i32
    %dma_start3A_15 = tpu.memref_slice %arg2[%dma_start3A_13, %dma_start3A_14] : memref<10240x32xf32, #tpu.memory_space<hbm>> -> memref<10240x32xf32, #tpu.memory_space<hbm>>
    tpu.enqueue_indirect_dma source(%dma_start3A_15 : memref<10240x32xf32, #tpu.memory_space<hbm>>) target(%arg9 : memref<128x32xf32, #tpu.memory_space<vmem>>) offsets(%dma_start3A_12 : memref<128xi32, #tpu.memory_space<vmem>>) semaphore(%arg14 : memref<!tpu.dma_semaphore, #tpu.memory_space<semaphore_mem>>)
    %dma_start3A_16 = arith.constant 2 : i32
    %dma_start3A_17 = arith.constant 0 : i32
    %dma_start3A_18 = tpu.memref_slice %arg6[%dma_start3A_16, %dma_start3A_17] : memref<80x128xi32, #tpu.memory_space<vmem>> -> memref<1x128xi32, #tpu.memory_space<vmem>>
    %dma_start3A_19 = tpu.memref_squeeze %dma_start3A_18 : memref<1x128xi32, #tpu.memory_space<vmem>> -> memref<128xi32, #tpu.memory_space<vmem>>
    %dma_start3A_20 = arith.constant 0 : i32
    %dma_start3A_21 = arith.constant 0 : i32
    %dma_start3A_22 = tpu.memref_slice %arg2[%dma_start3A_20, %dma_start3A_21] : memref<10240x32xf32, #tpu.memory_space<hbm>> -> memref<10240x32xf32, #tpu.memory_space<hbm>>
    tpu.enqueue_indirect_dma source(%dma_start3A_22 : memref<10240x32xf32, #tpu.memory_space<hbm>>) target(%arg10 : memref<128x32xf32, #tpu.memory_space<vmem>>) offsets(%dma_start3A_19 : memref<128xi32, #tpu.memory_space<vmem>>) semaphore(%arg15 : memref<!tpu.dma_semaphore, #tpu.memory_space<semaphore_mem>>)
    %dma_start3A_23 = arith.constant 3 : i32
    %dma_start3A_24 = arith.constant 0 : i32
    %dma_start3A_25 = tpu.memref_slice %arg6[%dma_start3A_23, %dma_start3A_24] : memref<80x128xi32, #tpu.memory_space<vmem>> -> memref<1x128xi32, #tpu.memory_space<vmem>>
    %dma_start3A_26 = tpu.memref_squeeze %dma_start3A_25 : memref<1x128xi32, #tpu.memory_space<vmem>> -> memref<128xi32, #tpu.memory_space<vmem>>
    %dma_start3A_27 = arith.constant 0 : i32
    %dma_start3A_28 = arith.constant 0 : i32
    %dma_start3A_29 = tpu.memref_slice %arg2[%dma_start3A_27, %dma_start3A_28] : memref<10240x32xf32, #tpu.memory_space<hbm>> -> memref<10240x32xf32, #tpu.memory_space<hbm>>
    tpu.enqueue_indirect_dma source(%dma_start3A_29 : memref<10240x32xf32, #tpu.memory_space<hbm>>) target(%arg11 : memref<128x32xf32, #tpu.memory_space<vmem>>) offsets(%dma_start3A_26 : memref<128xi32, #tpu.memory_space<vmem>>) semaphore(%arg16 : memref<!tpu.dma_semaphore, #tpu.memory_space<semaphore_mem>>)
    %scan3A = arith.constant 0 : i32
    %scan3A_30 = arith.constant 0 : i32
    %scan3A_31 = arith.constant 20 : i32
    %scan3A_32 = arith.addi %scan3A_30, %scan3A_31 : i32
    %scan3A_33 = arith.constant 1 : i32
    scf.for %scan3A_36 = %scan3A_30 to %scan3A_32 step %scan3A_33  : i32 {
      %mul3A_37 = arith.constant 4 : i32
      %mul3A_38 = arith.muli %mul3A_37, %scan3A_36 : i32
      %add3A_39 = arith.constant 0 : i32
      %add3A_40 = arith.addi %mul3A_38, %add3A_39 : i32
      %dma_wait3A = arith.constant 0 : i32
      %dma_wait3A_41 = tpu.memref_slice %arg6[%add3A_40, %dma_wait3A] : memref<80x128xi32, #tpu.memory_space<vmem>> -> memref<1x128xi32, #tpu.memory_space<vmem>>
      %dma_wait3A_42 = tpu.memref_squeeze %dma_wait3A_41 : memref<1x128xi32, #tpu.memory_space<vmem>> -> memref<128xi32, #tpu.memory_space<vmem>>
      %dma_wait3A_43 = arith.constant 0 : i32
      %dma_wait3A_44 = arith.constant 0 : i32
      %dma_wait3A_45 = tpu.memref_slice %arg2[%dma_wait3A_43, %dma_wait3A_44] : memref<10240x32xf32, #tpu.memory_space<hbm>> -> memref<10240x32xf32, #tpu.memory_space<hbm>>
      tpu.wait_indirect_dma semaphore(%arg13 : memref<!tpu.dma_semaphore, #tpu.memory_space<semaphore_mem>>) src(%dma_wait3A_45 : memref<10240x32xf32, #tpu.memory_space<hbm>>) dst(%arg8 : memref<128x32xf32, #tpu.memory_space<vmem>>)
      "tpu.region"() ({
        %run_scoped3A = tpu.sem_alloc : memref<!tpu.dma_semaphore, #tpu.memory_space<semaphore_mem>>
        %dma_start3A_101 = arith.constant 0 : i32
        %dma_start3A_102 = tpu.memref_slice %arg7[%add3A_40, %dma_start3A_101] : memref<80x128xi32, #tpu.memory_space<vmem>> -> memref<1x128xi32, #tpu.memory_space<vmem>>
        %dma_start3A_103 = tpu.memref_squeeze %dma_start3A_102 : memref<1x128xi32, #tpu.memory_space<vmem>> -> memref<128xi32, #tpu.memory_space<vmem>>
        %dma_start3A_104 = arith.constant 0 : i32
        %dma_start3A_105 = arith.constant 0 : i32
        %dma_start3A_106 = tpu.memref_slice %arg12[%dma_start3A_104, %dma_start3A_105] : memref<10240x32xf32, #tpu.memory_space<vmem_shared>> -> memref<10240x32xf32, #tpu.memory_space<vmem_shared>>
        tpu.enqueue_indirect_dma source(%arg8 : memref<128x32xf32, #tpu.memory_space<vmem>>) target(%dma_start3A_106 : memref<10240x32xf32, #tpu.memory_space<vmem_shared>>) offsets(%dma_start3A_103 : memref<128xi32, #tpu.memory_space<vmem>>) semaphore(%run_scoped3A : memref<!tpu.dma_semaphore, #tpu.memory_space<semaphore_mem>>) {add = true}
        %dma_wait3A_107 = arith.constant 0 : i32
        %dma_wait3A_108 = tpu.memref_slice %arg7[%add3A_40, %dma_wait3A_107] : memref<80x128xi32, #tpu.memory_space<vmem>> -> memref<1x128xi32, #tpu.memory_space<vmem>>
        %dma_wait3A_109 = tpu.memref_squeeze %dma_wait3A_108 : memref<1x128xi32, #tpu.memory_space<vmem>> -> memref<128xi32, #tpu.memory_space<vmem>>
        %dma_wait3A_110 = arith.constant 0 : i32
        %dma_wait3A_111 = arith.constant 0 : i32
        %dma_wait3A_112 = tpu.memref_slice %arg12[%dma_wait3A_110, %dma_wait3A_111] : memref<10240x32xf32, #tpu.memory_space<vmem_shared>> -> memref<10240x32xf32, #tpu.memory_space<vmem_shared>>
        tpu.wait_indirect_dma semaphore(%run_scoped3A : memref<!tpu.dma_semaphore, #tpu.memory_space<semaphore_mem>>) src(%arg8 : memref<128x32xf32, #tpu.memory_space<vmem>>) dst(%dma_wait3A_112 : memref<10240x32xf32, #tpu.memory_space<vmem_shared>>)
        tpu.yield
      }) : () -> ()
      %add3A_46 = arith.constant 4 : i32
      %add3A_47 = arith.addi %add3A_40, %add3A_46 : i32
      %lt3A = arith.constant 80 : i32
      %lt3A_48 = arith.cmpi slt, %add3A_47, %lt3A : i32
      %convert_element_type3A = arith.extui %lt3A_48 : i1 to i32
      %cond3A = arith.constant 0 : i32
      %cond3A_49 = arith.cmpi ne, %convert_element_type3A, %cond3A : i32
      scf.if %cond3A_49 {
        %add3A_101 = arith.constant 4 : i32
        %add3A_102 = arith.addi %add3A_40, %add3A_101 : i32
        %dma_start3A_103 = arith.constant 0 : i32
        %dma_start3A_104 = tpu.memref_slice %arg6[%add3A_102, %dma_start3A_103] : memref<80x128xi32, #tpu.memory_space<vmem>> -> memref<1x128xi32, #tpu.memory_space<vmem>>
        %dma_start3A_105 = tpu.memref_squeeze %dma_start3A_104 : memref<1x128xi32, #tpu.memory_space<vmem>> -> memref<128xi32, #tpu.memory_space<vmem>>
        %dma_start3A_106 = arith.constant 0 : i32
        %dma_start3A_107 = arith.constant 0 : i32
        %dma_start3A_108 = tpu.memref_slice %arg2[%dma_start3A_106, %dma_start3A_107] : memref<10240x32xf32, #tpu.memory_space<hbm>> -> memref<10240x32xf32, #tpu.memory_space<hbm>>
        tpu.enqueue_indirect_dma source(%dma_start3A_108 : memref<10240x32xf32, #tpu.memory_space<hbm>>) target(%arg8 : memref<128x32xf32, #tpu.memory_space<vmem>>) offsets(%dma_start3A_105 : memref<128xi32, #tpu.memory_space<vmem>>) semaphore(%arg13 : memref<!tpu.dma_semaphore, #tpu.memory_space<semaphore_mem>>)
      } else {
      }
      %mul3A_50 = arith.constant 4 : i32
      %mul3A_51 = arith.muli %mul3A_50, %scan3A_36 : i32
      %add3A_52 = arith.constant 1 : i32
      %add3A_53 = arith.addi %mul3A_51, %add3A_52 : i32
      %dma_wait3A_54 = arith.constant 0 : i32
      %dma_wait3A_55 = tpu.memref_slice %arg6[%add3A_53, %dma_wait3A_54] : memref<80x128xi32, #tpu.memory_space<vmem>> -> memref<1x128xi32, #tpu.memory_space<vmem>>
      %dma_wait3A_56 = tpu.memref_squeeze %dma_wait3A_55 : memref<1x128xi32, #tpu.memory_space<vmem>> -> memref<128xi32, #tpu.memory_space<vmem>>
      %dma_wait3A_57 = arith.constant 0 : i32
      %dma_wait3A_58 = arith.constant 0 : i32
      %dma_wait3A_59 = tpu.memref_slice %arg2[%dma_wait3A_57, %dma_wait3A_58] : memref<10240x32xf32, #tpu.memory_space<hbm>> -> memref<10240x32xf32, #tpu.memory_space<hbm>>
      tpu.wait_indirect_dma semaphore(%arg14 : memref<!tpu.dma_semaphore, #tpu.memory_space<semaphore_mem>>) src(%dma_wait3A_59 : memref<10240x32xf32, #tpu.memory_space<hbm>>) dst(%arg9 : memref<128x32xf32, #tpu.memory_space<vmem>>)
      "tpu.region"() ({
        %run_scoped3A = tpu.sem_alloc : memref<!tpu.dma_semaphore, #tpu.memory_space<semaphore_mem>>
        %dma_start3A_101 = arith.constant 0 : i32
        %dma_start3A_102 = tpu.memref_slice %arg7[%add3A_53, %dma_start3A_101] : memref<80x128xi32, #tpu.memory_space<vmem>> -> memref<1x128xi32, #tpu.memory_space<vmem>>
        %dma_start3A_103 = tpu.memref_squeeze %dma_start3A_102 : memref<1x128xi32, #tpu.memory_space<vmem>> -> memref<128xi32, #tpu.memory_space<vmem>>
        %dma_start3A_104 = arith.constant 0 : i32
        %dma_start3A_105 = arith.constant 0 : i32
        %dma_start3A_106 = tpu.memref_slice %arg12[%dma_start3A_104, %dma_start3A_105] : memref<10240x32xf32, #tpu.memory_space<vmem_shared>> -> memref<10240x32xf32, #tpu.memory_space<vmem_shared>>
        tpu.enqueue_indirect_dma source(%arg9 : memref<128x32xf32, #tpu.memory_space<vmem>>) target(%dma_start3A_106 : memref<10240x32xf32, #tpu.memory_space<vmem_shared>>) offsets(%dma_start3A_103 : memref<128xi32, #tpu.memory_space<vmem>>) semaphore(%run_scoped3A : memref<!tpu.dma_semaphore, #tpu.memory_space<semaphore_mem>>) {add = true}
        %dma_wait3A_107 = arith.constant 0 : i32
        %dma_wait3A_108 = tpu.memref_slice %arg7[%add3A_53, %dma_wait3A_107] : memref<80x128xi32, #tpu.memory_space<vmem>> -> memref<1x128xi32, #tpu.memory_space<vmem>>
        %dma_wait3A_109 = tpu.memref_squeeze %dma_wait3A_108 : memref<1x128xi32, #tpu.memory_space<vmem>> -> memref<128xi32, #tpu.memory_space<vmem>>
        %dma_wait3A_110 = arith.constant 0 : i32
        %dma_wait3A_111 = arith.constant 0 : i32
        %dma_wait3A_112 = tpu.memref_slice %arg12[%dma_wait3A_110, %dma_wait3A_111] : memref<10240x32xf32, #tpu.memory_space<vmem_shared>> -> memref<10240x32xf32, #tpu.memory_space<vmem_shared>>
        tpu.wait_indirect_dma semaphore(%run_scoped3A : memref<!tpu.dma_semaphore, #tpu.memory_space<semaphore_mem>>) src(%arg9 : memref<128x32xf32, #tpu.memory_space<vmem>>) dst(%dma_wait3A_112 : memref<10240x32xf32, #tpu.memory_space<vmem_shared>>)
        tpu.yield
      }) : () -> ()
      %add3A_60 = arith.constant 4 : i32
      %add3A_61 = arith.addi %add3A_53, %add3A_60 : i32
      %lt3A_62 = arith.constant 80 : i32
      %lt3A_63 = arith.cmpi slt, %add3A_61, %lt3A_62 : i32
      %convert_element_type3A_64 = arith.extui %lt3A_63 : i1 to i32
      %cond3A_65 = arith.constant 0 : i32
      %cond3A_66 = arith.cmpi ne, %convert_element_type3A_64, %cond3A_65 : i32
      scf.if %cond3A_66 {
        %add3A_101 = arith.constant 4 : i32
        %add3A_102 = arith.addi %add3A_53, %add3A_101 : i32
        %dma_start3A_103 = arith.constant 0 : i32
        %dma_start3A_104 = tpu.memref_slice %arg6[%add3A_102, %dma_start3A_103] : memref<80x128xi32, #tpu.memory_space<vmem>> -> memref<1x128xi32, #tpu.memory_space<vmem>>
        %dma_start3A_105 = tpu.memref_squeeze %dma_start3A_104 : memref<1x128xi32, #tpu.memory_space<vmem>> -> memref<128xi32, #tpu.memory_space<vmem>>
        %dma_start3A_106 = arith.constant 0 : i32
        %dma_start3A_107 = arith.constant 0 : i32
        %dma_start3A_108 = tpu.memref_slice %arg2[%dma_start3A_106, %dma_start3A_107] : memref<10240x32xf32, #tpu.memory_space<hbm>> -> memref<10240x32xf32, #tpu.memory_space<hbm>>
        tpu.enqueue_indirect_dma source(%dma_start3A_108 : memref<10240x32xf32, #tpu.memory_space<hbm>>) target(%arg9 : memref<128x32xf32, #tpu.memory_space<vmem>>) offsets(%dma_start3A_105 : memref<128xi32, #tpu.memory_space<vmem>>) semaphore(%arg14 : memref<!tpu.dma_semaphore, #tpu.memory_space<semaphore_mem>>)
      } else {
      }
      %mul3A_67 = arith.constant 4 : i32
      %mul3A_68 = arith.muli %mul3A_67, %scan3A_36 : i32
      %add3A_69 = arith.constant 2 : i32
      %add3A_70 = arith.addi %mul3A_68, %add3A_69 : i32
      %dma_wait3A_71 = arith.constant 0 : i32
      %dma_wait3A_72 = tpu.memref_slice %arg6[%add3A_70, %dma_wait3A_71] : memref<80x128xi32, #tpu.memory_space<vmem>> -> memref<1x128xi32, #tpu.memory_space<vmem>>
      %dma_wait3A_73 = tpu.memref_squeeze %dma_wait3A_72 : memref<1x128xi32, #tpu.memory_space<vmem>> -> memref<128xi32, #tpu.memory_space<vmem>>
      %dma_wait3A_74 = arith.constant 0 : i32
      %dma_wait3A_75 = arith.constant 0 : i32
      %dma_wait3A_76 = tpu.memref_slice %arg2[%dma_wait3A_74, %dma_wait3A_75] : memref<10240x32xf32, #tpu.memory_space<hbm>> -> memref<10240x32xf32, #tpu.memory_space<hbm>>
      tpu.wait_indirect_dma semaphore(%arg15 : memref<!tpu.dma_semaphore, #tpu.memory_space<semaphore_mem>>) src(%dma_wait3A_76 : memref<10240x32xf32, #tpu.memory_space<hbm>>) dst(%arg10 : memref<128x32xf32, #tpu.memory_space<vmem>>)
      "tpu.region"() ({
        %run_scoped3A = tpu.sem_alloc : memref<!tpu.dma_semaphore, #tpu.memory_space<semaphore_mem>>
        %dma_start3A_101 = arith.constant 0 : i32
        %dma_start3A_102 = tpu.memref_slice %arg7[%add3A_70, %dma_start3A_101] : memref<80x128xi32, #tpu.memory_space<vmem>> -> memref<1x128xi32, #tpu.memory_space<vmem>>
        %dma_start3A_103 = tpu.memref_squeeze %dma_start3A_102 : memref<1x128xi32, #tpu.memory_space<vmem>> -> memref<128xi32, #tpu.memory_space<vmem>>
        %dma_start3A_104 = arith.constant 0 : i32
        %dma_start3A_105 = arith.constant 0 : i32
        %dma_start3A_106 = tpu.memref_slice %arg12[%dma_start3A_104, %dma_start3A_105] : memref<10240x32xf32, #tpu.memory_space<vmem_shared>> -> memref<10240x32xf32, #tpu.memory_space<vmem_shared>>
        tpu.enqueue_indirect_dma source(%arg10 : memref<128x32xf32, #tpu.memory_space<vmem>>) target(%dma_start3A_106 : memref<10240x32xf32, #tpu.memory_space<vmem_shared>>) offsets(%dma_start3A_103 : memref<128xi32, #tpu.memory_space<vmem>>) semaphore(%run_scoped3A : memref<!tpu.dma_semaphore, #tpu.memory_space<semaphore_mem>>) {add = true}
        %dma_wait3A_107 = arith.constant 0 : i32
        %dma_wait3A_108 = tpu.memref_slice %arg7[%add3A_70, %dma_wait3A_107] : memref<80x128xi32, #tpu.memory_space<vmem>> -> memref<1x128xi32, #tpu.memory_space<vmem>>
        %dma_wait3A_109 = tpu.memref_squeeze %dma_wait3A_108 : memref<1x128xi32, #tpu.memory_space<vmem>> -> memref<128xi32, #tpu.memory_space<vmem>>
        %dma_wait3A_110 = arith.constant 0 : i32
        %dma_wait3A_111 = arith.constant 0 : i32
        %dma_wait3A_112 = tpu.memref_slice %arg12[%dma_wait3A_110, %dma_wait3A_111] : memref<10240x32xf32, #tpu.memory_space<vmem_shared>> -> memref<10240x32xf32, #tpu.memory_space<vmem_shared>>
        tpu.wait_indirect_dma semaphore(%run_scoped3A : memref<!tpu.dma_semaphore, #tpu.memory_space<semaphore_mem>>) src(%arg10 : memref<128x32xf32, #tpu.memory_space<vmem>>) dst(%dma_wait3A_112 : memref<10240x32xf32, #tpu.memory_space<vmem_shared>>)
        tpu.yield
      }) : () -> ()
      %add3A_77 = arith.constant 4 : i32
      %add3A_78 = arith.addi %add3A_70, %add3A_77 : i32
      %lt3A_79 = arith.constant 80 : i32
      %lt3A_80 = arith.cmpi slt, %add3A_78, %lt3A_79 : i32
      %convert_element_type3A_81 = arith.extui %lt3A_80 : i1 to i32
      %cond3A_82 = arith.constant 0 : i32
      %cond3A_83 = arith.cmpi ne, %convert_element_type3A_81, %cond3A_82 : i32
      scf.if %cond3A_83 {
        %add3A_101 = arith.constant 4 : i32
        %add3A_102 = arith.addi %add3A_70, %add3A_101 : i32
        %dma_start3A_103 = arith.constant 0 : i32
        %dma_start3A_104 = tpu.memref_slice %arg6[%add3A_102, %dma_start3A_103] : memref<80x128xi32, #tpu.memory_space<vmem>> -> memref<1x128xi32, #tpu.memory_space<vmem>>
        %dma_start3A_105 = tpu.memref_squeeze %dma_start3A_104 : memref<1x128xi32, #tpu.memory_space<vmem>> -> memref<128xi32, #tpu.memory_space<vmem>>
        %dma_start3A_106 = arith.constant 0 : i32
        %dma_start3A_107 = arith.constant 0 : i32
        %dma_start3A_108 = tpu.memref_slice %arg2[%dma_start3A_106, %dma_start3A_107] : memref<10240x32xf32, #tpu.memory_space<hbm>> -> memref<10240x32xf32, #tpu.memory_space<hbm>>
        tpu.enqueue_indirect_dma source(%dma_start3A_108 : memref<10240x32xf32, #tpu.memory_space<hbm>>) target(%arg10 : memref<128x32xf32, #tpu.memory_space<vmem>>) offsets(%dma_start3A_105 : memref<128xi32, #tpu.memory_space<vmem>>) semaphore(%arg15 : memref<!tpu.dma_semaphore, #tpu.memory_space<semaphore_mem>>)
      } else {
      }
      %mul3A_84 = arith.constant 4 : i32
      %mul3A_85 = arith.muli %mul3A_84, %scan3A_36 : i32
      %add3A_86 = arith.constant 3 : i32
      %add3A_87 = arith.addi %mul3A_85, %add3A_86 : i32
      %dma_wait3A_88 = arith.constant 0 : i32
      %dma_wait3A_89 = tpu.memref_slice %arg6[%add3A_87, %dma_wait3A_88] : memref<80x128xi32, #tpu.memory_space<vmem>> -> memref<1x128xi32, #tpu.memory_space<vmem>>
      %dma_wait3A_90 = tpu.memref_squeeze %dma_wait3A_89 : memref<1x128xi32, #tpu.memory_space<vmem>> -> memref<128xi32, #tpu.memory_space<vmem>>
      %dma_wait3A_91 = arith.constant 0 : i32
      %dma_wait3A_92 = arith.constant 0 : i32
      %dma_wait3A_93 = tpu.memref_slice %arg2[%dma_wait3A_91, %dma_wait3A_92] : memref<10240x32xf32, #tpu.memory_space<hbm>> -> memref<10240x32xf32, #tpu.memory_space<hbm>>
      tpu.wait_indirect_dma semaphore(%arg16 : memref<!tpu.dma_semaphore, #tpu.memory_space<semaphore_mem>>) src(%dma_wait3A_93 : memref<10240x32xf32, #tpu.memory_space<hbm>>) dst(%arg11 : memref<128x32xf32, #tpu.memory_space<vmem>>)
      "tpu.region"() ({
        %run_scoped3A = tpu.sem_alloc : memref<!tpu.dma_semaphore, #tpu.memory_space<semaphore_mem>>
        %dma_start3A_101 = arith.constant 0 : i32
        %dma_start3A_102 = tpu.memref_slice %arg7[%add3A_87, %dma_start3A_101] : memref<80x128xi32, #tpu.memory_space<vmem>> -> memref<1x128xi32, #tpu.memory_space<vmem>>
        %dma_start3A_103 = tpu.memref_squeeze %dma_start3A_102 : memref<1x128xi32, #tpu.memory_space<vmem>> -> memref<128xi32, #tpu.memory_space<vmem>>
        %dma_start3A_104 = arith.constant 0 : i32
        %dma_start3A_105 = arith.constant 0 : i32
        %dma_start3A_106 = tpu.memref_slice %arg12[%dma_start3A_104, %dma_start3A_105] : memref<10240x32xf32, #tpu.memory_space<vmem_shared>> -> memref<10240x32xf32, #tpu.memory_space<vmem_shared>>
        tpu.enqueue_indirect_dma source(%arg11 : memref<128x32xf32, #tpu.memory_space<vmem>>) target(%dma_start3A_106 : memref<10240x32xf32, #tpu.memory_space<vmem_shared>>) offsets(%dma_start3A_103 : memref<128xi32, #tpu.memory_space<vmem>>) semaphore(%run_scoped3A : memref<!tpu.dma_semaphore, #tpu.memory_space<semaphore_mem>>) {add = true}
        %dma_wait3A_107 = arith.constant 0 : i32
        %dma_wait3A_108 = tpu.memref_slice %arg7[%add3A_87, %dma_wait3A_107] : memref<80x128xi32, #tpu.memory_space<vmem>> -> memref<1x128xi32, #tpu.memory_space<vmem>>
        %dma_wait3A_109 = tpu.memref_squeeze %dma_wait3A_108 : memref<1x128xi32, #tpu.memory_space<vmem>> -> memref<128xi32, #tpu.memory_space<vmem>>
        %dma_wait3A_110 = arith.constant 0 : i32
        %dma_wait3A_111 = arith.constant 0 : i32
        %dma_wait3A_112 = tpu.memref_slice %arg12[%dma_wait3A_110, %dma_wait3A_111] : memref<10240x32xf32, #tpu.memory_space<vmem_shared>> -> memref<10240x32xf32, #tpu.memory_space<vmem_shared>>
        tpu.wait_indirect_dma semaphore(%run_scoped3A : memref<!tpu.dma_semaphore, #tpu.memory_space<semaphore_mem>>) src(%arg11 : memref<128x32xf32, #tpu.memory_space<vmem>>) dst(%dma_wait3A_112 : memref<10240x32xf32, #tpu.memory_space<vmem_shared>>)
        tpu.yield
      }) : () -> ()
      %add3A_94 = arith.constant 4 : i32
      %add3A_95 = arith.addi %add3A_87, %add3A_94 : i32
      %lt3A_96 = arith.constant 80 : i32
      %lt3A_97 = arith.cmpi slt, %add3A_95, %lt3A_96 : i32
      %convert_element_type3A_98 = arith.extui %lt3A_97 : i1 to i32
      %cond3A_99 = arith.constant 0 : i32
      %cond3A_100 = arith.cmpi ne, %convert_element_type3A_98, %cond3A_99 : i32
      scf.if %cond3A_100 {
        %add3A_101 = arith.constant 4 : i32
        %add3A_102 = arith.addi %add3A_87, %add3A_101 : i32
        %dma_start3A_103 = arith.constant 0 : i32
        %dma_start3A_104 = tpu.memref_slice %arg6[%add3A_102, %dma_start3A_103] : memref<80x128xi32, #tpu.memory_space<vmem>> -> memref<1x128xi32, #tpu.memory_space<vmem>>
        %dma_start3A_105 = tpu.memref_squeeze %dma_start3A_104 : memref<1x128xi32, #tpu.memory_space<vmem>> -> memref<128xi32, #tpu.memory_space<vmem>>
        %dma_start3A_106 = arith.constant 0 : i32
        %dma_start3A_107 = arith.constant 0 : i32
        %dma_start3A_108 = tpu.memref_slice %arg2[%dma_start3A_106, %dma_start3A_107] : memref<10240x32xf32, #tpu.memory_space<hbm>> -> memref<10240x32xf32, #tpu.memory_space<hbm>>
        tpu.enqueue_indirect_dma source(%dma_start3A_108 : memref<10240x32xf32, #tpu.memory_space<hbm>>) target(%arg11 : memref<128x32xf32, #tpu.memory_space<vmem>>) offsets(%dma_start3A_105 : memref<128xi32, #tpu.memory_space<vmem>>) semaphore(%arg16 : memref<!tpu.dma_semaphore, #tpu.memory_space<semaphore_mem>>)
      } else {
      }
    }
    %scan3A_34 = arith.constant 20 : i32
    %barrier3A_35 = arith.constant 0 : index
    tpu.barrier barrier_id(%barrier3A_35)
    "tpu.region"() ({
      %run_scoped3A = tpu.sem_alloc : memref<!tpu.dma_semaphore, #tpu.memory_space<semaphore_mem>>
      %dma_start3A_36 = arith.constant 0 : i32
      %dma_start3A_37 = tpu.memref_slice %arg5[%arg0, %mul3A_2, %dma_start3A_36] : memref<2x10240x32xf32, #tpu.memory_space<hbm>> -> memref<1x640x32xf32, #tpu.memory_space<hbm>>
      %dma_start3A_38 = tpu.memref_squeeze %dma_start3A_37 : memref<1x640x32xf32, #tpu.memory_space<hbm>> -> memref<640x32xf32, #tpu.memory_space<hbm>>
      %dma_start3A_39 = arith.constant 0 : i32
      %dma_start3A_40 = tpu.memref_slice %arg12[%mul3A_2, %dma_start3A_39] : memref<10240x32xf32, #tpu.memory_space<vmem_shared>> -> memref<640x32xf32, #tpu.memory_space<vmem_shared>>
      tpu.enqueue_dma source(%dma_start3A_40 : memref<640x32xf32, #tpu.memory_space<vmem_shared>>) target(%dma_start3A_38 : memref<640x32xf32, #tpu.memory_space<hbm>>) target_semaphore(%run_scoped3A : memref<!tpu.dma_semaphore, #tpu.memory_space<semaphore_mem>>)
      %dma_wait3A = arith.constant 0 : i32
      %dma_wait3A_41 = tpu.memref_slice %arg5[%arg0, %mul3A_2, %dma_wait3A] : memref<2x10240x32xf32, #tpu.memory_space<hbm>> -> memref<1x640x32xf32, #tpu.memory_space<hbm>>
      %dma_wait3A_42 = tpu.memref_squeeze %dma_wait3A_41 : memref<1x640x32xf32, #tpu.memory_space<hbm>> -> memref<640x32xf32, #tpu.memory_space<hbm>>
      %dma_wait3A_43 = arith.constant 0 : i32
      %dma_wait3A_44 = tpu.memref_slice %arg12[%mul3A_2, %dma_wait3A_43] : memref<10240x32xf32, #tpu.memory_space<vmem_shared>> -> memref<640x32xf32, #tpu.memory_space<vmem_shared>>
      tpu.wait_dma2 semaphore(%run_scoped3A : memref<!tpu.dma_semaphore, #tpu.memory_space<semaphore_mem>>) src(%dma_wait3A_44 : memref<640x32xf32, #tpu.memory_space<vmem_shared>>) dst(%dma_wait3A_42 : memref<640x32xf32, #tpu.memory_space<hbm>>)
      tpu.yield
    }) : () -> ()
    return
  }
}

module attributes {stable_mosaic.version = 14 : i64} {
  func.func @body(%arg0: memref<2x10240x1xf32, #tpu.memory_space<vmem>>, %arg1: memref<10000x128xf32, #tpu.memory_space<vmem>>, %arg2: memref<128x64xf32, #tpu.memory_space<vmem>>, %arg3: memref<10240x64xf32, #tpu.memory_space<vmem>>, %arg4: memref<10000x1xf32, #tpu.memory_space<vmem>>) attributes {dimension_semantics = [], scalar_prefetch = 0 : i64, scratch_operands = 0 : i64, tpu.core_type = #tpu.core_type<tc>} {
    %get3A = arith.constant 0 : index
    %get3A_0 = arith.constant 0 : index
    %get3A_1 = arith.constant 0 : index
    %get3A_2 = vector.load %arg0[%get3A, %get3A_0, %get3A_1] : memref<2x10240x1xf32, #tpu.memory_space<vmem>>, vector<2x10240x1xf32>
    %slice3A = vector.extract_strided_slice %get3A_2 {offsets = [0, 0, 0], sizes = [1, 10000, 1], strides = [1, 1, 1]} : vector<2x10240x1xf32> to vector<1x10000x1xf32>
    %squeeze3A = vector.shape_cast %slice3A : vector<1x10000x1xf32> to vector<10000x1xf32>
    %slice3A_3 = vector.extract_strided_slice %get3A_2 {offsets = [1, 0, 0], sizes = [1, 10000, 1], strides = [1, 1, 1]} : vector<2x10240x1xf32> to vector<1x10000x1xf32>
    %squeeze3A_4 = vector.shape_cast %slice3A_3 : vector<1x10000x1xf32> to vector<10000x1xf32>
    %add3A = arith.addf %squeeze3A, %squeeze3A_4 : vector<10000x1xf32>
    %add3A_5 = arith.constant 1.000000e+00 : f32
    %add3A_6 = vector.broadcast %add3A_5 : f32 to vector<10000x1xf32>
    %add3A_7 = arith.addf %add3A, %add3A_6 : vector<10000x1xf32>
    %sqrt3A = math.sqrt %add3A_7 : vector<10000x1xf32>
    %div3A = arith.constant 1.000000e+00 : f32
    %div3A_8 = vector.broadcast %div3A : f32 to vector<10000x1xf32>
    %div3A_9 = arith.divf %div3A_8, %sqrt3A : vector<10000x1xf32>
    %get3A_10 = arith.constant 0 : index
    %get3A_11 = arith.constant 0 : index
    %get3A_12 = vector.load %arg1[%get3A_10, %get3A_11] : memref<10000x128xf32, #tpu.memory_space<vmem>>, vector<10000x128xf32>
    %get3A_13 = arith.constant 0 : index
    %get3A_14 = arith.constant 0 : index
    %get3A_15 = vector.load %arg2[%get3A_13, %get3A_14] : memref<128x64xf32, #tpu.memory_space<vmem>>, vector<128x64xf32>
    %dot_general3A = arith.constant dense<0.000000e+00> : vector<10000x64xf32>
    %dot_general3A_16 = tpu.matmul %get3A_12, %get3A_15, %dot_general3A {dimension_numbers = #tpu.dot_dimension_numbers<[1], [0], [0], [1], [0, 0, 1, 1], [], []>, transpose_lhs_hint = false} : vector<10000x128xf32>, vector<128x64xf32>, vector<10000x64xf32> -> vector<10000x64xf32>
    %mul3A = vector.broadcast %div3A_9 : vector<10000x1xf32> to vector<10000x64xf32>
    %mul3A_17 = arith.mulf %mul3A, %dot_general3A_16 : vector<10000x64xf32>
    %swap3A = arith.constant 0 : index
    %swap3A_18 = arith.constant 0 : index
    %swap3A_19 = vector.load %arg3[%swap3A, %swap3A_18] : memref<10240x64xf32, #tpu.memory_space<vmem>>, vector<10000x64xf32>
    tpu.vector_store %arg3[%swap3A, %swap3A_18], %mul3A_17 {strides = array<i32>} : memref<10240x64xf32, #tpu.memory_space<vmem>>, vector<10000x64xf32>,
    %broadcast_in_dim3A = arith.constant 0.000000e+00 : f32
    %broadcast_in_dim3A_20 = vector.broadcast %broadcast_in_dim3A : f32 to vector<240x64xf32>
    %swap3A_21 = arith.constant 10000 : index
    %swap3A_22 = arith.constant 0 : index
    %swap3A_23 = vector.load %arg3[%swap3A_21, %swap3A_22] : memref<10240x64xf32, #tpu.memory_space<vmem>>, vector<240x64xf32>
    tpu.vector_store %arg3[%swap3A_21, %swap3A_22], %broadcast_in_dim3A_20 {strides = array<i32>} : memref<10240x64xf32, #tpu.memory_space<vmem>>, vector<240x64xf32>,
    %swap3A_24 = arith.constant 0 : index
    %swap3A_25 = arith.constant 0 : index
    %swap3A_26 = vector.load %arg4[%swap3A_24, %swap3A_25] : memref<10000x1xf32, #tpu.memory_space<vmem>>, vector<10000x1xf32>
    tpu.vector_store %arg4[%swap3A_24, %swap3A_25], %div3A_9 {strides = array<i32>} : memref<10000x1xf32, #tpu.memory_space<vmem>>, vector<10000x1xf32>,
    return
  }
}

module attributes {stable_mosaic.version = 14 : i64} {
  func.func @body(%arg0: memref<2x10240x64xf32, #tpu.memory_space<vmem>>, %arg1: memref<10240x64xf32, #tpu.memory_space<vmem>>, %arg2: memref<10000x1xf32, #tpu.memory_space<vmem>>, %arg3: memref<1x64xf32, #tpu.memory_space<vmem>>, %arg4: memref<64x32xf32, #tpu.memory_space<vmem>>, %arg5: memref<10240x32xf32, #tpu.memory_space<vmem>>) attributes {dimension_semantics = [], scalar_prefetch = 0 : i64, scratch_operands = 0 : i64, tpu.core_type = #tpu.core_type<tc>} {
    %get3A = arith.constant 0 : index
    %get3A_0 = arith.constant 0 : index
    %get3A_1 = arith.constant 0 : index
    %get3A_2 = vector.load %arg0[%get3A, %get3A_0, %get3A_1] : memref<2x10240x64xf32, #tpu.memory_space<vmem>>, vector<2x10240x64xf32>
    %get3A_3 = arith.constant 0 : index
    %get3A_4 = arith.constant 0 : index
    %get3A_5 = vector.load %arg1[%get3A_3, %get3A_4] : memref<10240x64xf32, #tpu.memory_space<vmem>>, vector<10000x64xf32>
    %get3A_6 = arith.constant 0 : index
    %get3A_7 = arith.constant 0 : index
    %get3A_8 = vector.load %arg2[%get3A_6, %get3A_7] : memref<10000x1xf32, #tpu.memory_space<vmem>>, vector<10000x1xf32>
    %slice3A = vector.extract_strided_slice %get3A_2 {offsets = [0, 0, 0], sizes = [1, 10000, 64], strides = [1, 1, 1]} : vector<2x10240x64xf32> to vector<1x10000x64xf32>
    %squeeze3A = vector.shape_cast %slice3A : vector<1x10000x64xf32> to vector<10000x64xf32>
    %slice3A_9 = vector.extract_strided_slice %get3A_2 {offsets = [1, 0, 0], sizes = [1, 10000, 64], strides = [1, 1, 1]} : vector<2x10240x64xf32> to vector<1x10000x64xf32>
    %squeeze3A_10 = vector.shape_cast %slice3A_9 : vector<1x10000x64xf32> to vector<10000x64xf32>
    %add3A = arith.addf %squeeze3A, %squeeze3A_10 : vector<10000x64xf32>
    %sub3A = arith.subf %add3A, %get3A_5 : vector<10000x64xf32>
    %mul3A = vector.broadcast %get3A_8 : vector<10000x1xf32> to vector<10000x64xf32>
    %mul3A_11 = arith.mulf %mul3A, %sub3A : vector<10000x64xf32>
    %get3A_12 = arith.constant 0 : index
    %get3A_13 = arith.constant 0 : index
    %get3A_14 = vector.load %arg3[%get3A_12, %get3A_13] : memref<1x64xf32, #tpu.memory_space<vmem>>, vector<1x64xf32>
    %add3A_15 = vector.broadcast %get3A_14 : vector<1x64xf32> to vector<10000x64xf32>
    %add3A_16 = arith.addf %mul3A_11, %add3A_15 : vector<10000x64xf32>
    %max3A = arith.constant 0.000000e+00 : f32
    %max3A_17 = vector.broadcast %max3A : f32 to vector<10000x64xf32>
    %max3A_18 = arith.maximumf %add3A_16, %max3A_17 : vector<10000x64xf32>
    %get3A_19 = arith.constant 0 : index
    %get3A_20 = arith.constant 0 : index
    %get3A_21 = vector.load %arg4[%get3A_19, %get3A_20] : memref<64x32xf32, #tpu.memory_space<vmem>>, vector<64x32xf32>
    %dot_general3A = arith.constant dense<0.000000e+00> : vector<10000x32xf32>
    %dot_general3A_22 = tpu.matmul %max3A_18, %get3A_21, %dot_general3A {dimension_numbers = #tpu.dot_dimension_numbers<[1], [0], [0], [1], [0, 0, 1, 1], [], []>, transpose_lhs_hint = false} : vector<10000x64xf32>, vector<64x32xf32>, vector<10000x32xf32> -> vector<10000x32xf32>
    %mul3A_23 = vector.broadcast %get3A_8 : vector<10000x1xf32> to vector<10000x32xf32>
    %mul3A_24 = arith.mulf %mul3A_23, %dot_general3A_22 : vector<10000x32xf32>
    %swap3A = arith.constant 0 : index
    %swap3A_25 = arith.constant 0 : index
    %swap3A_26 = vector.load %arg5[%swap3A, %swap3A_25] : memref<10240x32xf32, #tpu.memory_space<vmem>>, vector<10000x32xf32>
    tpu.vector_store %arg5[%swap3A, %swap3A_25], %mul3A_24 {strides = array<i32>} : memref<10240x32xf32, #tpu.memory_space<vmem>>, vector<10000x32xf32>,
    %broadcast_in_dim3A = arith.constant 0.000000e+00 : f32
    %broadcast_in_dim3A_27 = vector.broadcast %broadcast_in_dim3A : f32 to vector<240x32xf32>
    %swap3A_28 = arith.constant 10000 : index
    %swap3A_29 = arith.constant 0 : index
    %swap3A_30 = vector.load %arg5[%swap3A_28, %swap3A_29] : memref<10240x32xf32, #tpu.memory_space<vmem>>, vector<240x32xf32>
    tpu.vector_store %arg5[%swap3A_28, %swap3A_29], %broadcast_in_dim3A_27 {strides = array<i32>} : memref<10240x32xf32, #tpu.memory_space<vmem>>, vector<240x32xf32>,
    return
  }
}

module attributes {stable_mosaic.version = 14 : i64} {
  func.func @body(%arg0: memref<2x10240x32xf32, #tpu.memory_space<vmem>>, %arg1: memref<10240x32xf32, #tpu.memory_space<vmem>>, %arg2: memref<10000x1xf32, #tpu.memory_space<vmem>>, %arg3: memref<1x32xf32, #tpu.memory_space<vmem>>, %arg4: memref<32x1xf32, #tpu.memory_space<vmem>>, %arg5: memref<10240x1xf32, #tpu.memory_space<vmem>>) attributes {dimension_semantics = [], scalar_prefetch = 0 : i64, scratch_operands = 0 : i64, tpu.core_type = #tpu.core_type<tc>} {
    %get3A = arith.constant 0 : index
    %get3A_0 = arith.constant 0 : index
    %get3A_1 = arith.constant 0 : index
    %get3A_2 = vector.load %arg0[%get3A, %get3A_0, %get3A_1] : memref<2x10240x32xf32, #tpu.memory_space<vmem>>, vector<2x10240x32xf32>
    %get3A_3 = arith.constant 0 : index
    %get3A_4 = arith.constant 0 : index
    %get3A_5 = vector.load %arg1[%get3A_3, %get3A_4] : memref<10240x32xf32, #tpu.memory_space<vmem>>, vector<10000x32xf32>
    %get3A_6 = arith.constant 0 : index
    %get3A_7 = arith.constant 0 : index
    %get3A_8 = vector.load %arg2[%get3A_6, %get3A_7] : memref<10000x1xf32, #tpu.memory_space<vmem>>, vector<10000x1xf32>
    %slice3A = vector.extract_strided_slice %get3A_2 {offsets = [0, 0, 0], sizes = [1, 10000, 32], strides = [1, 1, 1]} : vector<2x10240x32xf32> to vector<1x10000x32xf32>
    %squeeze3A = vector.shape_cast %slice3A : vector<1x10000x32xf32> to vector<10000x32xf32>
    %slice3A_9 = vector.extract_strided_slice %get3A_2 {offsets = [1, 0, 0], sizes = [1, 10000, 32], strides = [1, 1, 1]} : vector<2x10240x32xf32> to vector<1x10000x32xf32>
    %squeeze3A_10 = vector.shape_cast %slice3A_9 : vector<1x10000x32xf32> to vector<10000x32xf32>
    %add3A = arith.addf %squeeze3A, %squeeze3A_10 : vector<10000x32xf32>
    %sub3A = arith.subf %add3A, %get3A_5 : vector<10000x32xf32>
    %mul3A = vector.broadcast %get3A_8 : vector<10000x1xf32> to vector<10000x32xf32>
    %mul3A_11 = arith.mulf %mul3A, %sub3A : vector<10000x32xf32>
    %get3A_12 = arith.constant 0 : index
    %get3A_13 = arith.constant 0 : index
    %get3A_14 = vector.load %arg3[%get3A_12, %get3A_13] : memref<1x32xf32, #tpu.memory_space<vmem>>, vector<1x32xf32>
    %add3A_15 = vector.broadcast %get3A_14 : vector<1x32xf32> to vector<10000x32xf32>
    %add3A_16 = arith.addf %mul3A_11, %add3A_15 : vector<10000x32xf32>
    %max3A = arith.constant 0.000000e+00 : f32
    %max3A_17 = vector.broadcast %max3A : f32 to vector<10000x32xf32>
    %max3A_18 = arith.maximumf %add3A_16, %max3A_17 : vector<10000x32xf32>
    %get3A_19 = arith.constant 0 : index
    %get3A_20 = arith.constant 0 : index
    %get3A_21 = vector.load %arg4[%get3A_19, %get3A_20] : memref<32x1xf32, #tpu.memory_space<vmem>>, vector<32x1xf32>
    %dot_general3A = arith.constant dense<0.000000e+00> : vector<10000x1xf32>
    %dot_general3A_22 = tpu.matmul %max3A_18, %get3A_21, %dot_general3A {dimension_numbers = #tpu.dot_dimension_numbers<[1], [0], [0], [1], [0, 0, 1, 1], [], []>, transpose_lhs_hint = false} : vector<10000x32xf32>, vector<32x1xf32>, vector<10000x1xf32> -> vector<10000x1xf32>
    %mul3A_23 = arith.mulf %get3A_8, %dot_general3A_22 : vector<10000x1xf32>
    %swap3A = arith.constant 0 : index
    %swap3A_24 = arith.constant 0 : index
    %swap3A_25 = vector.load %arg5[%swap3A, %swap3A_24] : memref<10240x1xf32, #tpu.memory_space<vmem>>, vector<10000x1xf32>
    tpu.vector_store %arg5[%swap3A, %swap3A_24], %mul3A_23 {strides = array<i32>} : memref<10240x1xf32, #tpu.memory_space<vmem>>, vector<10000x1xf32>,
    %broadcast_in_dim3A = arith.constant 0.000000e+00 : f32
    %broadcast_in_dim3A_26 = vector.broadcast %broadcast_in_dim3A : f32 to vector<240x1xf32>
    %swap3A_27 = arith.constant 10000 : index
    %swap3A_28 = arith.constant 0 : index
    %swap3A_29 = vector.load %arg5[%swap3A_27, %swap3A_28] : memref<10240x1xf32, #tpu.memory_space<vmem>>, vector<240x1xf32>
    tpu.vector_store %arg5[%swap3A_27, %swap3A_28], %broadcast_in_dim3A_26 {strides = array<i32>} : memref<10240x1xf32, #tpu.memory_space<vmem>>, vector<240x1xf32>,
    return
  }
}

module attributes {stable_mosaic.version = 14 : i64} {
  func.func @body(%arg0: memref<2x10240x1xf32, #tpu.memory_space<vmem>>, %arg1: memref<10240x1xf32, #tpu.memory_space<vmem>>, %arg2: memref<10000x1xf32, #tpu.memory_space<vmem>>, %arg3: memref<1x1xf32, #tpu.memory_space<vmem>>, %arg4: memref<10000x1xf32, #tpu.memory_space<vmem>>) attributes {dimension_semantics = [], scalar_prefetch = 0 : i64, scratch_operands = 0 : i64, tpu.core_type = #tpu.core_type<tc>} {
    %get3A = arith.constant 0 : index
    %get3A_0 = arith.constant 0 : index
    %get3A_1 = arith.constant 0 : index
    %get3A_2 = vector.load %arg0[%get3A, %get3A_0, %get3A_1] : memref<2x10240x1xf32, #tpu.memory_space<vmem>>, vector<2x10240x1xf32>
    %slice3A = vector.extract_strided_slice %get3A_2 {offsets = [0, 0, 0], sizes = [1, 10000, 1], strides = [1, 1, 1]} : vector<2x10240x1xf32> to vector<1x10000x1xf32>
    %squeeze3A = vector.shape_cast %slice3A : vector<1x10000x1xf32> to vector<10000x1xf32>
    %slice3A_3 = vector.extract_strided_slice %get3A_2 {offsets = [1, 0, 0], sizes = [1, 10000, 1], strides = [1, 1, 1]} : vector<2x10240x1xf32> to vector<1x10000x1xf32>
    %squeeze3A_4 = vector.shape_cast %slice3A_3 : vector<1x10000x1xf32> to vector<10000x1xf32>
    %add3A = arith.addf %squeeze3A, %squeeze3A_4 : vector<10000x1xf32>
    %get3A_5 = arith.constant 0 : index
    %get3A_6 = arith.constant 0 : index
    %get3A_7 = vector.load %arg1[%get3A_5, %get3A_6] : memref<10240x1xf32, #tpu.memory_space<vmem>>, vector<10000x1xf32>
    %sub3A = arith.subf %add3A, %get3A_7 : vector<10000x1xf32>
    %get3A_8 = arith.constant 0 : index
    %get3A_9 = arith.constant 0 : index
    %get3A_10 = vector.load %arg2[%get3A_8, %get3A_9] : memref<10000x1xf32, #tpu.memory_space<vmem>>, vector<10000x1xf32>
    %mul3A = arith.mulf %get3A_10, %sub3A : vector<10000x1xf32>
    %get3A_11 = arith.constant 0 : index
    %get3A_12 = arith.constant 0 : index
    %get3A_13 = vector.load %arg3[%get3A_11, %get3A_12] : memref<1x1xf32, #tpu.memory_space<vmem>>, vector<1x1xf32>
    %add3A_14 = vector.broadcast %get3A_13 : vector<1x1xf32> to vector<10000x1xf32>
    %add3A_15 = arith.addf %mul3A, %add3A_14 : vector<10000x1xf32>
    %swap3A = arith.constant 0 : index
    %swap3A_16 = arith.constant 0 : index
    %swap3A_17 = vector.load %arg4[%swap3A, %swap3A_16] : memref<10000x1xf32, #tpu.memory_space<vmem>>, vector<10000x1xf32>
    tpu.vector_store %arg4[%swap3A, %swap3A_16], %add3A_15 {strides = array<i32>} : memref<10000x1xf32, #tpu.memory_space<vmem>>, vector<10000x1xf32>,
    return
  }
}

</mosaic_0001>

<sc_bundles>
// kernel: kernel.10.cloned.1.call-start
scs
__scs_entry_jumppad:
0x0: {  	(pc) =	sbr.rel $0x88, $3  }
0x1: {  	(tag) =	ssettag $0x0;
	lr =	simm.s32 $0x1  }
0x2: {  	[smem:$0x3F99] =	sst lr;
	_ =	strace $0xD0000000  }
0x3: {  	_ = 	snop  }
0x4: {  	_ = 	snop  }
0x5: {  	_ = 	snop  }
0x6: {  	_ = 	snop  }
0x7: {  	_ = 	snop  }
__scs_overlays_trampoline_lowered:
0x8: {  	[smem:$0x3FA8] =	sst s0  }
0x9: {  	[smem:$0x3FA9] =	sst s1  }
0xa: {  	[smem:$0x3FAA] =	sst s2  }
0xb: {  	[smem:$0x3FAB] =	sst s3  }
0xc: {  	[smem:$0x3FAC] =	sst s4  }
0xd: {  	[smem:$0x3FAD] =	sst s5  }
0xe: {  	[smem:$0x3FAE] =	sst s6  }
0xf: {  	[smem:$0x3FAF] =	sst s7  }
0x10: {  	[smem:$0x3FB0] =	sst s8  }
0x11: {  	[smem:$0x3FB1] =	sst s9;
	s0 =	simm.s32 @!p0 $0x0  }
0x12: {  	s1 =	sld [smem:$0x3F97];
	s0 =	simm.s32 @p0 $0x1  }
0x13: {  	[smem:$0x3FB2] =	sst s0;
	s0 =	simm.s32 @!p1 $0x0  }
0x14: {  	s2 =	sld [smem:$0x3F96];
	s0 =	simm.s32 @p1 $0x1  }
0x15: {  	[smem:$0x3FB3] =	sst s0;
	s0 =	simm.s32 @!p2 $0x0  }
0x16: {  	s3 =	sld [smem:$0x3FDB];
	s0 =	simm.s32 @p2 $0x1  }
0x17: {  	s4 =	simm.s32 $0x1BF5;
	[smem:$0x3FB5] =	sst s0  }
0x18: {  	s0 =	sld [smem:$0x3F98];
	_ =	swait.ge [sflag:s4], $0x0  }
0x19: {  	s7 =	sld [smem:$0x3F99]  }
0x1a: {  	s8 =	sadd.s32 $0xFFFFE003, lr  }
0x1b: {  	s9 =	sadd.s32 $0xFFFFFEF7, lr;
	s5 =	simm.s32 $0xFFFFFFFF;
	p2 =	slt.u32 s8, $0xFFFFF086  }
0x1c: {  	p1 =	slt.u32 s9, $0xF7A;
	s5 =	simm.s32 @!p2 $0x0  }
0x1d: {  	s5 =	simm.s32 @p1 $0x1;
	p0 =	seq.s32 s7, s2  }
0x1e: {  	s7 =	smul.u32 @!p0 $0xF7A, s2;
	p2 =	seq.s32 @!p0 s5, $0x0  }
0x1f: {  	s9 =	smul.u32 $0xF7A, s1;
	s8 =	simm.s32 @!p0 $0x1BF5;
	p2 =	por !p2, p0  }
0x20: {  	[sflag:s8] =	ssyncset.s32 @!p0 $0xFFFFF086;
	s6 =	sadd.s32 @!p0 s3, s7;
	s7 =	simm.s32 @!p0 $0x108  }
0x21: {  	s3 =	sadd.s32 s3, s9;
	s6 =	sadd.s32 @!p0 $0x88, s6;
	s7 =	simm.s32 @p2 $0x1082  }
0x22: {  	[simem:s7], [sflag:s8] =	dma.local @!p0 [hbm:s6], $0xF7A  }
0x23: {  	s9 =	sor.u32 $0xD0000000, s2;
	s6 =	simm.s32 $0x108;
	_ =	swait.ge @!p0 [sflag:s8], $0x0  }
0x24: {  	s3 =	sadd.s32 $0x88, s3;
	s6 =	simm.s32 @!p1 $0x1082;
	[sflag:s4] =	ssyncset.s32 $0xFFFFF086  }
0x25: {  	[simem:s6], [sflag:s4] =	dma.local [hbm:s3], $0xF7A  }
0x26: {  	[smem:$0x3F99] =	sst s1;
	(tag) =	ssettag s2;
	_ =	strace s9  }
0x27: {  	s1 =	sld [smem:$0x3FA9]  }
0x28: {  	s2 =	sld [smem:$0x3FAA]  }
0x29: {  	s4 =	sld [smem:$0x3FAC]  }
0x2a: {  	p0 =	seq.s32 s5, $0x0;
	s5 =	sld [smem:$0x3FAD]  }
0x2b: {  	s6 =	sld [smem:$0x3FAE]  }
0x2c: {  	s7 =	sld [smem:$0x3FAF]  }
0x2d: {  	s3 =	simm.s32 $0x108;
	s8 =	sld [smem:$0x3FB0]  }
0x2e: {  	s3 =	simm.s32 @!p0 $0x1082;
	s9 =	sld [smem:$0x3FB1]  }
0x2f: {  	lr =	sadd.s32 s0, s3;
	s0 =	sld [smem:$0x3FA8]  }
0x30: {  	s3 =	sld [smem:$0x3FAB]  }
0x31: {  	[smem:$0x3FB4] =	sst s10  }
0x32: {  	s10 =	sld [smem:$0x3FB2];
	_ =	sdelay $0x3  }
0x33: {  	p0 =	seq.s32 s10, $0x1;
	s10 =	sld [smem:$0x3FB4];
	_ =	sdelay $0x3  }
0x34: {  	[smem:$0x3FB4] =	sst s10  }
0x35: {  	s10 =	sld [smem:$0x3FB3];
	_ =	sdelay $0x3  }
0x36: {  	p1 =	seq.s32 s10, $0x1;
	s10 =	sld [smem:$0x3FB4];
	_ =	sdelay $0x3  }
0x37: {  	[smem:$0x3FB4] =	sst s10  }
0x38: {  	s10 =	sld [smem:$0x3FB5]  }
0x39: {  	_ = 	snop;
	(pc) =	sbr.ind lr, $3  }
0x3a: {  	_ = 	snop  }
0x3b: {  	_ = 	snop  }
0x3c: {  	p2 =	seq.s32 s10, $0x1;
	s10 =	sld [smem:$0x3FB4]  }
0x3d: {  	_ =	shalt  }
0x3e: {  	_ =	shalt  }
0x3f: {  	_ =	shalt  }
0x40: {  	_ =	shalt  }
0x41: {  	_ =	shalt  }
0x42: {  	_ =	shalt  }
0x43: {  	_ =	shalt  }
0x44: {  	_ =	shalt  }
0x45: {  	_ =	shalt  }
0x46: {  	_ =	shalt  }
0x47: {  	_ =	shalt  }
0x48: {  	_ =	shalt  }
0x49: {  	_ =	shalt  }
0x4a: {  	_ =	shalt  }
0x4b: {  	_ =	shalt  }
0x4c: {  	_ =	shalt  }
0x4d: {  	_ =	shalt  }
0x4e: {  	_ =	shalt  }
0x4f: {  	_ =	shalt  }
0x50: {  	_ =	shalt  }
0x51: {  	_ =	shalt  }
0x52: {  	_ =	shalt  }
0x53: {  	_ =	shalt  }
0x54: {  	_ =	shalt  }
0x55: {  	_ =	shalt  }
0x56: {  	_ =	shalt  }
0x57: {  	_ =	shalt  }
0x58: {  	_ =	shalt  }
0x59: {  	_ =	shalt  }
0x5a: {  	_ =	shalt  }
0x5b: {  	_ =	shalt  }
0x5c: {  	_ =	shalt  }
0x5d: {  	_ =	shalt  }
0x5e: {  	_ =	shalt  }
0x5f: {  	_ =	shalt  }
0x60: {  	_ =	shalt  }
0x61: {  	_ =	shalt  }
0x62: {  	_ =	shalt  }
0x63: {  	_ =	shalt  }
0x64: {  	_ =	shalt  }
0x65: {  	_ =	shalt  }
0x66: {  	_ =	shalt  }
0x67: {  	_ =	shalt  }
0x68: {  	_ =	shalt  }
0x69: {  	_ =	shalt  }
0x6a: {  	_ =	shalt  }
0x6b: {  	_ =	shalt  }
0x6c: {  	_ =	shalt  }
0x6d: {  	_ =	shalt  }
0x6e: {  	_ =	shalt  }
0x6f: {  	_ =	shalt  }
0x70: {  	_ =	shalt  }
0x71: {  	_ =	shalt  }
0x72: {  	_ =	shalt  }
0x73: {  	_ =	shalt  }
0x74: {  	_ =	shalt  }
0x75: {  	_ =	shalt  }
0x76: {  	_ =	shalt  }
0x77: {  	_ =	shalt  }
0x78: {  	_ =	shalt  }
0x79: {  	_ =	shalt  }
0x7a: {  	_ =	shalt  }
0x7b: {  	_ =	shalt  }
0x7c: {  	_ =	shalt  }
0x7d: {  	_ =	shalt  }
0x7e: {  	_ =	shalt  }
0x7f: {  	_ =	shalt  }
0x80: {  	_ =	shalt  }
0x81: {  	_ =	shalt  }
0x82: {  	_ =	shalt  }
0x83: {  	_ =	shalt  }
0x84: {  	_ =	shalt  }
0x85: {  	_ =	shalt  }
0x86: {  	_ =	shalt  }
0x87: {  	_ =	shalt  }
.Lfunc_end0:
.L_simem_size_0:
called_computation_lowered:
.L_overlay_start_0:
0x88: {  	s2 =	sld [smem:$0x3FD9]  }
0x89: {  	s3 =	sld [smem:$0x3FFE];
	_ =	sdelay $0x1  }
0x8a: {  	s1 =	srdreg.scid  }
0x8b: {  	s0 =	sand.u32 $0x1, s1  }
0x8c: {  	s16 =	sshll.u32 s0, $0xA;
	s2 =	sadd.s32 s3, s2  }
0x8d: {  	s2 =	sadd.s32 s2, s16  }
0x8e: {  	[smem:$0x3FC0] =	sst s2  }
0x8f: {  	_ = 	snop  }
0x90: {  	(tm) =	ssettm $0x1  }
0x91: {  	s17 =	sld [smem:$0x3FFB];
	_ =	sdelay $0x3  }
0x92: {  	_ =	strace s17  }
0x93: {  	s2 =	sld [smem:$0x3FFC];
	_ =	sdelay $0x3  }
0x94: {  	_ =	strace s2  }
0x95: {  	s2 =	sld [smem:$0x3FFD];
	_ =	sdelay $0x3  }
0x96: {  	_ =	strace s2  }
0x97: {  	_ =	strace $0x8FFFFFFF  }
0x98: {  	s18 =	sld [smem:$0x3FDB];
	_ =	sdelay $0x1  }
0x99: {  	s19 =	simm.s32 $_scs_section_size  }
0x9a: {  	s4 =	simm.s32 $_size__tile_overlayer_lowered;
	s5 =	simm.s32 $_tile_overlayer_lowered  }
0x9b: {  	s22 =	simm.s32 $0x1BFF;
	s21 =	sshll.u32 s5, $0x1;
	s2 =	sadd.s32 s19, s18  }
0x9c: {  	s6 =	simm.s32 $0x0;
	s20 =	sshll.u32 s4, $0x1;
	s4 =	sadd.s32 s21, s2  }
0x9d: {  	[timem:s6], [sflag:s22] =	dma.local [hbm:s4], s20  }
0x9e: {  	_ =	swait.ge [sflag:s22], s20  }
0x9f: {  	s3 =	ssub.s32 $0x0, s20;
	[sflag:s22] =	ssyncset.done $0x0  }
0xa0: {  	[sflag:s22] =	ssyncadd.s32 s3;
	_ =	sdelay $0x1  }
0xa1: {  	s23 =	simm.s32 $0x1B8B  }
0xa2: {  	_ =	swait.ge [sflag:s23], $0x1  }
0xa3: {  	[sflag:s23] =	ssyncset.done $0x0  }
0xa4: {  	s25 =	simm.s32 $0x1B8E;
	s24 =	sld [smem:$0x3FFE];
	[sflag:s23] =	ssyncadd.s32 $0xFFFFFFFF  }
0xa5: {  	s26 =	simm.s32 $execute0_lowered;
	[smem:$0x3FD2] =	sst s25  }
0xa6: {  	s4 =	sshll.u32 s26, $0x1;
	_ =	strace $0x80000046;
	[dreg:$0x1] =	wrdreg $0xFFFFFFFF  }
0xa7: {  	s28 =	simm.s32 $_size_execute0_lowered;
	s2 =	sadd.s32 s2, s4;
	[dreg:$0x0] =	wrdreg $0x0  }
0xa8: {  	s4 =	sshll.u32 s28, $0x1;
	[dreg:$0x2] =	wrdreg s2  }
0xa9: {  	[dreg:$0x3] =	wrdreg s4  }
0xaa: {  	[dreg:$0x4] =	wrdreg $0xC0  }
0xab: {  	_ =	task [dreg:s6], $0x5FFFF  }
0xac: {  	[dreg:$0x1] =	wrdreg $0xFFFFFFFF  }
0xad: {  	[dreg:$0x0] =	wrdreg $0x60  }
0xae: {  	[dreg:$0x2] =	wrdreg s24  }
0xaf: {  	[dreg:$0x3] =	wrdreg $0x2B000  }
0xb0: {  	[dreg:$0x4] =	wrdreg $0x9  }
0xb1: {  	_ =	task.clear_ibuf [dreg:s6], $0x5FFFF;
	_ =	strace $0x90000046  }
0xb2: {  	s29 =	simm.s32 $0x9;
	_ =	strace $0x80000048  }
0xb3: {  	_ =	swait.ge [sflag:s29], $0x1  }
0xb4: {  	[sflag:s29] =	ssyncadd.s32 $0xFFFFFFFF  }
0xb5: {  	_ =	strace $0x90000048  }
0xb6: {  	_ =	sfence  }
0xb7: {  	s30 =	sld [smem:$0x0];
	_ =	sdelay $0x2  }
0xb8: {  	s31 =	sshll.u32 s1, $0xD;
	s1 =	sshrl.u32 s1, $0x2  }
0xb9: {  	s3 =	sand.u32 $0x4000, s31;
	s1 =	sadd.s32 s1, s30  }
0xba: {  	s0 =	sor.u32 s3, s0;
	s1 =	sshll.u32 s1, $0x11  }
0xbb: {  	s0 =	sor.u32 s1, s0  }
0xbc: {  	s0 =	sadd.s32 $0x8F2B, s0  }
0xbd: {  	[sflag:s0] =	ssyncadd.remote.s32 $0x1  }
0xbe: {  	_ =	sfence.sel $0xFFFF  }
0xbf: {  	[dreg:$0x0] =	wrdreg $0xFFFFFFFF;
	(pc) =	sbr.abs _section_cstart, $3  }
0xc0: {  	[dreg:$0x1] =	wrdreg $0xFFFFFFFF  }
0xc1: {  	_ =	task.clear_ibuf [dreg:s6], $0x2FFFF;
	_ =	strace $0x9FFFFFFF  }
0xc2: {  	(tm) =	ssettm $0x7FFFFFFF  }
0xc3: {  	_ =	shalt  }
tec
execute0_lowered:
.L_overlay_start_1:
0x0: {  	(tag) =	ssettag $0x1  }
0x1: {  	s4 =	rddreg [dreg:$0x0]  }
0x2: {  	s2 =	rddreg [dreg:$0x1]  }
0x3: {  	s0 =	rddreg [dreg:$0x2]  }
0x4: {  	s3 =	simm.s32 $0x0;
	s5 =	srdreg.scid;
	s1 =	stileid.u32  }
0x5: {  	s10 =	simm.s32 $0x80;
	s11 =	simm.s32 $0x2800;
	s12 =	simm.s32 $0x100  }
0x6: {  	s13 =	simm.s32 $0x0;
	s5 =	sand.u32 $0x1, s5;
	s7 =	smul.u32 $0x500, s1  }
0x7: {  	s6 =	sshll.u32 s1, $0x1;
	[smem:$0x7FF] =	sst s3;
	s29 =	smul.u32 $0xA00, s1  }
0x8: {  	s6 =	sor.u32 s5, s6;
	s8 =	sshll.u32 s5, $0x7;
	_ =	strace $0x80000047  }
0x9: {  	s5 =	ssub.s32 $0x2, s5;
	s6 =	smul.u32 $0x500, s6;
	s7 =	sor.u32 s8, s7  }
0xa: {  	s30 =	sshrl.u32 s5, $0x1;
	s31 =	sshrl.u32 s29, $0x2;
	s8 =	simm.s32 $0x1  }
0xb: {  	s7 =	sshrl.u32 s7, $0x3;
	s9 =	ssub.s32 s5, s30;
	s6 =	sadd.s32 s6, s4  }
0xc: {  	s5 =	sadd.s32 s31, s2;
	s7 =	sadd.s32 s7, s4;
	s4 =	sadd.s32 $0xB200, s6  }
0xd: {  	v0 =	vimm.f32 $1.000000000e+00;
	v1 =	vimm.f32 $0.0e+00;
	s6 =	sadd.s32 $0x15200, s7;
	s7 =	smax.u32 s9, $0x1;
	s9 =	simm.s32 $0x2880  }
.LBB2_1:
0xe: {  	[tilespmem:s3], [sflag:$0x1] =	stream.linear.gather [hbm4b:s4+s3], $0x2800, $0x38;
	[tilespmem:$0x2D80] =	vst v63  }
0xf: {  	_ =	swait.ge [sflag:s8], $0x2800  }
0x10: {  	[sflag:s8] =	ssyncset.done $0x0  }
0x11: {  	[sflag:s8] =	ssyncadd.s32 $0xFFFFD800  }
0x12: {  	[tilespmem:$0x2800] =	vst v0  }
0x13: {  	[tilespmem:$0x2810] =	vst v0  }
0x14: {  	[tilespmem:$0x2820] =	vst v0  }
0x15: {  	[tilespmem:$0x2830] =	vst v0  }
0x16: {  	[tilespmem:$0x2840] =	vst v0  }
0x17: {  	[tilespmem:$0x2850] =	vst v0  }
0x18: {  	[tilespmem:$0x2860] =	vst v0  }
0x19: {  	[tilespmem:$0x2870] =	vst v0  }
0x1a: {  	[tilespmem:$0x2880] =	vst v1  }
0x1b: {  	[tilespmem:$0x2890] =	vst v1  }
0x1c: {  	[tilespmem:$0x28A0] =	vst v1  }
0x1d: {  	[tilespmem:$0x28B0] =	vst v1  }
0x1e: {  	[tilespmem:$0x28C0] =	vst v1  }
0x1f: {  	[tilespmem:$0x28D0] =	vst v1  }
0x20: {  	[tilespmem:$0x28E0] =	vst v1  }
0x21: {  	[tilespmem:$0x28F0] =	vst v1  }
0x22: {  	[tilespmem:$0x2900] =	vst v1  }
0x23: {  	[tilespmem:$0x2910] =	vst v1  }
0x24: {  	[tilespmem:$0x2920] =	vst v1  }
0x25: {  	[tilespmem:$0x2930] =	vst v1  }
0x26: {  	[tilespmem:$0x2940] =	vst v1  }
0x27: {  	[tilespmem:$0x2950] =	vst v1  }
0x28: {  	[tilespmem:$0x2960] =	vst v1  }
0x29: {  	[tilespmem:$0x2970] =	vst v1  }
0x2a: {  	[tilespmem:$0x2980] =	vst v1  }
0x2b: {  	[tilespmem:$0x2990] =	vst v1  }
0x2c: {  	[tilespmem:$0x29A0] =	vst v1  }
0x2d: {  	[tilespmem:$0x29B0] =	vst v1  }
0x2e: {  	[tilespmem:$0x29C0] =	vst v1  }
0x2f: {  	[tilespmem:$0x29D0] =	vst v1  }
0x30: {  	[tilespmem:$0x29E0] =	vst v1  }
0x31: {  	[tilespmem:$0x29F0] =	vst v1  }
0x32: {  	[tilespmem:$0x2A00] =	vst v1  }
0x33: {  	[tilespmem:$0x2A10] =	vst v1  }
0x34: {  	[tilespmem:$0x2A20] =	vst v1  }
0x35: {  	[tilespmem:$0x2A30] =	vst v1  }
0x36: {  	[tilespmem:$0x2A40] =	vst v1  }
0x37: {  	[tilespmem:$0x2A50] =	vst v1  }
0x38: {  	[tilespmem:$0x2A60] =	vst v1  }
0x39: {  	[tilespmem:$0x2A70] =	vst v1  }
0x3a: {  	[tilespmem:$0x2A80] =	vst v1  }
0x3b: {  	[tilespmem:$0x2A90] =	vst v1  }
0x3c: {  	[tilespmem:$0x2AA0] =	vst v1  }
0x3d: {  	[tilespmem:$0x2AB0] =	vst v1  }
0x3e: {  	[tilespmem:$0x2AC0] =	vst v1  }
0x3f: {  	[tilespmem:$0x2AD0] =	vst v1  }
0x40: {  	[tilespmem:$0x2AE0] =	vst v1  }
0x41: {  	[tilespmem:$0x2AF0] =	vst v1  }
0x42: {  	[spmem:s5] =	stream.linear.scatter [tilespmem:s9], [sflag:$0x1], $0x280, $0x38;
	[tilespmem:$0x2D80] =	vst v63  }
0x43: {  	_ =	swait.ge [sflag:s8], $0x280  }
0x44: {  	[sflag:s8] =	ssyncset.done $0x0  }
0x45: {  	[sflag:s8] =	ssyncadd.s32 $0xFFFFFD80  }
0x46: {  	s14 =	simm.s32 $0x0;
	[bflag:$0x0] =	sbarrier.arrive $0xFFFF  }
0x47: {  	[spmem:s2] =	stream.indirect.scatter.add.f32 [tilespmem:s11], [sflag:$0x1], $0x1, s14, s10, $0xb8;
	[tilespmem:$0x2D80] =	vst v63  }
0x48: {  	_ =	swait.ge [sflag:s8], $0x80  }
0x49: {  	s14 =	simm.s32 $0x200;
	[sflag:s8] =	ssyncset.done $0x0  }
.LBB2_2:
0x4a: {  	s15 =	sshra.s32 s14, $0x2;
	[sflag:s8] =	ssyncadd.s32 $0xFFFFFF80;
	p0 =	sne.s32 s14, $0x9E00  }
0x4b: {  	[spmem:s2] =	stream.indirect.scatter.add.f32 [tilespmem:s11], [sflag:$0x1], $0x1, s15, s10, $0xb8;
	[tilespmem:$0x2D80] =	vst v63  }
.Ltmp0:
0x4c: {  	_ = 	snop;
	(pc) =	sbr.rel @p0 .LBB2_2-.Ltmp0, $4  }
0x4d: {  	_ = 	snop  }
0x4e: {  	s14 =	sadd.s32 $0x200, s14  }
0x4f: {  	_ =	swait.ge [sflag:s8], $0x80  }
0x50: {  	[sflag:s8] =	ssyncset.done $0x0  }
0x51: {  	[sflag:s8] =	ssyncadd.s32 $0xFFFFFF80  }
0x52: {  	[bflag:$0x0] =	sbarrier.arrive $0xFFFF  }
0x53: {  	[tilespmem:s9], [sflag:$0x1] =	stream.linear.gather [spmem:s5], $0x280, $0x38;
	[tilespmem:$0x2D80] =	vst v63  }
0x54: {  	s13 =	sadd.s32 $0x1, s13;
	_ =	swait.ge [sflag:s8], $0x280  }
0x55: {  	p0 =	sne.s32 s13, s7;
	[sflag:s8] =	ssyncset.done $0x0  }
.Ltmp1:
0x56: {  	[sflag:s8] =	ssyncadd.s32 $0xFFFFFD80;
	(pc) =	sbr.rel @p0 .LBB2_1-.Ltmp1, $4  }
0x57: {  	[hbm4b:s6+s10] =	stream.strided.scatter [tilespmem:s9], [sflag:$0x1], $0x280, s12, s10, $0x38;
	[tilespmem:$0x2D80] =	vst v63  }
0x58: {  	_ =	swait.ge [sflag:s8], $0x280  }
0x59: {  	[sflag:s8] =	ssyncset.done $0x0  }
0x5a: {  	[sflag:s8] =	ssyncadd.s32 $0xFFFFFD80  }
0x5b: {  	_ =	sfence.sel $0x180000  }
0x5c: {  	[bflag:$0x0] =	sbarrier.arrive $0xFFFF  }
0x5d: {  	p0 =	sne.s32 s1, $0x0;
	_ =	strace $0x90000047  }
0x5e: {  	s0 =	sadd.s32 @!p0 $0x100000, s0;
	[bflag:$0x2] =	sbarrier.arrive $0xFFFF  }
0x5f: {  	[sflag:s0] =	ssyncadd.tile.s32 @!p0 $0x1;
	_ =	shalt  }
.Lfunc_end2:
_tile_overlayer_lowered:
.L_overlay_start_2:
0x60: {  	(tag) =	ssettag $0x2  }
0x61: {  	s0 =	rddreg [dreg:$0x0];
	s2 =	stileid.u32  }
0x62: {  	s1 =	rddreg [dreg:$0x1];
	p0 =	sne.s32 s2, $0x0  }
0x63: {  	s3 =	rddreg [dreg:$0x2];
	[bflag:$0x3] =	sbarrier.arrive $0xFFFF;
	s2 =	simm.s32 @!p0 $0x1C01  }
0x64: {  	[timem:s3], [sflag:s2] =	dma.local @!p0 [hbm:s0], s1  }
0x65: {  	s0 =	simm.s32 @!p0 $0x1  }
0x66: {  	_ =	swait.ge @!p0 [sflag:s0], s1  }
0x67: {  	s1 =	ssub.s32 @!p0 $0x0, s1;
	[sflag:s0] =	ssyncset.done @!p0 $0x0  }
0x68: {  	[sflag:s0] =	ssyncadd.s32 @!p0 s1  }
0x69: {  	[bflag:$0x3] =	sbarrier.arrive $0xFFFF  }
0x6a: {  	_ =	shalt  }

// kernel: kernel.13.cloned.1.call-start
scs
__scs_entry_jumppad:
0x0: {  	(pc) =	sbr.rel $0x88, $3  }
0x1: {  	(tag) =	ssettag $0x0;
	lr =	simm.s32 $0x1  }
0x2: {  	[smem:$0x3F99] =	sst lr;
	_ =	strace $0xD0000000  }
0x3: {  	_ = 	snop  }
0x4: {  	_ = 	snop  }
0x5: {  	_ = 	snop  }
0x6: {  	_ = 	snop  }
0x7: {  	_ = 	snop  }
__scs_overlays_trampoline_lowered:
0x8: {  	[smem:$0x3FA8] =	sst s0  }
0x9: {  	[smem:$0x3FA9] =	sst s1  }
0xa: {  	[smem:$0x3FAA] =	sst s2  }
0xb: {  	[smem:$0x3FAB] =	sst s3  }
0xc: {  	[smem:$0x3FAC] =	sst s4  }
0xd: {  	[smem:$0x3FAD] =	sst s5  }
0xe: {  	[smem:$0x3FAE] =	sst s6  }
0xf: {  	[smem:$0x3FAF] =	sst s7  }
0x10: {  	[smem:$0x3FB0] =	sst s8  }
0x11: {  	[smem:$0x3FB1] =	sst s9;
	s0 =	simm.s32 @!p0 $0x0  }
0x12: {  	s1 =	sld [smem:$0x3F97];
	s0 =	simm.s32 @p0 $0x1  }
0x13: {  	[smem:$0x3FB2] =	sst s0;
	s0 =	simm.s32 @!p1 $0x0  }
0x14: {  	s2 =	sld [smem:$0x3F96];
	s0 =	simm.s32 @p1 $0x1  }
0x15: {  	[smem:$0x3FB3] =	sst s0;
	s0 =	simm.s32 @!p2 $0x0  }
0x16: {  	s3 =	sld [smem:$0x3FDB];
	s0 =	simm.s32 @p2 $0x1  }
0x17: {  	s4 =	simm.s32 $0x1BF5;
	[smem:$0x3FB5] =	sst s0  }
0x18: {  	s0 =	sld [smem:$0x3F98];
	_ =	swait.ge [sflag:s4], $0x0  }
0x19: {  	s7 =	sld [smem:$0x3F99]  }
0x1a: {  	s8 =	sadd.s32 $0xFFFFE003, lr  }
0x1b: {  	s9 =	sadd.s32 $0xFFFFFEF7, lr;
	s5 =	simm.s32 $0xFFFFFFFF;
	p2 =	slt.u32 s8, $0xFFFFF086  }
0x1c: {  	p1 =	slt.u32 s9, $0xF7A;
	s5 =	simm.s32 @!p2 $0x0  }
0x1d: {  	s5 =	simm.s32 @p1 $0x1;
	p0 =	seq.s32 s7, s2  }
0x1e: {  	s7 =	smul.u32 @!p0 $0xF7A, s2;
	p2 =	seq.s32 @!p0 s5, $0x0  }
0x1f: {  	s9 =	smul.u32 $0xF7A, s1;
	s8 =	simm.s32 @!p0 $0x1BF5;
	p2 =	por !p2, p0  }
0x20: {  	[sflag:s8] =	ssyncset.s32 @!p0 $0xFFFFF086;
	s6 =	sadd.s32 @!p0 s3, s7;
	s7 =	simm.s32 @!p0 $0x108  }
0x21: {  	s3 =	sadd.s32 s3, s9;
	s6 =	sadd.s32 @!p0 $0x88, s6;
	s7 =	simm.s32 @p2 $0x1082  }
0x22: {  	[simem:s7], [sflag:s8] =	dma.local @!p0 [hbm:s6], $0xF7A  }
0x23: {  	s9 =	sor.u32 $0xD0000000, s2;
	s6 =	simm.s32 $0x108;
	_ =	swait.ge @!p0 [sflag:s8], $0x0  }
0x24: {  	s3 =	sadd.s32 $0x88, s3;
	s6 =	simm.s32 @!p1 $0x1082;
	[sflag:s4] =	ssyncset.s32 $0xFFFFF086  }
0x25: {  	[simem:s6], [sflag:s4] =	dma.local [hbm:s3], $0xF7A  }
0x26: {  	[smem:$0x3F99] =	sst s1;
	(tag) =	ssettag s2;
	_ =	strace s9  }
0x27: {  	s1 =	sld [smem:$0x3FA9]  }
0x28: {  	s2 =	sld [smem:$0x3FAA]  }
0x29: {  	s4 =	sld [smem:$0x3FAC]  }
0x2a: {  	p0 =	seq.s32 s5, $0x0;
	s5 =	sld [smem:$0x3FAD]  }
0x2b: {  	s6 =	sld [smem:$0x3FAE]  }
0x2c: {  	s7 =	sld [smem:$0x3FAF]  }
0x2d: {  	s3 =	simm.s32 $0x108;
	s8 =	sld [smem:$0x3FB0]  }
0x2e: {  	s3 =	simm.s32 @!p0 $0x1082;
	s9 =	sld [smem:$0x3FB1]  }
0x2f: {  	lr =	sadd.s32 s0, s3;
	s0 =	sld [smem:$0x3FA8]  }
0x30: {  	s3 =	sld [smem:$0x3FAB]  }
0x31: {  	[smem:$0x3FB4] =	sst s10  }
0x32: {  	s10 =	sld [smem:$0x3FB2];
	_ =	sdelay $0x3  }
0x33: {  	p0 =	seq.s32 s10, $0x1;
	s10 =	sld [smem:$0x3FB4];
	_ =	sdelay $0x3  }
0x34: {  	[smem:$0x3FB4] =	sst s10  }
0x35: {  	s10 =	sld [smem:$0x3FB3];
	_ =	sdelay $0x3  }
0x36: {  	p1 =	seq.s32 s10, $0x1;
	s10 =	sld [smem:$0x3FB4];
	_ =	sdelay $0x3  }
0x37: {  	[smem:$0x3FB4] =	sst s10  }
0x38: {  	s10 =	sld [smem:$0x3FB5]  }
0x39: {  	_ = 	snop;
	(pc) =	sbr.ind lr, $3  }
0x3a: {  	_ = 	snop  }
0x3b: {  	_ = 	snop  }
0x3c: {  	p2 =	seq.s32 s10, $0x1;
	s10 =	sld [smem:$0x3FB4]  }
0x3d: {  	_ =	shalt  }
0x3e: {  	_ =	shalt  }
0x3f: {  	_ =	shalt  }
0x40: {  	_ =	shalt  }
0x41: {  	_ =	shalt  }
0x42: {  	_ =	shalt  }
0x43: {  	_ =	shalt  }
0x44: {  	_ =	shalt  }
0x45: {  	_ =	shalt  }
0x46: {  	_ =	shalt  }
0x47: {  	_ =	shalt  }
0x48: {  	_ =	shalt  }
0x49: {  	_ =	shalt  }
0x4a: {  	_ =	shalt  }
0x4b: {  	_ =	shalt  }
0x4c: {  	_ =	shalt  }
0x4d: {  	_ =	shalt  }
0x4e: {  	_ =	shalt  }
0x4f: {  	_ =	shalt  }
0x50: {  	_ =	shalt  }
0x51: {  	_ =	shalt  }
0x52: {  	_ =	shalt  }
0x53: {  	_ =	shalt  }
0x54: {  	_ =	shalt  }
0x55: {  	_ =	shalt  }
0x56: {  	_ =	shalt  }
0x57: {  	_ =	shalt  }
0x58: {  	_ =	shalt  }
0x59: {  	_ =	shalt  }
0x5a: {  	_ =	shalt  }
0x5b: {  	_ =	shalt  }
0x5c: {  	_ =	shalt  }
0x5d: {  	_ =	shalt  }
0x5e: {  	_ =	shalt  }
0x5f: {  	_ =	shalt  }
0x60: {  	_ =	shalt  }
0x61: {  	_ =	shalt  }
0x62: {  	_ =	shalt  }
0x63: {  	_ =	shalt  }
0x64: {  	_ =	shalt  }
0x65: {  	_ =	shalt  }
0x66: {  	_ =	shalt  }
0x67: {  	_ =	shalt  }
0x68: {  	_ =	shalt  }
0x69: {  	_ =	shalt  }
0x6a: {  	_ =	shalt  }
0x6b: {  	_ =	shalt  }
0x6c: {  	_ =	shalt  }
0x6d: {  	_ =	shalt  }
0x6e: {  	_ =	shalt  }
0x6f: {  	_ =	shalt  }
0x70: {  	_ =	shalt  }
0x71: {  	_ =	shalt  }
0x72: {  	_ =	shalt  }
0x73: {  	_ =	shalt  }
0x74: {  	_ =	shalt  }
0x75: {  	_ =	shalt  }
0x76: {  	_ =	shalt  }
0x77: {  	_ =	shalt  }
0x78: {  	_ =	shalt  }
0x79: {  	_ =	shalt  }
0x7a: {  	_ =	shalt  }
0x7b: {  	_ =	shalt  }
0x7c: {  	_ =	shalt  }
0x7d: {  	_ =	shalt  }
0x7e: {  	_ =	shalt  }
0x7f: {  	_ =	shalt  }
0x80: {  	_ =	shalt  }
0x81: {  	_ =	shalt  }
0x82: {  	_ =	shalt  }
0x83: {  	_ =	shalt  }
0x84: {  	_ =	shalt  }
0x85: {  	_ =	shalt  }
0x86: {  	_ =	shalt  }
0x87: {  	_ =	shalt  }
.Lfunc_end0:
.L_simem_size_0:
called_computation.1_lowered:
.L_overlay_start_0:
0x88: {  	s2 =	sld [smem:$0x3FD9]  }
0x89: {  	s3 =	sld [smem:$0x3FFE];
	_ =	sdelay $0x1  }
0x8a: {  	s1 =	srdreg.scid  }
0x8b: {  	s0 =	sand.u32 $0x1, s1  }
0x8c: {  	s16 =	sshll.u32 s0, $0xA;
	s2 =	sadd.s32 s3, s2  }
0x8d: {  	s2 =	sadd.s32 s2, s16  }
0x8e: {  	[smem:$0x3FC0] =	sst s2  }
0x8f: {  	_ = 	snop  }
0x90: {  	(tm) =	ssettm $0x1  }
0x91: {  	s17 =	sld [smem:$0x3FFB];
	_ =	sdelay $0x3  }
0x92: {  	_ =	strace s17  }
0x93: {  	s2 =	sld [smem:$0x3FFC];
	_ =	sdelay $0x3  }
0x94: {  	_ =	strace s2  }
0x95: {  	s2 =	sld [smem:$0x3FFD];
	_ =	sdelay $0x3  }
0x96: {  	_ =	strace s2  }
0x97: {  	_ =	strace $0x8FFFFFFF  }
0x98: {  	s18 =	sld [smem:$0x3FDB];
	_ =	sdelay $0x1  }
0x99: {  	s19 =	simm.s32 $_scs_section_size  }
0x9a: {  	s4 =	simm.s32 $_size__tile_overlayer_lowered;
	s5 =	simm.s32 $_tile_overlayer_lowered  }
0x9b: {  	s22 =	simm.s32 $0x1BFF;
	s21 =	sshll.u32 s5, $0x1;
	s2 =	sadd.s32 s19, s18  }
0x9c: {  	s6 =	simm.s32 $0x0;
	s20 =	sshll.u32 s4, $0x1;
	s4 =	sadd.s32 s21, s2  }
0x9d: {  	[timem:s6], [sflag:s22] =	dma.local [hbm:s4], s20  }
0x9e: {  	_ =	swait.ge [sflag:s22], s20  }
0x9f: {  	s3 =	ssub.s32 $0x0, s20;
	[sflag:s22] =	ssyncset.done $0x0  }
0xa0: {  	[sflag:s22] =	ssyncadd.s32 s3;
	_ =	sdelay $0x1  }
0xa1: {  	s23 =	simm.s32 $0x1B8B  }
0xa2: {  	_ =	swait.ge [sflag:s23], $0x1  }
0xa3: {  	[sflag:s23] =	ssyncset.done $0x0  }
0xa4: {  	s25 =	simm.s32 $0x1B8E;
	s24 =	sld [smem:$0x3FFE];
	[sflag:s23] =	ssyncadd.s32 $0xFFFFFFFF  }
0xa5: {  	s26 =	simm.s32 $execute0_lowered;
	[smem:$0x3FD2] =	sst s25  }
0xa6: {  	s4 =	sshll.u32 s26, $0x1;
	_ =	strace $0x80000049;
	[dreg:$0x1] =	wrdreg $0xFFFFFFFF  }
0xa7: {  	s28 =	simm.s32 $_size_execute0_lowered;
	s2 =	sadd.s32 s2, s4;
	[dreg:$0x0] =	wrdreg $0x0  }
0xa8: {  	s4 =	sshll.u32 s28, $0x1;
	[dreg:$0x2] =	wrdreg s2  }
0xa9: {  	[dreg:$0x3] =	wrdreg s4  }
0xaa: {  	[dreg:$0x4] =	wrdreg $0xC0  }
0xab: {  	_ =	task [dreg:s6], $0x5FFFF  }
0xac: {  	[dreg:$0x1] =	wrdreg $0xFFFFFFFF  }
0xad: {  	[dreg:$0x0] =	wrdreg $0x60  }
0xae: {  	[dreg:$0x2] =	wrdreg s24  }
0xaf: {  	[dreg:$0x3] =	wrdreg $0xD0000  }
0xb0: {  	[dreg:$0x4] =	wrdreg $0x9  }
0xb1: {  	_ =	task.clear_ibuf [dreg:s6], $0x5FFFF;
	_ =	strace $0x90000049  }
0xb2: {  	s29 =	simm.s32 $0x9;
	_ =	strace $0x8000004B  }
0xb3: {  	_ =	swait.ge [sflag:s29], $0x1  }
0xb4: {  	[sflag:s29] =	ssyncadd.s32 $0xFFFFFFFF  }
0xb5: {  	_ =	strace $0x9000004B  }
0xb6: {  	_ =	sfence  }
0xb7: {  	s30 =	sld [smem:$0x0];
	_ =	sdelay $0x2  }
0xb8: {  	s31 =	sshll.u32 s1, $0xD;
	s1 =	sshrl.u32 s1, $0x2  }
0xb9: {  	s3 =	sand.u32 $0x4000, s31;
	s1 =	sadd.s32 s1, s30  }
0xba: {  	s0 =	sor.u32 s3, s0;
	s1 =	sshll.u32 s1, $0x11  }
0xbb: {  	s0 =	sor.u32 s1, s0  }
0xbc: {  	s0 =	sadd.s32 $0x8F2B, s0  }
0xbd: {  	[sflag:s0] =	ssyncadd.remote.s32 $0x1  }
0xbe: {  	_ =	sfence.sel $0xFFFF  }
0xbf: {  	[dreg:$0x0] =	wrdreg $0xFFFFFFFF;
	(pc) =	sbr.abs _section_cstart, $3  }
0xc0: {  	[dreg:$0x1] =	wrdreg $0xFFFFFFFF  }
0xc1: {  	_ =	task.clear_ibuf [dreg:s6], $0x2FFFF;
	_ =	strace $0x9FFFFFFF  }
0xc2: {  	(tm) =	ssettm $0x7FFFFFFF  }
0xc3: {  	_ =	shalt  }
tec
execute0_lowered:
.L_overlay_start_1:
0x0: {  	(tag) =	ssettag $0x1  }
0x1: {  	s0 =	rddreg [dreg:$0x0]  }
0x2: {  	s2 =	rddreg [dreg:$0x1];
	s3 =	simm.s32 $0x0;
	s4 =	srdreg.scid  }
0x3: {  	s1 =	stileid.u32;
	s12 =	simm.s32 $0x5;
	s13 =	simm.s32 $0x2800  }
0x4: {  	s14 =	simm.s32 $0x80;
	s15 =	simm.s32 $0x5000;
	s16 =	simm.s32 $0x7000  }
0x5: {  	s17 =	simm.s32 $0x100;
	s18 =	simm.s32 $0x9000;
	s19 =	simm.s32 $0x180  }
0x6: {  	s20 =	simm.s32 $0xB000;
	s21 =	simm.s32 $0x1;
	s22 =	simm.s32 $0x2  }
0x7: {  	s23 =	simm.s32 $0x3;
	s24 =	simm.s32 $0x4;
	s28 =	simm.s32 $0x4F00  }
0x8: {  	s29 =	simm.s32 $0x4F80;
	s30 =	simm.s32 $0x0;
	s5 =	sand.u32 $0x1, s4  }
0x9: {  	s25 =	sshll.u32 s1, $0x1;
	s6 =	smul.u32 $0xA000, s1;
	[smem:$0x7FF] =	sst s3  }
0xa: {  	s31 =	sshll.u32 s1, $0x6;
	s4 =	sor.u32 s5, s25;
	s7 =	smul.u32 $0xA0000, s5  }
0xb: {  	_ =	strace $0x8000004A;
	s5 =	ssub.s32 $0x2, s5;
	s25 =	simm.s32 $0x4E00  }
0xc: {  	s8 =	smul.u32 $0x500, s4;
	s4 =	sadd.s32 $0x15200, s0;
	s9 =	sshrl.u32 s5, $0x1  }
0xd: {  	s26 =	sshrl.u32 s6, $0x3;
	s11 =	sadd.s32 s6, s2;
	s7 =	sadd.s32 s6, s7  }
0xe: {  	s10 =	ssub.s32 s5, s9;
	s5 =	sadd.s32 s4, s26;
	s6 =	sor.u32 $0x1C05, s31  }
0xf: {  	s11 =	sshrl.u32 s11, $0x3;
	s26 =	simm.s32 $0x4E80;
	s7 =	sshrl.u32 s7, $0x3  }
0x10: {  	s8 =	sadd.s32 s8, s0;
	s10 =	smax.u32 s10, $0x1;
	s0 =	sadd.s32 s7, s0  }
0x11: {  	s7 =	sadd.s32 $0x1200, s8;
	s8 =	sadd.s32 $0xB200, s8;
	s9 =	sadd.s32 $0x29200, s0  }
.LBB2_1:
0x12: {  	[spmem:s11], [sflag:s6] =	dma.local [hbm:s5], $0x1400  }
0x13: {  	_ =	swait.ge [sflag:s12], $0x1400  }
0x14: {  	[sflag:s12] =	ssyncset.done $0x0  }
0x15: {  	[sflag:s12] =	ssyncadd.s32 $0xFFFFEC00  }
0x16: {  	[tilespmem:s3], [sflag:$0x5] =	stream.linear.gather [hbm4b:s7+s3], $0x2800, $0x38;
	[tilespmem:$0x17000] =	vst v63  }
0x17: {  	_ =	swait.ge [sflag:s12], $0x2800  }
0x18: {  	[sflag:s12] =	ssyncset.done $0x0  }
0x19: {  	[sflag:s12] =	ssyncadd.s32 $0xFFFFD800  }
0x1a: {  	[tilespmem:s13], [sflag:$0x5] =	stream.linear.gather [hbm4b:s8+s3], $0x2800, $0x38;
	[tilespmem:$0x17000] =	vst v63  }
0x1b: {  	_ =	swait.ge [sflag:s12], $0x2800  }
0x1c: {  	[sflag:s12] =	ssyncset.done $0x0  }
0x1d: {  	[sflag:s12] =	ssyncadd.s32 $0xFFFFD800  }
0x1e: {  	[bflag:$0x0] =	sbarrier.arrive $0xFFFF  }
0x1f: {  	[tilespmem:s15], [sflag:$0x1] =	stream.indirect.gather [hbm4b:s4+s14], $0x40, s3, s14, $0xb8;
	[tilespmem:$0x17000] =	vst v63  }
0x20: {  	_ = 	snop  }
0x21: {  	[tilespmem:s16], [sflag:$0x2] =	stream.indirect.gather [hbm4b:s4+s14], $0x40, s14, s14, $0xb8;
	[tilespmem:$0x17000] =	vst v63  }
0x22: {  	_ = 	snop  }
0x23: {  	[tilespmem:s18], [sflag:$0x3] =	stream.indirect.gather [hbm4b:s4+s14], $0x40, s17, s14, $0xb8;
	[tilespmem:$0x17000] =	vst v63  }
0x24: {  	_ = 	snop  }
0x25: {  	[tilespmem:s20], [sflag:$0x4] =	stream.indirect.gather [hbm4b:s4+s14], $0x40, s19, s14, $0xb8;
	[tilespmem:$0x17000] =	vst v63  }
0x26: {  	_ =	swait.ge [sflag:s21], $0x2000  }
0x27: {  	[sflag:s21] =	ssyncset.done $0x0  }
0x28: {  	s0 =	simm.s32 $0x2800;
	[sflag:s21] =	ssyncadd.s32 $0xFFFFE000  }
0x29: {  	[spmem:s2] =	stream.indirect.scatter.add.f32 [tilespmem:s15], [sflag:$0x5], $0x40, s0, s14, $0xb8;
	[tilespmem:$0x17000] =	vst v63  }
0x2a: {  	_ =	swait.ge [sflag:s12], $0x2000  }
0x2b: {  	[sflag:s12] =	ssyncset.done $0x0  }
0x2c: {  	s1 =	simm.s32 $0x200;
	[sflag:s12] =	ssyncadd.s32 $0xFFFFE000  }
0x2d: {  	[tilespmem:s15], [sflag:$0x1] =	stream.indirect.gather [hbm4b:s4+s14], $0x40, s1, s14, $0xb8;
	[tilespmem:$0x17000] =	vst v63  }
0x2e: {  	_ =	swait.ge [sflag:s22], $0x2000  }
0x2f: {  	[sflag:s22] =	ssyncset.done $0x0  }
0x30: {  	s1 =	simm.s32 $0x2880;
	[sflag:s22] =	ssyncadd.s32 $0xFFFFE000  }
0x31: {  	[spmem:s2] =	stream.indirect.scatter.add.f32 [tilespmem:s16], [sflag:$0x5], $0x40, s1, s14, $0xb8;
	[tilespmem:$0x17000] =	vst v63  }
0x32: {  	_ =	swait.ge [sflag:s12], $0x2000  }
0x33: {  	[sflag:s12] =	ssyncset.done $0x0  }
0x34: {  	s1 =	simm.s32 $0x280;
	[sflag:s12] =	ssyncadd.s32 $0xFFFFE000  }
0x35: {  	[tilespmem:s16], [sflag:$0x2] =	stream.indirect.gather [hbm4b:s4+s14], $0x40, s1, s14, $0xb8;
	[tilespmem:$0x17000] =	vst v63  }
0x36: {  	_ =	swait.ge [sflag:s23], $0x2000  }
0x37: {  	[sflag:s23] =	ssyncset.done $0x0  }
0x38: {  	s1 =	simm.s32 $0x2900;
	[sflag:s23] =	ssyncadd.s32 $0xFFFFE000  }
0x39: {  	[spmem:s2] =	stream.indirect.scatter.add.f32 [tilespmem:s18], [sflag:$0x5], $0x40, s1, s14, $0xb8;
	[tilespmem:$0x17000] =	vst v63  }
0x3a: {  	_ =	swait.ge [sflag:s12], $0x2000  }
0x3b: {  	[sflag:s12] =	ssyncset.done $0x0  }
0x3c: {  	s1 =	simm.s32 $0x300;
	[sflag:s12] =	ssyncadd.s32 $0xFFFFE000  }
0x3d: {  	[tilespmem:s18], [sflag:$0x3] =	stream.indirect.gather [hbm4b:s4+s14], $0x40, s1, s14, $0xb8;
	[tilespmem:$0x17000] =	vst v63  }
0x3e: {  	_ =	swait.ge [sflag:s24], $0x2000  }
0x3f: {  	[sflag:s24] =	ssyncset.done $0x0  }
0x40: {  	s1 =	simm.s32 $0x2980;
	[sflag:s24] =	ssyncadd.s32 $0xFFFFE000  }
0x41: {  	[spmem:s2] =	stream.indirect.scatter.add.f32 [tilespmem:s20], [sflag:$0x5], $0x40, s1, s14, $0xb8;
	[tilespmem:$0x17000] =	vst v63  }
0x42: {  	_ =	swait.ge [sflag:s12], $0x2000  }
0x43: {  	[sflag:s12] =	ssyncset.done $0x0  }
0x44: {  	s31 =	simm.s32 $0x800;
	s0 =	simm.s32 $0x380;
	[sflag:s12] =	ssyncadd.s32 $0xFFFFE000  }
.LBB2_2:
0x45: {  	[tilespmem:s20], [sflag:$0x4] =	stream.indirect.gather [hbm4b:s4+s14], $0x40, s0, s14, $0xb8;
	[tilespmem:$0x17000] =	vst v63  }
0x46: {  	s0 =	smov.u32 s31  }
0x47: {  	p0 =	sne.s32 s31, $0x9000;
	s31 =	sadd.s32 $0x800, s31;
	_ =	swait.ge [sflag:s21], $0x2000  }
0x48: {  	s0 =	sshra.s32 s0, $0x2;
	[sflag:s21] =	ssyncset.done $0x0  }
0x49: {  	s1 =	sadd.s32 $0x2800, s0;
	[sflag:s21] =	ssyncadd.s32 $0xFFFFE000  }
0x4a: {  	[spmem:s2] =	stream.indirect.scatter.add.f32 [tilespmem:s15], [sflag:$0x5], $0x40, s1, s14, $0xb8;
	[tilespmem:$0x17000] =	vst v63  }
0x4b: {  	_ =	swait.ge [sflag:s12], $0x2000  }
0x4c: {  	[sflag:s12] =	ssyncset.done $0x0  }
0x4d: {  	s1 =	sadd.s32 $0x200, s0;
	[sflag:s12] =	ssyncadd.s32 $0xFFFFE000  }
0x4e: {  	[tilespmem:s15], [sflag:$0x1] =	stream.indirect.gather [hbm4b:s4+s14], $0x40, s1, s14, $0xb8;
	[tilespmem:$0x17000] =	vst v63  }
0x4f: {  	_ =	swait.ge [sflag:s22], $0x2000  }
0x50: {  	[sflag:s22] =	ssyncset.done $0x0  }
0x51: {  	s1 =	sadd.s32 $0x2880, s0;
	[sflag:s22] =	ssyncadd.s32 $0xFFFFE000  }
0x52: {  	[spmem:s2] =	stream.indirect.scatter.add.f32 [tilespmem:s16], [sflag:$0x5], $0x40, s1, s14, $0xb8;
	[tilespmem:$0x17000] =	vst v63  }
0x53: {  	_ =	swait.ge [sflag:s12], $0x2000  }
0x54: {  	[sflag:s12] =	ssyncset.done $0x0  }
0x55: {  	s1 =	sadd.s32 $0x280, s0;
	[sflag:s12] =	ssyncadd.s32 $0xFFFFE000  }
0x56: {  	[tilespmem:s16], [sflag:$0x2] =	stream.indirect.gather [hbm4b:s4+s14], $0x40, s1, s14, $0xb8;
	[tilespmem:$0x17000] =	vst v63  }
0x57: {  	_ =	swait.ge [sflag:s23], $0x2000  }
0x58: {  	[sflag:s23] =	ssyncset.done $0x0  }
0x59: {  	s1 =	sadd.s32 $0x2900, s0;
	[sflag:s23] =	ssyncadd.s32 $0xFFFFE000  }
0x5a: {  	[spmem:s2] =	stream.indirect.scatter.add.f32 [tilespmem:s18], [sflag:$0x5], $0x40, s1, s14, $0xb8;
	[tilespmem:$0x17000] =	vst v63  }
0x5b: {  	_ =	swait.ge [sflag:s12], $0x2000  }
0x5c: {  	[sflag:s12] =	ssyncset.done $0x0  }
0x5d: {  	s1 =	sadd.s32 $0x300, s0;
	[sflag:s12] =	ssyncadd.s32 $0xFFFFE000  }
0x5e: {  	[tilespmem:s18], [sflag:$0x3] =	stream.indirect.gather [hbm4b:s4+s14], $0x40, s1, s14, $0xb8;
	[tilespmem:$0x17000] =	vst v63  }
0x5f: {  	_ =	swait.ge [sflag:s24], $0x2000  }
0x60: {  	[sflag:s24] =	ssyncset.done $0x0  }
.Ltmp0:
0x61: {  	s1 =	sadd.s32 $0x2980, s0;
	[sflag:s24] =	ssyncadd.s32 $0xFFFFE000;
	(pc) =	sbr.rel @p0 .LBB2_2-.Ltmp0, $4  }
0x62: {  	[spmem:s2] =	stream.indirect.scatter.add.f32 [tilespmem:s20], [sflag:$0x5], $0x40, s1, s14, $0xb8;
	[tilespmem:$0x17000] =	vst v63  }
0x63: {  	_ =	swait.ge [sflag:s12], $0x2000  }
0x64: {  	[sflag:s12] =	ssyncset.done $0x0  }
0x65: {  	s0 =	sadd.s32 $0x380, s0;
	[sflag:s12] =	ssyncadd.s32 $0xFFFFE000  }
0x66: {  	[tilespmem:s20], [sflag:$0x4] =	stream.indirect.gather [hbm4b:s4+s14], $0x40, s0, s14, $0xb8;
	[tilespmem:$0x17000] =	vst v63  }
0x67: {  	_ =	swait.ge [sflag:s21], $0x2000  }
0x68: {  	[sflag:s21] =	ssyncset.done $0x0  }
0x69: {  	[sflag:s21] =	ssyncadd.s32 $0xFFFFE000  }
0x6a: {  	[spmem:s2] =	stream.indirect.scatter.add.f32 [tilespmem:s15], [sflag:$0x5], $0x40, s25, s14, $0xb8;
	[tilespmem:$0x17000] =	vst v63  }
0x6b: {  	_ =	swait.ge [sflag:s12], $0x2000  }
0x6c: {  	[sflag:s12] =	ssyncset.done $0x0  }
0x6d: {  	[sflag:s12] =	ssyncadd.s32 $0xFFFFE000  }
0x6e: {  	_ =	swait.ge [sflag:s22], $0x2000  }
0x6f: {  	[sflag:s22] =	ssyncset.done $0x0  }
0x70: {  	[sflag:s22] =	ssyncadd.s32 $0xFFFFE000  }
0x71: {  	[spmem:s2] =	stream.indirect.scatter.add.f32 [tilespmem:s16], [sflag:$0x5], $0x40, s26, s14, $0xb8;
	[tilespmem:$0x17000] =	vst v63  }
0x72: {  	_ =	swait.ge [sflag:s12], $0x2000  }
0x73: {  	[sflag:s12] =	ssyncset.done $0x0  }
0x74: {  	[sflag:s12] =	ssyncadd.s32 $0xFFFFE000  }
0x75: {  	_ =	swait.ge [sflag:s23], $0x2000  }
0x76: {  	[sflag:s23] =	ssyncset.done $0x0  }
0x77: {  	[sflag:s23] =	ssyncadd.s32 $0xFFFFE000  }
0x78: {  	[spmem:s2] =	stream.indirect.scatter.add.f32 [tilespmem:s18], [sflag:$0x5], $0x40, s28, s14, $0xb8;
	[tilespmem:$0x17000] =	vst v63  }
0x79: {  	_ =	swait.ge [sflag:s12], $0x2000  }
0x7a: {  	[sflag:s12] =	ssyncset.done $0x0  }
0x7b: {  	[sflag:s12] =	ssyncadd.s32 $0xFFFFE000  }
0x7c: {  	_ =	swait.ge [sflag:s24], $0x2000  }
0x7d: {  	[sflag:s24] =	ssyncset.done $0x0  }
0x7e: {  	[sflag:s24] =	ssyncadd.s32 $0xFFFFE000  }
0x7f: {  	[spmem:s2] =	stream.indirect.scatter.add.f32 [tilespmem:s20], [sflag:$0x5], $0x40, s29, s14, $0xb8;
	[tilespmem:$0x17000] =	vst v63  }
0x80: {  	_ =	swait.ge [sflag:s12], $0x2000  }
0x81: {  	s30 =	sadd.s32 $0x1, s30;
	[sflag:s12] =	ssyncset.done $0x0  }
0x82: {  	p0 =	sne.s32 s30, s10;
	[sflag:s12] =	ssyncadd.s32 $0xFFFFE000  }
.Ltmp1:
0x83: {  	[bflag:$0x0] =	sbarrier.arrive $0xFFFF;
	(pc) =	sbr.rel @p0 .LBB2_1-.Ltmp1, $4  }
0x84: {  	[hbm:s9], [sflag:s6] =	dma.local [spmem:s11], $0x1400  }
0x85: {  	_ =	swait.ge [sflag:s12], $0x1400  }
0x86: {  	[sflag:s12] =	ssyncset.done $0x0  }
0x87: {  	[sflag:s12] =	ssyncadd.s32 $0xFFFFEC00  }
0x88: {  	_ =	sfence.sel $0x180000  }
0x89: {  	[bflag:$0x0] =	sbarrier.arrive $0xFFFF  }
0x8a: {  	_ =	strace $0x9000004A  }
0x8b: {  	s0 =	stileid.u32;
	[bflag:$0x2] =	sbarrier.arrive $0xFFFF  }
0x8c: {  	p0 =	sne.s32 s0, $0x0;
	s0 =	rddreg [dreg:$0x2]  }
0x8d: {  	s0 =	sadd.s32 @!p0 $0x100000, s0  }
0x8e: {  	[sflag:s0] =	ssyncadd.tile.s32 @!p0 $0x1;
	_ =	shalt  }
.Lfunc_end2:
_tile_overlayer_lowered:
.L_overlay_start_2:
0x8f: {  	(tag) =	ssettag $0x2  }
0x90: {  	s0 =	rddreg [dreg:$0x0];
	s2 =	stileid.u32  }
0x91: {  	s1 =	rddreg [dreg:$0x1];
	p0 =	sne.s32 s2, $0x0  }
0x92: {  	s3 =	rddreg [dreg:$0x2];
	[bflag:$0x3] =	sbarrier.arrive $0xFFFF;
	s2 =	simm.s32 @!p0 $0x1C05  }
0x93: {  	[timem:s3], [sflag:s2] =	dma.local @!p0 [hbm:s0], s1  }
0x94: {  	s0 =	simm.s32 @!p0 $0x5  }
0x95: {  	_ =	swait.ge @!p0 [sflag:s0], s1  }
0x96: {  	s1 =	ssub.s32 @!p0 $0x0, s1;
	[sflag:s0] =	ssyncset.done @!p0 $0x0  }
0x97: {  	[sflag:s0] =	ssyncadd.s32 @!p0 s1  }
0x98: {  	[bflag:$0x3] =	sbarrier.arrive $0xFFFF  }
0x99: {  	_ =	shalt  }

// kernel: kernel.16.cloned.1.call-start
scs
__scs_entry_jumppad:
0x0: {  	(pc) =	sbr.rel $0x88, $3  }
0x1: {  	(tag) =	ssettag $0x0;
	lr =	simm.s32 $0x1  }
0x2: {  	[smem:$0x3F99] =	sst lr;
	_ =	strace $0xD0000000  }
0x3: {  	_ = 	snop  }
0x4: {  	_ = 	snop  }
0x5: {  	_ = 	snop  }
0x6: {  	_ = 	snop  }
0x7: {  	_ = 	snop  }
__scs_overlays_trampoline_lowered:
0x8: {  	[smem:$0x3FA8] =	sst s0  }
0x9: {  	[smem:$0x3FA9] =	sst s1  }
0xa: {  	[smem:$0x3FAA] =	sst s2  }
0xb: {  	[smem:$0x3FAB] =	sst s3  }
0xc: {  	[smem:$0x3FAC] =	sst s4  }
0xd: {  	[smem:$0x3FAD] =	sst s5  }
0xe: {  	[smem:$0x3FAE] =	sst s6  }
0xf: {  	[smem:$0x3FAF] =	sst s7  }
0x10: {  	[smem:$0x3FB0] =	sst s8  }
0x11: {  	[smem:$0x3FB1] =	sst s9;
	s0 =	simm.s32 @!p0 $0x0  }
0x12: {  	s1 =	sld [smem:$0x3F97];
	s0 =	simm.s32 @p0 $0x1  }
0x13: {  	[smem:$0x3FB2] =	sst s0;
	s0 =	simm.s32 @!p1 $0x0  }
0x14: {  	s2 =	sld [smem:$0x3F96];
	s0 =	simm.s32 @p1 $0x1  }
0x15: {  	[smem:$0x3FB3] =	sst s0;
	s0 =	simm.s32 @!p2 $0x0  }
0x16: {  	s3 =	sld [smem:$0x3FDB];
	s0 =	simm.s32 @p2 $0x1  }
0x17: {  	s4 =	simm.s32 $0x1BF5;
	[smem:$0x3FB5] =	sst s0  }
0x18: {  	s0 =	sld [smem:$0x3F98];
	_ =	swait.ge [sflag:s4], $0x0  }
0x19: {  	s7 =	sld [smem:$0x3F99]  }
0x1a: {  	s8 =	sadd.s32 $0xFFFFE003, lr  }
0x1b: {  	s9 =	sadd.s32 $0xFFFFFEF7, lr;
	s5 =	simm.s32 $0xFFFFFFFF;
	p2 =	slt.u32 s8, $0xFFFFF086  }
0x1c: {  	p1 =	slt.u32 s9, $0xF7A;
	s5 =	simm.s32 @!p2 $0x0  }
0x1d: {  	s5 =	simm.s32 @p1 $0x1;
	p0 =	seq.s32 s7, s2  }
0x1e: {  	s7 =	smul.u32 @!p0 $0xF7A, s2;
	p2 =	seq.s32 @!p0 s5, $0x0  }
0x1f: {  	s9 =	smul.u32 $0xF7A, s1;
	s8 =	simm.s32 @!p0 $0x1BF5;
	p2 =	por !p2, p0  }
0x20: {  	[sflag:s8] =	ssyncset.s32 @!p0 $0xFFFFF086;
	s6 =	sadd.s32 @!p0 s3, s7;
	s7 =	simm.s32 @!p0 $0x108  }
0x21: {  	s3 =	sadd.s32 s3, s9;
	s6 =	sadd.s32 @!p0 $0x88, s6;
	s7 =	simm.s32 @p2 $0x1082  }
0x22: {  	[simem:s7], [sflag:s8] =	dma.local @!p0 [hbm:s6], $0xF7A  }
0x23: {  	s9 =	sor.u32 $0xD0000000, s2;
	s6 =	simm.s32 $0x108;
	_ =	swait.ge @!p0 [sflag:s8], $0x0  }
0x24: {  	s3 =	sadd.s32 $0x88, s3;
	s6 =	simm.s32 @!p1 $0x1082;
	[sflag:s4] =	ssyncset.s32 $0xFFFFF086  }
0x25: {  	[simem:s6], [sflag:s4] =	dma.local [hbm:s3], $0xF7A  }
0x26: {  	[smem:$0x3F99] =	sst s1;
	(tag) =	ssettag s2;
	_ =	strace s9  }
0x27: {  	s1 =	sld [smem:$0x3FA9]  }
0x28: {  	s2 =	sld [smem:$0x3FAA]  }
0x29: {  	s4 =	sld [smem:$0x3FAC]  }
0x2a: {  	p0 =	seq.s32 s5, $0x0;
	s5 =	sld [smem:$0x3FAD]  }
0x2b: {  	s6 =	sld [smem:$0x3FAE]  }
0x2c: {  	s7 =	sld [smem:$0x3FAF]  }
0x2d: {  	s3 =	simm.s32 $0x108;
	s8 =	sld [smem:$0x3FB0]  }
0x2e: {  	s3 =	simm.s32 @!p0 $0x1082;
	s9 =	sld [smem:$0x3FB1]  }
0x2f: {  	lr =	sadd.s32 s0, s3;
	s0 =	sld [smem:$0x3FA8]  }
0x30: {  	s3 =	sld [smem:$0x3FAB]  }
0x31: {  	[smem:$0x3FB4] =	sst s10  }
0x32: {  	s10 =	sld [smem:$0x3FB2];
	_ =	sdelay $0x3  }
0x33: {  	p0 =	seq.s32 s10, $0x1;
	s10 =	sld [smem:$0x3FB4];
	_ =	sdelay $0x3  }
0x34: {  	[smem:$0x3FB4] =	sst s10  }
0x35: {  	s10 =	sld [smem:$0x3FB3];
	_ =	sdelay $0x3  }
0x36: {  	p1 =	seq.s32 s10, $0x1;
	s10 =	sld [smem:$0x3FB4];
	_ =	sdelay $0x3  }
0x37: {  	[smem:$0x3FB4] =	sst s10  }
0x38: {  	s10 =	sld [smem:$0x3FB5]  }
0x39: {  	_ = 	snop;
	(pc) =	sbr.ind lr, $3  }
0x3a: {  	_ = 	snop  }
0x3b: {  	_ = 	snop  }
0x3c: {  	p2 =	seq.s32 s10, $0x1;
	s10 =	sld [smem:$0x3FB4]  }
0x3d: {  	_ =	shalt  }
0x3e: {  	_ =	shalt  }
0x3f: {  	_ =	shalt  }
0x40: {  	_ =	shalt  }
0x41: {  	_ =	shalt  }
0x42: {  	_ =	shalt  }
0x43: {  	_ =	shalt  }
0x44: {  	_ =	shalt  }
0x45: {  	_ =	shalt  }
0x46: {  	_ =	shalt  }
0x47: {  	_ =	shalt  }
0x48: {  	_ =	shalt  }
0x49: {  	_ =	shalt  }
0x4a: {  	_ =	shalt  }
0x4b: {  	_ =	shalt  }
0x4c: {  	_ =	shalt  }
0x4d: {  	_ =	shalt  }
0x4e: {  	_ =	shalt  }
0x4f: {  	_ =	shalt  }
0x50: {  	_ =	shalt  }
0x51: {  	_ =	shalt  }
0x52: {  	_ =	shalt  }
0x53: {  	_ =	shalt  }
0x54: {  	_ =	shalt  }
0x55: {  	_ =	shalt  }
0x56: {  	_ =	shalt  }
0x57: {  	_ =	shalt  }
0x58: {  	_ =	shalt  }
0x59: {  	_ =	shalt  }
0x5a: {  	_ =	shalt  }
0x5b: {  	_ =	shalt  }
0x5c: {  	_ =	shalt  }
0x5d: {  	_ =	shalt  }
0x5e: {  	_ =	shalt  }
0x5f: {  	_ =	shalt  }
0x60: {  	_ =	shalt  }
0x61: {  	_ =	shalt  }
0x62: {  	_ =	shalt  }
0x63: {  	_ =	shalt  }
0x64: {  	_ =	shalt  }
0x65: {  	_ =	shalt  }
0x66: {  	_ =	shalt  }
0x67: {  	_ =	shalt  }
0x68: {  	_ =	shalt  }
0x69: {  	_ =	shalt  }
0x6a: {  	_ =	shalt  }
0x6b: {  	_ =	shalt  }
0x6c: {  	_ =	shalt  }
0x6d: {  	_ =	shalt  }
0x6e: {  	_ =	shalt  }
0x6f: {  	_ =	shalt  }
0x70: {  	_ =	shalt  }
0x71: {  	_ =	shalt  }
0x72: {  	_ =	shalt  }
0x73: {  	_ =	shalt  }
0x74: {  	_ =	shalt  }
0x75: {  	_ =	shalt  }
0x76: {  	_ =	shalt  }
0x77: {  	_ =	shalt  }
0x78: {  	_ =	shalt  }
0x79: {  	_ =	shalt  }
0x7a: {  	_ =	shalt  }
0x7b: {  	_ =	shalt  }
0x7c: {  	_ =	shalt  }
0x7d: {  	_ =	shalt  }
0x7e: {  	_ =	shalt  }
0x7f: {  	_ =	shalt  }
0x80: {  	_ =	shalt  }
0x81: {  	_ =	shalt  }
0x82: {  	_ =	shalt  }
0x83: {  	_ =	shalt  }
0x84: {  	_ =	shalt  }
0x85: {  	_ =	shalt  }
0x86: {  	_ =	shalt  }
0x87: {  	_ =	shalt  }
.Lfunc_end0:
.L_simem_size_0:
called_computation.2_lowered:
.L_overlay_start_0:
0x88: {  	s2 =	sld [smem:$0x3FD9]  }
0x89: {  	s3 =	sld [smem:$0x3FFE];
	_ =	sdelay $0x1  }
0x8a: {  	s1 =	srdreg.scid  }
0x8b: {  	s0 =	sand.u32 $0x1, s1  }
0x8c: {  	s16 =	sshll.u32 s0, $0xA;
	s2 =	sadd.s32 s3, s2  }
0x8d: {  	s2 =	sadd.s32 s2, s16  }
0x8e: {  	[smem:$0x3FC0] =	sst s2  }
0x8f: {  	_ = 	snop  }
0x90: {  	(tm) =	ssettm $0x1  }
0x91: {  	s17 =	sld [smem:$0x3FFB];
	_ =	sdelay $0x3  }
0x92: {  	_ =	strace s17  }
0x93: {  	s2 =	sld [smem:$0x3FFC];
	_ =	sdelay $0x3  }
0x94: {  	_ =	strace s2  }
0x95: {  	s2 =	sld [smem:$0x3FFD];
	_ =	sdelay $0x3  }
0x96: {  	_ =	strace s2  }
0x97: {  	_ =	strace $0x8FFFFFFF  }
0x98: {  	s18 =	sld [smem:$0x3FDB];
	_ =	sdelay $0x1  }
0x99: {  	s19 =	simm.s32 $_scs_section_size  }
0x9a: {  	s4 =	simm.s32 $_size__tile_overlayer_lowered;
	s5 =	simm.s32 $_tile_overlayer_lowered  }
0x9b: {  	s22 =	simm.s32 $0x1BFF;
	s21 =	sshll.u32 s5, $0x1;
	s2 =	sadd.s32 s19, s18  }
0x9c: {  	s6 =	simm.s32 $0x0;
	s20 =	sshll.u32 s4, $0x1;
	s4 =	sadd.s32 s21, s2  }
0x9d: {  	[timem:s6], [sflag:s22] =	dma.local [hbm:s4], s20  }
0x9e: {  	_ =	swait.ge [sflag:s22], s20  }
0x9f: {  	s3 =	ssub.s32 $0x0, s20;
	[sflag:s22] =	ssyncset.done $0x0  }
0xa0: {  	[sflag:s22] =	ssyncadd.s32 s3;
	_ =	sdelay $0x1  }
0xa1: {  	s23 =	simm.s32 $0x1B8B  }
0xa2: {  	_ =	swait.ge [sflag:s23], $0x1  }
0xa3: {  	[sflag:s23] =	ssyncset.done $0x0  }
0xa4: {  	s25 =	simm.s32 $0x1B8E;
	s24 =	sld [smem:$0x3FFE];
	[sflag:s23] =	ssyncadd.s32 $0xFFFFFFFF  }
0xa5: {  	s26 =	simm.s32 $execute0_lowered;
	[smem:$0x3FD2] =	sst s25  }
0xa6: {  	s4 =	sshll.u32 s26, $0x1;
	_ =	strace $0x8000004C;
	[dreg:$0x1] =	wrdreg $0xFFFFFFFF  }
0xa7: {  	s28 =	simm.s32 $_size_execute0_lowered;
	s2 =	sadd.s32 s2, s4;
	[dreg:$0x0] =	wrdreg $0x0  }
0xa8: {  	s4 =	sshll.u32 s28, $0x1;
	[dreg:$0x2] =	wrdreg s2  }
0xa9: {  	[dreg:$0x3] =	wrdreg s4  }
0xaa: {  	[dreg:$0x4] =	wrdreg $0xC0  }
0xab: {  	_ =	task [dreg:s6], $0x5FFFF  }
0xac: {  	[dreg:$0x1] =	wrdreg $0xFFFFFFFF  }
0xad: {  	[dreg:$0x0] =	wrdreg $0x60  }
0xae: {  	[dreg:$0x2] =	wrdreg s24  }
0xaf: {  	[dreg:$0x3] =	wrdreg $0x90000  }
0xb0: {  	[dreg:$0x4] =	wrdreg $0x9  }
0xb1: {  	_ =	task.clear_ibuf [dreg:s6], $0x5FFFF;
	_ =	strace $0x9000004C  }
0xb2: {  	s29 =	simm.s32 $0x9;
	_ =	strace $0x8000004E  }
0xb3: {  	_ =	swait.ge [sflag:s29], $0x1  }
0xb4: {  	[sflag:s29] =	ssyncadd.s32 $0xFFFFFFFF  }
0xb5: {  	_ =	strace $0x9000004E  }
0xb6: {  	_ =	sfence  }
0xb7: {  	s30 =	sld [smem:$0x0];
	_ =	sdelay $0x2  }
0xb8: {  	s31 =	sshll.u32 s1, $0xD;
	s1 =	sshrl.u32 s1, $0x2  }
0xb9: {  	s3 =	sand.u32 $0x4000, s31;
	s1 =	sadd.s32 s1, s30  }
0xba: {  	s0 =	sor.u32 s3, s0;
	s1 =	sshll.u32 s1, $0x11  }
0xbb: {  	s0 =	sor.u32 s1, s0  }
0xbc: {  	s0 =	sadd.s32 $0x8F2B, s0  }
0xbd: {  	[sflag:s0] =	ssyncadd.remote.s32 $0x1  }
0xbe: {  	_ =	sfence.sel $0xFFFF  }
0xbf: {  	[dreg:$0x0] =	wrdreg $0xFFFFFFFF;
	(pc) =	sbr.abs _section_cstart, $3  }
0xc0: {  	[dreg:$0x1] =	wrdreg $0xFFFFFFFF  }
0xc1: {  	_ =	task.clear_ibuf [dreg:s6], $0x2FFFF;
	_ =	strace $0x9FFFFFFF  }
0xc2: {  	(tm) =	ssettm $0x7FFFFFFF  }
0xc3: {  	_ =	shalt  }
tec
execute0_lowered:
.L_overlay_start_1:
0x0: {  	(tag) =	ssettag $0x1  }
0x1: {  	s0 =	rddreg [dreg:$0x0]  }
0x2: {  	s2 =	rddreg [dreg:$0x1];
	s3 =	simm.s32 $0x0;
	s4 =	srdreg.scid  }
0x3: {  	s1 =	stileid.u32;
	s12 =	simm.s32 $0x5;
	s13 =	simm.s32 $0x2800  }
0x4: {  	s14 =	simm.s32 $0x80;
	s15 =	simm.s32 $0x5000;
	s16 =	simm.s32 $0x6000  }
0x5: {  	s17 =	simm.s32 $0x100;
	s18 =	simm.s32 $0x7000;
	s19 =	simm.s32 $0x180  }
0x6: {  	s20 =	simm.s32 $0x8000;
	s21 =	simm.s32 $0x1;
	s22 =	simm.s32 $0x2  }
0x7: {  	s23 =	simm.s32 $0x3;
	s24 =	simm.s32 $0x4;
	s28 =	simm.s32 $0x4F00  }
0x8: {  	s29 =	simm.s32 $0x4F80;
	s30 =	simm.s32 $0x0;
	s5 =	sand.u32 $0x1, s4  }
0x9: {  	s25 =	sshll.u32 s1, $0x1;
	s6 =	smul.u32 $0x5000, s1;
	[smem:$0x7FF] =	sst s3  }
0xa: {  	s31 =	sshll.u32 s1, $0x6;
	s4 =	sor.u32 s5, s25;
	s7 =	smul.u32 $0x50000, s5  }
0xb: {  	_ =	strace $0x8000004D;
	s5 =	ssub.s32 $0x2, s5;
	s25 =	simm.s32 $0x4E00  }
0xc: {  	s8 =	smul.u32 $0x500, s4;
	s4 =	sadd.s32 $0x15200, s0;
	s9 =	sshrl.u32 s5, $0x1  }
0xd: {  	s26 =	sshrl.u32 s6, $0x3;
	s11 =	sadd.s32 s6, s2;
	s7 =	sadd.s32 s6, s7  }
0xe: {  	s10 =	ssub.s32 s5, s9;
	s5 =	sadd.s32 s4, s26;
	s6 =	sor.u32 $0x1C05, s31  }
0xf: {  	s11 =	sshrl.u32 s11, $0x3;
	s26 =	simm.s32 $0x4E80;
	s7 =	sshrl.u32 s7, $0x3  }
0x10: {  	s8 =	sadd.s32 s8, s0;
	s10 =	smax.u32 s10, $0x1;
	s0 =	sadd.s32 s7, s0  }
0x11: {  	s7 =	sadd.s32 $0x1200, s8;
	s8 =	sadd.s32 $0xB200, s8;
	s9 =	sadd.s32 $0x1F200, s0  }
.LBB2_1:
0x12: {  	[spmem:s11], [sflag:s6] =	dma.local [hbm:s5], $0xA00  }
0x13: {  	_ =	swait.ge [sflag:s12], $0xA00  }
0x14: {  	[sflag:s12] =	ssyncset.done $0x0  }
0x15: {  	[sflag:s12] =	ssyncadd.s32 $0xFFFFF600  }
0x16: {  	[tilespmem:s3], [sflag:$0x5] =	stream.linear.gather [hbm4b:s7+s3], $0x2800, $0x38;
	[tilespmem:$0xE000] =	vst v63  }
0x17: {  	_ =	swait.ge [sflag:s12], $0x2800  }
0x18: {  	[sflag:s12] =	ssyncset.done $0x0  }
0x19: {  	[sflag:s12] =	ssyncadd.s32 $0xFFFFD800  }
0x1a: {  	[tilespmem:s13], [sflag:$0x5] =	stream.linear.gather [hbm4b:s8+s3], $0x2800, $0x38;
	[tilespmem:$0xE000] =	vst v63  }
0x1b: {  	_ =	swait.ge [sflag:s12], $0x2800  }
0x1c: {  	[sflag:s12] =	ssyncset.done $0x0  }
0x1d: {  	[sflag:s12] =	ssyncadd.s32 $0xFFFFD800  }
0x1e: {  	[bflag:$0x0] =	sbarrier.arrive $0xFFFF  }
0x1f: {  	[tilespmem:s15], [sflag:$0x1] =	stream.indirect.gather [hbm4b:s4+s14], $0x20, s3, s14, $0xb8;
	[tilespmem:$0xE000] =	vst v63  }
0x20: {  	_ = 	snop  }
0x21: {  	[tilespmem:s16], [sflag:$0x2] =	stream.indirect.gather [hbm4b:s4+s14], $0x20, s14, s14, $0xb8;
	[tilespmem:$0xE000] =	vst v63  }
0x22: {  	_ = 	snop  }
0x23: {  	[tilespmem:s18], [sflag:$0x3] =	stream.indirect.gather [hbm4b:s4+s14], $0x20, s17, s14, $0xb8;
	[tilespmem:$0xE000] =	vst v63  }
0x24: {  	_ = 	snop  }
0x25: {  	[tilespmem:s20], [sflag:$0x4] =	stream.indirect.gather [hbm4b:s4+s14], $0x20, s19, s14, $0xb8;
	[tilespmem:$0xE000] =	vst v63  }
0x26: {  	_ =	swait.ge [sflag:s21], $0x1000  }
0x27: {  	[sflag:s21] =	ssyncset.done $0x0  }
0x28: {  	s0 =	simm.s32 $0x2800;
	[sflag:s21] =	ssyncadd.s32 $0xFFFFF000  }
0x29: {  	[spmem:s2] =	stream.indirect.scatter.add.f32 [tilespmem:s15], [sflag:$0x5], $0x20, s0, s14, $0xb8;
	[tilespmem:$0xE000] =	vst v63  }
0x2a: {  	_ =	swait.ge [sflag:s12], $0x1000  }
0x2b: {  	[sflag:s12] =	ssyncset.done $0x0  }
0x2c: {  	s1 =	simm.s32 $0x200;
	[sflag:s12] =	ssyncadd.s32 $0xFFFFF000  }
0x2d: {  	[tilespmem:s15], [sflag:$0x1] =	stream.indirect.gather [hbm4b:s4+s14], $0x20, s1, s14, $0xb8;
	[tilespmem:$0xE000] =	vst v63  }
0x2e: {  	_ =	swait.ge [sflag:s22], $0x1000  }
0x2f: {  	[sflag:s22] =	ssyncset.done $0x0  }
0x30: {  	s1 =	simm.s32 $0x2880;
	[sflag:s22] =	ssyncadd.s32 $0xFFFFF000  }
0x31: {  	[spmem:s2] =	stream.indirect.scatter.add.f32 [tilespmem:s16], [sflag:$0x5], $0x20, s1, s14, $0xb8;
	[tilespmem:$0xE000] =	vst v63  }
0x32: {  	_ =	swait.ge [sflag:s12], $0x1000  }
0x33: {  	[sflag:s12] =	ssyncset.done $0x0  }
0x34: {  	s1 =	simm.s32 $0x280;
	[sflag:s12] =	ssyncadd.s32 $0xFFFFF000  }
0x35: {  	[tilespmem:s16], [sflag:$0x2] =	stream.indirect.gather [hbm4b:s4+s14], $0x20, s1, s14, $0xb8;
	[tilespmem:$0xE000] =	vst v63  }
0x36: {  	_ =	swait.ge [sflag:s23], $0x1000  }
0x37: {  	[sflag:s23] =	ssyncset.done $0x0  }
0x38: {  	s1 =	simm.s32 $0x2900;
	[sflag:s23] =	ssyncadd.s32 $0xFFFFF000  }
0x39: {  	[spmem:s2] =	stream.indirect.scatter.add.f32 [tilespmem:s18], [sflag:$0x5], $0x20, s1, s14, $0xb8;
	[tilespmem:$0xE000] =	vst v63  }
0x3a: {  	_ =	swait.ge [sflag:s12], $0x1000  }
0x3b: {  	[sflag:s12] =	ssyncset.done $0x0  }
0x3c: {  	s1 =	simm.s32 $0x300;
	[sflag:s12] =	ssyncadd.s32 $0xFFFFF000  }
0x3d: {  	[tilespmem:s18], [sflag:$0x3] =	stream.indirect.gather [hbm4b:s4+s14], $0x20, s1, s14, $0xb8;
	[tilespmem:$0xE000] =	vst v63  }
0x3e: {  	_ =	swait.ge [sflag:s24], $0x1000  }
0x3f: {  	[sflag:s24] =	ssyncset.done $0x0  }
0x40: {  	s1 =	simm.s32 $0x2980;
	[sflag:s24] =	ssyncadd.s32 $0xFFFFF000  }
0x41: {  	[spmem:s2] =	stream.indirect.scatter.add.f32 [tilespmem:s20], [sflag:$0x5], $0x20, s1, s14, $0xb8;
	[tilespmem:$0xE000] =	vst v63  }
0x42: {  	_ =	swait.ge [sflag:s12], $0x1000  }
0x43: {  	[sflag:s12] =	ssyncset.done $0x0  }
0x44: {  	s31 =	simm.s32 $0x800;
	s0 =	simm.s32 $0x380;
	[sflag:s12] =	ssyncadd.s32 $0xFFFFF000  }
.LBB2_2:
0x45: {  	[tilespmem:s20], [sflag:$0x4] =	stream.indirect.gather [hbm4b:s4+s14], $0x20, s0, s14, $0xb8;
	[tilespmem:$0xE000] =	vst v63  }
0x46: {  	s0 =	smov.u32 s31  }
0x47: {  	p0 =	sne.s32 s31, $0x9000;
	s31 =	sadd.s32 $0x800, s31;
	_ =	swait.ge [sflag:s21], $0x1000  }
0x48: {  	s0 =	sshra.s32 s0, $0x2;
	[sflag:s21] =	ssyncset.done $0x0  }
0x49: {  	s1 =	sadd.s32 $0x2800, s0;
	[sflag:s21] =	ssyncadd.s32 $0xFFFFF000  }
0x4a: {  	[spmem:s2] =	stream.indirect.scatter.add.f32 [tilespmem:s15], [sflag:$0x5], $0x20, s1, s14, $0xb8;
	[tilespmem:$0xE000] =	vst v63  }
0x4b: {  	_ =	swait.ge [sflag:s12], $0x1000  }
0x4c: {  	[sflag:s12] =	ssyncset.done $0x0  }
0x4d: {  	s1 =	sadd.s32 $0x200, s0;
	[sflag:s12] =	ssyncadd.s32 $0xFFFFF000  }
0x4e: {  	[tilespmem:s15], [sflag:$0x1] =	stream.indirect.gather [hbm4b:s4+s14], $0x20, s1, s14, $0xb8;
	[tilespmem:$0xE000] =	vst v63  }
0x4f: {  	_ =	swait.ge [sflag:s22], $0x1000  }
0x50: {  	[sflag:s22] =	ssyncset.done $0x0  }
0x51: {  	s1 =	sadd.s32 $0x2880, s0;
	[sflag:s22] =	ssyncadd.s32 $0xFFFFF000  }
0x52: {  	[spmem:s2] =	stream.indirect.scatter.add.f32 [tilespmem:s16], [sflag:$0x5], $0x20, s1, s14, $0xb8;
	[tilespmem:$0xE000] =	vst v63  }
0x53: {  	_ =	swait.ge [sflag:s12], $0x1000  }
0x54: {  	[sflag:s12] =	ssyncset.done $0x0  }
0x55: {  	s1 =	sadd.s32 $0x280, s0;
	[sflag:s12] =	ssyncadd.s32 $0xFFFFF000  }
0x56: {  	[tilespmem:s16], [sflag:$0x2] =	stream.indirect.gather [hbm4b:s4+s14], $0x20, s1, s14, $0xb8;
	[tilespmem:$0xE000] =	vst v63  }
0x57: {  	_ =	swait.ge [sflag:s23], $0x1000  }
0x58: {  	[sflag:s23] =	ssyncset.done $0x0  }
0x59: {  	s1 =	sadd.s32 $0x2900, s0;
	[sflag:s23] =	ssyncadd.s32 $0xFFFFF000  }
0x5a: {  	[spmem:s2] =	stream.indirect.scatter.add.f32 [tilespmem:s18], [sflag:$0x5], $0x20, s1, s14, $0xb8;
	[tilespmem:$0xE000] =	vst v63  }
0x5b: {  	_ =	swait.ge [sflag:s12], $0x1000  }
0x5c: {  	[sflag:s12] =	ssyncset.done $0x0  }
0x5d: {  	s1 =	sadd.s32 $0x300, s0;
	[sflag:s12] =	ssyncadd.s32 $0xFFFFF000  }
0x5e: {  	[tilespmem:s18], [sflag:$0x3] =	stream.indirect.gather [hbm4b:s4+s14], $0x20, s1, s14, $0xb8;
	[tilespmem:$0xE000] =	vst v63  }
0x5f: {  	_ =	swait.ge [sflag:s24], $0x1000  }
0x60: {  	[sflag:s24] =	ssyncset.done $0x0  }
.Ltmp0:
0x61: {  	s1 =	sadd.s32 $0x2980, s0;
	[sflag:s24] =	ssyncadd.s32 $0xFFFFF000;
	(pc) =	sbr.rel @p0 .LBB2_2-.Ltmp0, $4  }
0x62: {  	[spmem:s2] =	stream.indirect.scatter.add.f32 [tilespmem:s20], [sflag:$0x5], $0x20, s1, s14, $0xb8;
	[tilespmem:$0xE000] =	vst v63  }
0x63: {  	_ =	swait.ge [sflag:s12], $0x1000  }
0x64: {  	[sflag:s12] =	ssyncset.done $0x0  }
0x65: {  	s0 =	sadd.s32 $0x380, s0;
	[sflag:s12] =	ssyncadd.s32 $0xFFFFF000  }
0x66: {  	[tilespmem:s20], [sflag:$0x4] =	stream.indirect.gather [hbm4b:s4+s14], $0x20, s0, s14, $0xb8;
	[tilespmem:$0xE000] =	vst v63  }
0x67: {  	_ =	swait.ge [sflag:s21], $0x1000  }
0x68: {  	[sflag:s21] =	ssyncset.done $0x0  }
0x69: {  	[sflag:s21] =	ssyncadd.s32 $0xFFFFF000  }
0x6a: {  	[spmem:s2] =	stream.indirect.scatter.add.f32 [tilespmem:s15], [sflag:$0x5], $0x20, s25, s14, $0xb8;
	[tilespmem:$0xE000] =	vst v63  }
0x6b: {  	_ =	swait.ge [sflag:s12], $0x1000  }
0x6c: {  	[sflag:s12] =	ssyncset.done $0x0  }
0x6d: {  	[sflag:s12] =	ssyncadd.s32 $0xFFFFF000  }
0x6e: {  	_ =	swait.ge [sflag:s22], $0x1000  }
0x6f: {  	[sflag:s22] =	ssyncset.done $0x0  }
0x70: {  	[sflag:s22] =	ssyncadd.s32 $0xFFFFF000  }
0x71: {  	[spmem:s2] =	stream.indirect.scatter.add.f32 [tilespmem:s16], [sflag:$0x5], $0x20, s26, s14, $0xb8;
	[tilespmem:$0xE000] =	vst v63  }
0x72: {  	_ =	swait.ge [sflag:s12], $0x1000  }
0x73: {  	[sflag:s12] =	ssyncset.done $0x0  }
0x74: {  	[sflag:s12] =	ssyncadd.s32 $0xFFFFF000  }
0x75: {  	_ =	swait.ge [sflag:s23], $0x1000  }
0x76: {  	[sflag:s23] =	ssyncset.done $0x0  }
0x77: {  	[sflag:s23] =	ssyncadd.s32 $0xFFFFF000  }
0x78: {  	[spmem:s2] =	stream.indirect.scatter.add.f32 [tilespmem:s18], [sflag:$0x5], $0x20, s28, s14, $0xb8;
	[tilespmem:$0xE000] =	vst v63  }
0x79: {  	_ =	swait.ge [sflag:s12], $0x1000  }
0x7a: {  	[sflag:s12] =	ssyncset.done $0x0  }
0x7b: {  	[sflag:s12] =	ssyncadd.s32 $0xFFFFF000  }
0x7c: {  	_ =	swait.ge [sflag:s24], $0x1000  }
0x7d: {  	[sflag:s24] =	ssyncset.done $0x0  }
0x7e: {  	[sflag:s24] =	ssyncadd.s32 $0xFFFFF000  }
0x7f: {  	[spmem:s2] =	stream.indirect.scatter.add.f32 [tilespmem:s20], [sflag:$0x5], $0x20, s29, s14, $0xb8;
	[tilespmem:$0xE000] =	vst v63  }
0x80: {  	_ =	swait.ge [sflag:s12], $0x1000  }
0x81: {  	s30 =	sadd.s32 $0x1, s30;
	[sflag:s12] =	ssyncset.done $0x0  }
0x82: {  	p0 =	sne.s32 s30, s10;
	[sflag:s12] =	ssyncadd.s32 $0xFFFFF000  }
.Ltmp1:
0x83: {  	[bflag:$0x0] =	sbarrier.arrive $0xFFFF;
	(pc) =	sbr.rel @p0 .LBB2_1-.Ltmp1, $4  }
0x84: {  	[hbm:s9], [sflag:s6] =	dma.local [spmem:s11], $0xA00  }
0x85: {  	_ =	swait.ge [sflag:s12], $0xA00  }
0x86: {  	[sflag:s12] =	ssyncset.done $0x0  }
0x87: {  	[sflag:s12] =	ssyncadd.s32 $0xFFFFF600  }
0x88: {  	_ =	sfence.sel $0x180000  }
0x89: {  	[bflag:$0x0] =	sbarrier.arrive $0xFFFF  }
0x8a: {  	_ =	strace $0x9000004D  }
0x8b: {  	s0 =	stileid.u32;
	[bflag:$0x2] =	sbarrier.arrive $0xFFFF  }
0x8c: {  	p0 =	sne.s32 s0, $0x0;
	s0 =	rddreg [dreg:$0x2]  }
0x8d: {  	s0 =	sadd.s32 @!p0 $0x100000, s0  }
0x8e: {  	[sflag:s0] =	ssyncadd.tile.s32 @!p0 $0x1;
	_ =	shalt  }
.Lfunc_end2:
_tile_overlayer_lowered:
.L_overlay_start_2:
0x8f: {  	(tag) =	ssettag $0x2  }
0x90: {  	s0 =	rddreg [dreg:$0x0];
	s2 =	stileid.u32  }
0x91: {  	s1 =	rddreg [dreg:$0x1];
	p0 =	sne.s32 s2, $0x0  }
0x92: {  	s3 =	rddreg [dreg:$0x2];
	[bflag:$0x3] =	sbarrier.arrive $0xFFFF;
	s2 =	simm.s32 @!p0 $0x1C05  }
0x93: {  	[timem:s3], [sflag:s2] =	dma.local @!p0 [hbm:s0], s1  }
0x94: {  	s0 =	simm.s32 @!p0 $0x5  }
0x95: {  	_ =	swait.ge @!p0 [sflag:s0], s1  }
0x96: {  	s1 =	ssub.s32 @!p0 $0x0, s1;
	[sflag:s0] =	ssyncset.done @!p0 $0x0  }
0x97: {  	[sflag:s0] =	ssyncadd.s32 @!p0 s1  }
0x98: {  	[bflag:$0x3] =	sbarrier.arrive $0xFFFF  }
0x99: {  	_ =	shalt  }

// kernel: kernel.19.cloned.1.call-start
scs
__scs_entry_jumppad:
0x0: {  	(pc) =	sbr.rel $0x88, $3  }
0x1: {  	(tag) =	ssettag $0x0;
	lr =	simm.s32 $0x1  }
0x2: {  	[smem:$0x3F99] =	sst lr;
	_ =	strace $0xD0000000  }
0x3: {  	_ = 	snop  }
0x4: {  	_ = 	snop  }
0x5: {  	_ = 	snop  }
0x6: {  	_ = 	snop  }
0x7: {  	_ = 	snop  }
__scs_overlays_trampoline_lowered:
0x8: {  	[smem:$0x3FA8] =	sst s0  }
0x9: {  	[smem:$0x3FA9] =	sst s1  }
0xa: {  	[smem:$0x3FAA] =	sst s2  }
0xb: {  	[smem:$0x3FAB] =	sst s3  }
0xc: {  	[smem:$0x3FAC] =	sst s4  }
0xd: {  	[smem:$0x3FAD] =	sst s5  }
0xe: {  	[smem:$0x3FAE] =	sst s6  }
0xf: {  	[smem:$0x3FAF] =	sst s7  }
0x10: {  	[smem:$0x3FB0] =	sst s8  }
0x11: {  	[smem:$0x3FB1] =	sst s9;
	s0 =	simm.s32 @!p0 $0x0  }
0x12: {  	s1 =	sld [smem:$0x3F97];
	s0 =	simm.s32 @p0 $0x1  }
0x13: {  	[smem:$0x3FB2] =	sst s0;
	s0 =	simm.s32 @!p1 $0x0  }
0x14: {  	s2 =	sld [smem:$0x3F96];
	s0 =	simm.s32 @p1 $0x1  }
0x15: {  	[smem:$0x3FB3] =	sst s0;
	s0 =	simm.s32 @!p2 $0x0  }
0x16: {  	s3 =	sld [smem:$0x3FDB];
	s0 =	simm.s32 @p2 $0x1  }
0x17: {  	s4 =	simm.s32 $0x1BF5;
	[smem:$0x3FB5] =	sst s0  }
0x18: {  	s0 =	sld [smem:$0x3F98];
	_ =	swait.ge [sflag:s4], $0x0  }
0x19: {  	s7 =	sld [smem:$0x3F99]  }
0x1a: {  	s8 =	sadd.s32 $0xFFFFE003, lr  }
0x1b: {  	s9 =	sadd.s32 $0xFFFFFEF7, lr;
	s5 =	simm.s32 $0xFFFFFFFF;
	p2 =	slt.u32 s8, $0xFFFFF086  }
0x1c: {  	p1 =	slt.u32 s9, $0xF7A;
	s5 =	simm.s32 @!p2 $0x0  }
0x1d: {  	s5 =	simm.s32 @p1 $0x1;
	p0 =	seq.s32 s7, s2  }
0x1e: {  	s7 =	smul.u32 @!p0 $0xF7A, s2;
	p2 =	seq.s32 @!p0 s5, $0x0  }
0x1f: {  	s9 =	smul.u32 $0xF7A, s1;
	s8 =	simm.s32 @!p0 $0x1BF5;
	p2 =	por !p2, p0  }
0x20: {  	[sflag:s8] =	ssyncset.s32 @!p0 $0xFFFFF086;
	s6 =	sadd.s32 @!p0 s3, s7;
	s7 =	simm.s32 @!p0 $0x108  }
0x21: {  	s3 =	sadd.s32 s3, s9;
	s6 =	sadd.s32 @!p0 $0x88, s6;
	s7 =	simm.s32 @p2 $0x1082  }
0x22: {  	[simem:s7], [sflag:s8] =	dma.local @!p0 [hbm:s6], $0xF7A  }
0x23: {  	s9 =	sor.u32 $0xD0000000, s2;
	s6 =	simm.s32 $0x108;
	_ =	swait.ge @!p0 [sflag:s8], $0x0  }
0x24: {  	s3 =	sadd.s32 $0x88, s3;
	s6 =	simm.s32 @!p1 $0x1082;
	[sflag:s4] =	ssyncset.s32 $0xFFFFF086  }
0x25: {  	[simem:s6], [sflag:s4] =	dma.local [hbm:s3], $0xF7A  }
0x26: {  	[smem:$0x3F99] =	sst s1;
	(tag) =	ssettag s2;
	_ =	strace s9  }
0x27: {  	s1 =	sld [smem:$0x3FA9]  }
0x28: {  	s2 =	sld [smem:$0x3FAA]  }
0x29: {  	s4 =	sld [smem:$0x3FAC]  }
0x2a: {  	p0 =	seq.s32 s5, $0x0;
	s5 =	sld [smem:$0x3FAD]  }
0x2b: {  	s6 =	sld [smem:$0x3FAE]  }
0x2c: {  	s7 =	sld [smem:$0x3FAF]  }
0x2d: {  	s3 =	simm.s32 $0x108;
	s8 =	sld [smem:$0x3FB0]  }
0x2e: {  	s3 =	simm.s32 @!p0 $0x1082;
	s9 =	sld [smem:$0x3FB1]  }
0x2f: {  	lr =	sadd.s32 s0, s3;
	s0 =	sld [smem:$0x3FA8]  }
0x30: {  	s3 =	sld [smem:$0x3FAB]  }
0x31: {  	[smem:$0x3FB4] =	sst s10  }
0x32: {  	s10 =	sld [smem:$0x3FB2];
	_ =	sdelay $0x3  }
0x33: {  	p0 =	seq.s32 s10, $0x1;
	s10 =	sld [smem:$0x3FB4];
	_ =	sdelay $0x3  }
0x34: {  	[smem:$0x3FB4] =	sst s10  }
0x35: {  	s10 =	sld [smem:$0x3FB3];
	_ =	sdelay $0x3  }
0x36: {  	p1 =	seq.s32 s10, $0x1;
	s10 =	sld [smem:$0x3FB4];
	_ =	sdelay $0x3  }
0x37: {  	[smem:$0x3FB4] =	sst s10  }
0x38: {  	s10 =	sld [smem:$0x3FB5]  }
0x39: {  	_ = 	snop;
	(pc) =	sbr.ind lr, $3  }
0x3a: {  	_ = 	snop  }
0x3b: {  	_ = 	snop  }
0x3c: {  	p2 =	seq.s32 s10, $0x1;
	s10 =	sld [smem:$0x3FB4]  }
0x3d: {  	_ =	shalt  }
0x3e: {  	_ =	shalt  }
0x3f: {  	_ =	shalt  }
0x40: {  	_ =	shalt  }
0x41: {  	_ =	shalt  }
0x42: {  	_ =	shalt  }
0x43: {  	_ =	shalt  }
0x44: {  	_ =	shalt  }
0x45: {  	_ =	shalt  }
0x46: {  	_ =	shalt  }
0x47: {  	_ =	shalt  }
0x48: {  	_ =	shalt  }
0x49: {  	_ =	shalt  }
0x4a: {  	_ =	shalt  }
0x4b: {  	_ =	shalt  }
0x4c: {  	_ =	shalt  }
0x4d: {  	_ =	shalt  }
0x4e: {  	_ =	shalt  }
0x4f: {  	_ =	shalt  }
0x50: {  	_ =	shalt  }
0x51: {  	_ =	shalt  }
0x52: {  	_ =	shalt  }
0x53: {  	_ =	shalt  }
0x54: {  	_ =	shalt  }
0x55: {  	_ =	shalt  }
0x56: {  	_ =	shalt  }
0x57: {  	_ =	shalt  }
0x58: {  	_ =	shalt  }
0x59: {  	_ =	shalt  }
0x5a: {  	_ =	shalt  }
0x5b: {  	_ =	shalt  }
0x5c: {  	_ =	shalt  }
0x5d: {  	_ =	shalt  }
0x5e: {  	_ =	shalt  }
0x5f: {  	_ =	shalt  }
0x60: {  	_ =	shalt  }
0x61: {  	_ =	shalt  }
0x62: {  	_ =	shalt  }
0x63: {  	_ =	shalt  }
0x64: {  	_ =	shalt  }
0x65: {  	_ =	shalt  }
0x66: {  	_ =	shalt  }
0x67: {  	_ =	shalt  }
0x68: {  	_ =	shalt  }
0x69: {  	_ =	shalt  }
0x6a: {  	_ =	shalt  }
0x6b: {  	_ =	shalt  }
0x6c: {  	_ =	shalt  }
0x6d: {  	_ =	shalt  }
0x6e: {  	_ =	shalt  }
0x6f: {  	_ =	shalt  }
0x70: {  	_ =	shalt  }
0x71: {  	_ =	shalt  }
0x72: {  	_ =	shalt  }
0x73: {  	_ =	shalt  }
0x74: {  	_ =	shalt  }
0x75: {  	_ =	shalt  }
0x76: {  	_ =	shalt  }
0x77: {  	_ =	shalt  }
0x78: {  	_ =	shalt  }
0x79: {  	_ =	shalt  }
0x7a: {  	_ =	shalt  }
0x7b: {  	_ =	shalt  }
0x7c: {  	_ =	shalt  }
0x7d: {  	_ =	shalt  }
0x7e: {  	_ =	shalt  }
0x7f: {  	_ =	shalt  }
0x80: {  	_ =	shalt  }
0x81: {  	_ =	shalt  }
0x82: {  	_ =	shalt  }
0x83: {  	_ =	shalt  }
0x84: {  	_ =	shalt  }
0x85: {  	_ =	shalt  }
0x86: {  	_ =	shalt  }
0x87: {  	_ =	shalt  }
.Lfunc_end0:
.L_simem_size_0:
called_computation.3_lowered:
.L_overlay_start_0:
0x88: {  	s2 =	sld [smem:$0x3FD9]  }
0x89: {  	s3 =	sld [smem:$0x3FFE];
	_ =	sdelay $0x1  }
0x8a: {  	s1 =	srdreg.scid  }
0x8b: {  	s0 =	sand.u32 $0x1, s1  }
0x8c: {  	s17 =	sshll.u32 s0, $0xA;
	s2 =	sadd.s32 s3, s2  }
0x8d: {  	s2 =	sadd.s32 s2, s17  }
0x8e: {  	[smem:$0x3FC0] =	sst s2  }
0x8f: {  	_ = 	snop  }
0x90: {  	s2 =	sld [smem:$0x3FD0];
	(tm) =	ssettm $0x1  }
0x91: {  	s18 =	sld [smem:$0x3FFB];
	_ =	sdelay $0x3  }
0x92: {  	_ =	strace s18  }
0x93: {  	s3 =	sld [smem:$0x3FFC];
	_ =	sdelay $0x3  }
0x94: {  	_ =	strace s3  }
0x95: {  	s3 =	sld [smem:$0x3FFD];
	_ =	sdelay $0x3  }
0x96: {  	_ =	strace s3  }
0x97: {  	_ =	strace $0x8FFFFFFF  }
0x98: {  	s19 =	sld [smem:$0x3FDB];
	_ =	sdelay $0x1  }
0x99: {  	s4 =	simm.s32 $_scs_section_size  }
0x9a: {  	s5 =	simm.s32 $_size__tile_overlayer_lowered;
	s6 =	simm.s32 $_tile_overlayer_lowered  }
0x9b: {  	s22 =	simm.s32 $0x1BFF;
	s21 =	sshll.u32 s6, $0x1;
	s3 =	sadd.s32 s4, s19  }
0x9c: {  	s7 =	simm.s32 $0x0;
	s20 =	sshll.u32 s5, $0x1;
	s5 =	sadd.s32 s21, s3  }
0x9d: {  	[timem:s7], [sflag:s22] =	dma.local [hbm:s5], s20  }
0x9e: {  	_ =	swait.ge [sflag:s22], s20  }
0x9f: {  	s4 =	ssub.s32 $0x0, s20;
	[sflag:s22] =	ssyncset.done $0x0  }
0xa0: {  	[sflag:s22] =	ssyncadd.s32 s4;
	_ =	sdelay $0x1  }
0xa1: {  	s23 =	simm.s32 $0x1B8B  }
0xa2: {  	_ =	swait.ge [sflag:s23], $0x1  }
0xa3: {  	[sflag:s23] =	ssyncset.done $0x0  }
0xa4: {  	s25 =	simm.s32 $0x1B8E;
	s24 =	sld [smem:$0x3FFE];
	[sflag:s23] =	ssyncadd.s32 $0xFFFFFFFF  }
0xa5: {  	s26 =	simm.s32 $execute0_lowered;
	[smem:$0x3FD2] =	sst s25  }
0xa6: {  	s5 =	sshll.u32 s26, $0x1;
	_ =	strace $0x8000004F;
	[dreg:$0x1] =	wrdreg $0xFFFFFFFF  }
0xa7: {  	s28 =	simm.s32 $_size_execute0_lowered;
	s3 =	sadd.s32 s3, s5;
	[dreg:$0x0] =	wrdreg $0x0  }
0xa8: {  	s5 =	sshll.u32 s28, $0x1;
	[dreg:$0x2] =	wrdreg s3  }
0xa9: {  	[dreg:$0x3] =	wrdreg s5  }
0xaa: {  	[dreg:$0x4] =	wrdreg $0xC0  }
0xab: {  	_ =	task [dreg:s7], $0x5FFFF  }
0xac: {  	[dreg:$0x1] =	wrdreg $0xFFFFFFFF  }
0xad: {  	[dreg:$0x0] =	wrdreg $0x60  }
0xae: {  	[dreg:$0x2] =	wrdreg s2  }
0xaf: {  	[dreg:$0x3] =	wrdreg s24  }
0xb0: {  	[dreg:$0x4] =	wrdreg $0x52000  }
0xb1: {  	[dreg:$0x5] =	wrdreg $0x9  }
0xb2: {  	_ =	task.clear_ibuf [dreg:s7], $0x6FFFF;
	_ =	strace $0x9000004F  }
0xb3: {  	s29 =	simm.s32 $0x9;
	_ =	strace $0x80000051  }
0xb4: {  	_ =	swait.ge [sflag:s29], $0x1  }
0xb5: {  	[sflag:s29] =	ssyncadd.s32 $0xFFFFFFFF  }
0xb6: {  	_ =	strace $0x90000051  }
0xb7: {  	_ =	sfence  }
0xb8: {  	s30 =	sld [smem:$0x0];
	_ =	sdelay $0x2  }
0xb9: {  	s31 =	sshll.u32 s1, $0xD;
	s1 =	sshrl.u32 s1, $0x2  }
0xba: {  	s3 =	sand.u32 $0x4000, s31;
	s1 =	sadd.s32 s1, s30  }
0xbb: {  	s0 =	sor.u32 s3, s0;
	s1 =	sshll.u32 s1, $0x11  }
0xbc: {  	s0 =	sor.u32 s1, s0  }
0xbd: {  	s0 =	sadd.s32 $0x8F2B, s0  }
0xbe: {  	[sflag:s0] =	ssyncadd.remote.s32 $0x1  }
0xbf: {  	_ =	sfence.sel $0xFFFF  }
0xc0: {  	[dreg:$0x0] =	wrdreg $0xFFFFFFFF;
	(pc) =	sbr.abs _section_cstart, $3  }
0xc1: {  	[dreg:$0x1] =	wrdreg $0xFFFFFFFF  }
0xc2: {  	_ =	task.clear_ibuf [dreg:s7], $0x2FFFF;
	_ =	strace $0x9FFFFFFF  }
0xc3: {  	(tm) =	ssettm $0x7FFFFFFF  }
tec
execute0_lowered:
.L_overlay_start_1:
0x0: {  	(tag) =	ssettag $0x1  }
0x1: {  	s1 =	rddreg [dreg:$0x0]  }
0x2: {  	s0 =	rddreg [dreg:$0x1]  }
0x3: {  	s3 =	rddreg [dreg:$0x2];
	s4 =	srdreg.scid  }
0x4: {  	s2 =	stileid.u32;
	s12 =	simm.s32 $0x5;
	s13 =	simm.s32 $0x2800  }
0x5: {  	s14 =	simm.s32 $0x80;
	s15 =	simm.s32 $0x5000;
	s16 =	simm.s32 $0x5080  }
0x6: {  	s17 =	simm.s32 $0x100;
	s18 =	simm.s32 $0x5100;
	s19 =	simm.s32 $0x180  }
0x7: {  	s20 =	simm.s32 $0x5180;
	s21 =	simm.s32 $0x1;
	s22 =	simm.s32 $0x2  }
0x8: {  	s23 =	simm.s32 $0x3;
	s28 =	simm.s32 $0x4F00;
	s29 =	simm.s32 $0x4F80  }
0x9: {  	s30 =	simm.s32 $0x0;
	s5 =	sand.u32 $0x1, s4;
	s6 =	sshll.u32 s2, $0x1  }
0xa: {  	s7 =	smul.u32 $0x280, s2;
	s4 =	simm.s32 $0x0;
	s31 =	sshll.u32 s2, $0x6  }
0xb: {  	s6 =	sor.u32 s5, s6;
	s8 =	smul.u32 $0x2800, s5;
	[smem:$0x7FF] =	sst s4  }
0xc: {  	s5 =	ssub.s32 $0x2, s5;
	s6 =	smul.u32 $0x500, s6;
	_ =	strace $0x80000050  }
0xd: {  	s25 =	sshrl.u32 s5, $0x1;
	s26 =	sshrl.u32 s7, $0x3;
	s11 =	sadd.s32 s7, s3  }
0xe: {  	s8 =	sadd.s32 s7, s8;
	s10 =	ssub.s32 s5, s25;
	s5 =	sadd.s32 s1, s26  }
0xf: {  	s11 =	sshrl.u32 s11, $0x3;
	s25 =	simm.s32 $0x4E00;
	s26 =	simm.s32 $0x4E80  }
0x10: {  	s9 =	sadd.s32 s6, s0;
	s24 =	sshrl.u32 s8, $0x3;
	s6 =	sor.u32 $0x1C05, s31  }
0x11: {  	s10 =	smax.u32 s10, $0x1;
	s0 =	sadd.s32 s24, s0;
	s7 =	sadd.s32 $0x1200, s9  }
0x12: {  	s8 =	sadd.s32 $0xB200, s9;
	s24 =	simm.s32 $0x4;
	s9 =	sadd.s32 $0x15200, s0  }
.LBB2_1:
0x13: {  	[spmem:s11], [sflag:s6] =	dma.local [hbm:s5], $0x50  }
0x14: {  	_ =	swait.ge [sflag:s12], $0x50  }
0x15: {  	[sflag:s12] =	ssyncset.done $0x0  }
0x16: {  	[sflag:s12] =	ssyncadd.s32 $0xFFFFFFB0  }
0x17: {  	[tilespmem:s4], [sflag:$0x5] =	stream.linear.gather [hbm4b:s7+s4], $0x2800, $0x38;
	[tilespmem:$0x5480] =	vst v63  }
0x18: {  	_ =	swait.ge [sflag:s12], $0x2800  }
0x19: {  	[sflag:s12] =	ssyncset.done $0x0  }
0x1a: {  	[sflag:s12] =	ssyncadd.s32 $0xFFFFD800  }
0x1b: {  	[tilespmem:s13], [sflag:$0x5] =	stream.linear.gather [hbm4b:s8+s4], $0x2800, $0x38;
	[tilespmem:$0x5480] =	vst v63  }
0x1c: {  	_ =	swait.ge [sflag:s12], $0x2800  }
0x1d: {  	[sflag:s12] =	ssyncset.done $0x0  }
0x1e: {  	[sflag:s12] =	ssyncadd.s32 $0xFFFFD800  }
0x1f: {  	[bflag:$0x0] =	sbarrier.arrive $0xFFFF  }
0x20: {  	[tilespmem:s15], [sflag:$0x1] =	stream.indirect.gather [hbm4b:s1+s14], $0x1, s4, s14, $0xb8;
	[tilespmem:$0x5480] =	vst v63  }
0x21: {  	_ = 	snop  }
0x22: {  	[tilespmem:s16], [sflag:$0x2] =	stream.indirect.gather [hbm4b:s1+s14], $0x1, s14, s14, $0xb8;
	[tilespmem:$0x5480] =	vst v63  }
0x23: {  	_ = 	snop  }
0x24: {  	[tilespmem:s18], [sflag:$0x3] =	stream.indirect.gather [hbm4b:s1+s14], $0x1, s17, s14, $0xb8;
	[tilespmem:$0x5480] =	vst v63  }
0x25: {  	_ = 	snop  }
0x26: {  	[tilespmem:s20], [sflag:$0x4] =	stream.indirect.gather [hbm4b:s1+s14], $0x1, s19, s14, $0xb8;
	[tilespmem:$0x5480] =	vst v63  }
0x27: {  	_ =	swait.ge [sflag:s21], $0x80  }
0x28: {  	[sflag:s21] =	ssyncset.done $0x0  }
0x29: {  	s0 =	simm.s32 $0x2800;
	[sflag:s21] =	ssyncadd.s32 $0xFFFFFF80  }
0x2a: {  	[spmem:s3] =	stream.indirect.scatter.add.f32 [tilespmem:s15], [sflag:$0x5], $0x1, s0, s14, $0xb8;
	[tilespmem:$0x5480] =	vst v63  }
0x2b: {  	_ =	swait.ge [sflag:s12], $0x80  }
0x2c: {  	[sflag:s12] =	ssyncset.done $0x0  }
0x2d: {  	s2 =	simm.s32 $0x200;
	[sflag:s12] =	ssyncadd.s32 $0xFFFFFF80  }
0x2e: {  	[tilespmem:s15], [sflag:$0x1] =	stream.indirect.gather [hbm4b:s1+s14], $0x1, s2, s14, $0xb8;
	[tilespmem:$0x5480] =	vst v63  }
0x2f: {  	_ =	swait.ge [sflag:s22], $0x80  }
0x30: {  	[sflag:s22] =	ssyncset.done $0x0  }
0x31: {  	s2 =	simm.s32 $0x2880;
	[sflag:s22] =	ssyncadd.s32 $0xFFFFFF80  }
0x32: {  	[spmem:s3] =	stream.indirect.scatter.add.f32 [tilespmem:s16], [sflag:$0x5], $0x1, s2, s14, $0xb8;
	[tilespmem:$0x5480] =	vst v63  }
0x33: {  	_ =	swait.ge [sflag:s12], $0x80  }
0x34: {  	[sflag:s12] =	ssyncset.done $0x0  }
0x35: {  	s2 =	simm.s32 $0x280;
	[sflag:s12] =	ssyncadd.s32 $0xFFFFFF80  }
0x36: {  	[tilespmem:s16], [sflag:$0x2] =	stream.indirect.gather [hbm4b:s1+s14], $0x1, s2, s14, $0xb8;
	[tilespmem:$0x5480] =	vst v63  }
0x37: {  	_ =	swait.ge [sflag:s23], $0x80  }
0x38: {  	[sflag:s23] =	ssyncset.done $0x0  }
0x39: {  	s2 =	simm.s32 $0x2900;
	[sflag:s23] =	ssyncadd.s32 $0xFFFFFF80  }
0x3a: {  	[spmem:s3] =	stream.indirect.scatter.add.f32 [tilespmem:s18], [sflag:$0x5], $0x1, s2, s14, $0xb8;
	[tilespmem:$0x5480] =	vst v63  }
0x3b: {  	_ =	swait.ge [sflag:s12], $0x80  }
0x3c: {  	[sflag:s12] =	ssyncset.done $0x0  }
0x3d: {  	s2 =	simm.s32 $0x300;
	[sflag:s12] =	ssyncadd.s32 $0xFFFFFF80  }
0x3e: {  	[tilespmem:s18], [sflag:$0x3] =	stream.indirect.gather [hbm4b:s1+s14], $0x1, s2, s14, $0xb8;
	[tilespmem:$0x5480] =	vst v63  }
0x3f: {  	_ =	swait.ge [sflag:s24], $0x80  }
0x40: {  	[sflag:s24] =	ssyncset.done $0x0  }
0x41: {  	s2 =	simm.s32 $0x2980;
	[sflag:s24] =	ssyncadd.s32 $0xFFFFFF80  }
0x42: {  	[spmem:s3] =	stream.indirect.scatter.add.f32 [tilespmem:s20], [sflag:$0x5], $0x1, s2, s14, $0xb8;
	[tilespmem:$0x5480] =	vst v63  }
0x43: {  	_ =	swait.ge [sflag:s12], $0x80  }
0x44: {  	[sflag:s12] =	ssyncset.done $0x0  }
0x45: {  	s31 =	simm.s32 $0x800;
	s0 =	simm.s32 $0x380;
	[sflag:s12] =	ssyncadd.s32 $0xFFFFFF80  }
.LBB2_2:
0x46: {  	[tilespmem:s20], [sflag:$0x4] =	stream.indirect.gather [hbm4b:s1+s14], $0x1, s0, s14, $0xb8;
	[tilespmem:$0x5480] =	vst v63  }
0x47: {  	s0 =	smov.u32 s31  }
0x48: {  	p0 =	sne.s32 s31, $0x9000;
	s31 =	sadd.s32 $0x800, s31;
	_ =	swait.ge [sflag:s21], $0x80  }
0x49: {  	s0 =	sshra.s32 s0, $0x2;
	[sflag:s21] =	ssyncset.done $0x0  }
0x4a: {  	s2 =	sadd.s32 $0x2800, s0;
	[sflag:s21] =	ssyncadd.s32 $0xFFFFFF80  }
0x4b: {  	[spmem:s3] =	stream.indirect.scatter.add.f32 [tilespmem:s15], [sflag:$0x5], $0x1, s2, s14, $0xb8;
	[tilespmem:$0x5480] =	vst v63  }
0x4c: {  	_ =	swait.ge [sflag:s12], $0x80  }
0x4d: {  	[sflag:s12] =	ssyncset.done $0x0  }
0x4e: {  	s2 =	sadd.s32 $0x200, s0;
	[sflag:s12] =	ssyncadd.s32 $0xFFFFFF80  }
0x4f: {  	[tilespmem:s15], [sflag:$0x1] =	stream.indirect.gather [hbm4b:s1+s14], $0x1, s2, s14, $0xb8;
	[tilespmem:$0x5480] =	vst v63  }
0x50: {  	_ =	swait.ge [sflag:s22], $0x80  }
0x51: {  	[sflag:s22] =	ssyncset.done $0x0  }
0x52: {  	s2 =	sadd.s32 $0x2880, s0;
	[sflag:s22] =	ssyncadd.s32 $0xFFFFFF80  }
0x53: {  	[spmem:s3] =	stream.indirect.scatter.add.f32 [tilespmem:s16], [sflag:$0x5], $0x1, s2, s14, $0xb8;
	[tilespmem:$0x5480] =	vst v63  }
0x54: {  	_ =	swait.ge [sflag:s12], $0x80  }
0x55: {  	[sflag:s12] =	ssyncset.done $0x0  }
0x56: {  	s2 =	sadd.s32 $0x280, s0;
	[sflag:s12] =	ssyncadd.s32 $0xFFFFFF80  }
0x57: {  	[tilespmem:s16], [sflag:$0x2] =	stream.indirect.gather [hbm4b:s1+s14], $0x1, s2, s14, $0xb8;
	[tilespmem:$0x5480] =	vst v63  }
0x58: {  	_ =	swait.ge [sflag:s23], $0x80  }
0x59: {  	[sflag:s23] =	ssyncset.done $0x0  }
0x5a: {  	s2 =	sadd.s32 $0x2900, s0;
	[sflag:s23] =	ssyncadd.s32 $0xFFFFFF80  }
0x5b: {  	[spmem:s3] =	stream.indirect.scatter.add.f32 [tilespmem:s18], [sflag:$0x5], $0x1, s2, s14, $0xb8;
	[tilespmem:$0x5480] =	vst v63  }
0x5c: {  	_ =	swait.ge [sflag:s12], $0x80  }
0x5d: {  	[sflag:s12] =	ssyncset.done $0x0  }
0x5e: {  	s2 =	sadd.s32 $0x300, s0;
	[sflag:s12] =	ssyncadd.s32 $0xFFFFFF80  }
0x5f: {  	[tilespmem:s18], [sflag:$0x3] =	stream.indirect.gather [hbm4b:s1+s14], $0x1, s2, s14, $0xb8;
	[tilespmem:$0x5480] =	vst v63  }
0x60: {  	_ =	swait.ge [sflag:s24], $0x80  }
0x61: {  	[sflag:s24] =	ssyncset.done $0x0  }
.Ltmp0:
0x62: {  	s2 =	sadd.s32 $0x2980, s0;
	[sflag:s24] =	ssyncadd.s32 $0xFFFFFF80;
	(pc) =	sbr.rel @p0 .LBB2_2-.Ltmp0, $4  }
0x63: {  	[spmem:s3] =	stream.indirect.scatter.add.f32 [tilespmem:s20], [sflag:$0x5], $0x1, s2, s14, $0xb8;
	[tilespmem:$0x5480] =	vst v63  }
0x64: {  	_ =	swait.ge [sflag:s12], $0x80  }
0x65: {  	[sflag:s12] =	ssyncset.done $0x0  }
0x66: {  	s0 =	sadd.s32 $0x380, s0;
	[sflag:s12] =	ssyncadd.s32 $0xFFFFFF80  }
0x67: {  	[tilespmem:s20], [sflag:$0x4] =	stream.indirect.gather [hbm4b:s1+s14], $0x1, s0, s14, $0xb8;
	[tilespmem:$0x5480] =	vst v63  }
0x68: {  	_ =	swait.ge [sflag:s21], $0x80  }
0x69: {  	[sflag:s21] =	ssyncset.done $0x0  }
0x6a: {  	[sflag:s21] =	ssyncadd.s32 $0xFFFFFF80  }
0x6b: {  	[spmem:s3] =	stream.indirect.scatter.add.f32 [tilespmem:s15], [sflag:$0x5], $0x1, s25, s14, $0xb8;
	[tilespmem:$0x5480] =	vst v63  }
0x6c: {  	_ =	swait.ge [sflag:s12], $0x80  }
0x6d: {  	[sflag:s12] =	ssyncset.done $0x0  }
0x6e: {  	[sflag:s12] =	ssyncadd.s32 $0xFFFFFF80  }
0x6f: {  	_ =	swait.ge [sflag:s22], $0x80  }
0x70: {  	[sflag:s22] =	ssyncset.done $0x0  }
0x71: {  	[sflag:s22] =	ssyncadd.s32 $0xFFFFFF80  }
0x72: {  	[spmem:s3] =	stream.indirect.scatter.add.f32 [tilespmem:s16], [sflag:$0x5], $0x1, s26, s14, $0xb8;
	[tilespmem:$0x5480] =	vst v63  }
0x73: {  	_ =	swait.ge [sflag:s12], $0x80  }
0x74: {  	[sflag:s12] =	ssyncset.done $0x0  }
0x75: {  	[sflag:s12] =	ssyncadd.s32 $0xFFFFFF80  }
0x76: {  	_ =	swait.ge [sflag:s23], $0x80  }
0x77: {  	[sflag:s23] =	ssyncset.done $0x0  }
0x78: {  	[sflag:s23] =	ssyncadd.s32 $0xFFFFFF80  }
0x79: {  	[spmem:s3] =	stream.indirect.scatter.add.f32 [tilespmem:s18], [sflag:$0x5], $0x1, s28, s14, $0xb8;
	[tilespmem:$0x5480] =	vst v63  }
0x7a: {  	_ =	swait.ge [sflag:s12], $0x80  }
0x7b: {  	[sflag:s12] =	ssyncset.done $0x0  }
0x7c: {  	[sflag:s12] =	ssyncadd.s32 $0xFFFFFF80  }
0x7d: {  	_ =	swait.ge [sflag:s24], $0x80  }
0x7e: {  	[sflag:s24] =	ssyncset.done $0x0  }
0x7f: {  	[sflag:s24] =	ssyncadd.s32 $0xFFFFFF80  }
0x80: {  	[spmem:s3] =	stream.indirect.scatter.add.f32 [tilespmem:s20], [sflag:$0x5], $0x1, s29, s14, $0xb8;
	[tilespmem:$0x5480] =	vst v63  }
0x81: {  	_ =	swait.ge [sflag:s12], $0x80  }
0x82: {  	s30 =	sadd.s32 $0x1, s30;
	[sflag:s12] =	ssyncset.done $0x0  }
0x83: {  	p0 =	sne.s32 s30, s10;
	[sflag:s12] =	ssyncadd.s32 $0xFFFFFF80  }
.Ltmp1:
0x84: {  	[bflag:$0x0] =	sbarrier.arrive $0xFFFF;
	(pc) =	sbr.rel @p0 .LBB2_1-.Ltmp1, $4  }
0x85: {  	[hbm:s9], [sflag:s6] =	dma.local [spmem:s11], $0x50  }
0x86: {  	_ =	swait.ge [sflag:s12], $0x50  }
0x87: {  	[sflag:s12] =	ssyncset.done $0x0  }
0x88: {  	[sflag:s12] =	ssyncadd.s32 $0xFFFFFFB0  }
0x89: {  	_ =	sfence.sel $0x180000  }
0x8a: {  	[bflag:$0x0] =	sbarrier.arrive $0xFFFF  }
0x8b: {  	_ =	strace $0x90000050  }
0x8c: {  	s0 =	stileid.u32;
	[bflag:$0x2] =	sbarrier.arrive $0xFFFF  }
0x8d: {  	p0 =	sne.s32 s0, $0x0;
	s0 =	rddreg [dreg:$0x3]  }
0x8e: {  	s0 =	sadd.s32 @!p0 $0x100000, s0  }
0x8f: {  	[sflag:s0] =	ssyncadd.tile.s32 @!p0 $0x1;
	_ =	shalt  }
.Lfunc_end2:
_tile_overlayer_lowered:
.L_overlay_start_2:
0x90: {  	(tag) =	ssettag $0x2  }
0x91: {  	s0 =	rddreg [dreg:$0x0];
	s2 =	stileid.u32  }
0x92: {  	s1 =	rddreg [dreg:$0x1];
	p0 =	sne.s32 s2, $0x0  }
0x93: {  	s3 =	rddreg [dreg:$0x2];
	[bflag:$0x3] =	sbarrier.arrive $0xFFFF;
	s2 =	simm.s32 @!p0 $0x1C05  }
0x94: {  	[timem:s3], [sflag:s2] =	dma.local @!p0 [hbm:s0], s1  }
0x95: {  	s0 =	simm.s32 @!p0 $0x5  }
0x96: {  	_ =	swait.ge @!p0 [sflag:s0], s1  }
0x97: {  	s1 =	ssub.s32 @!p0 $0x0, s1;
	[sflag:s0] =	ssyncset.done @!p0 $0x0  }
0x98: {  	[sflag:s0] =	ssyncadd.s32 @!p0 s1  }
0x99: {  	[bflag:$0x3] =	sbarrier.arrive $0xFFFF  }
0x9a: {  	_ =	shalt  }

</sc_bundles>
